<compile_context>
chip_gen: v7x
topology: tpu7x:2x2x1
jax: 0.10.2.dev20260603
libtpu: 0.0.44.dev20260713+nightly
codegen_flags: <defaults>
</compile_context>

<pallas_src>
import functools

import jax
import jax.numpy as jnp
from jax import lax
from jax.experimental import pallas as pl
from jax.experimental.pallas import tpu as pltpu
from jax.experimental.pallas import tpu_sc as plsc

_BATCH = 16384
_EMBED_DIM = 64
_CHUNK = 128
_LANES = 16
_DEPTH = 8


@functools.cache
def _build(num_user: int):
    info = plsc.get_sparse_core_info()
    num_workers = info.num_cores * info.num_subcores
    b_per_w = _BATCH // num_workers
    n_chunks = b_per_w // _CHUNK
    n_groups = b_per_w // _LANES
    groups_per_chunk = _CHUNK // _LANES
    mesh = plsc.VectorSubcoreMesh(core_axis_name="c", subcore_axis_name="s")

    @functools.partial(
        pl.kernel,
        mesh=mesh,
        out_type=jax.ShapeDtypeStruct((_EMBED_DIM, _BATCH), jnp.float32),
        scratch_types=[
            pltpu.VMEM((n_chunks, _CHUNK), jnp.int32),
            pltpu.VMEM((_DEPTH, _EMBED_DIM, _CHUNK), jnp.float32),
            pltpu.VMEM((_EMBED_DIM, _CHUNK), jnp.float32),
            [pltpu.SemaphoreType.DMA] * _DEPTH,
        ],
        compiler_params=pltpu.CompilerParams(needs_layout_passes=False),
    )
    def gather_kernel(idx_hbm, table_hbm, out_hbm, idx_v, slots_v, stage_v,
                      sems):
        wid = lax.axis_index("s") * info.num_cores + lax.axis_index("c")
        base = wid * b_per_w
        pltpu.sync_copy(idx_hbm.at[pl.ds(wid * n_chunks, n_chunks)], idx_v)

        lane16 = lax.iota(jnp.int32, _LANES)

        def fire(slot, r):
            colbase = pl.multiple_of((r >> 7) * _CHUNK, _CHUNK)
            pltpu.async_copy(
                table_hbm.at[:, pl.ds(colbase, _CHUNK)],
                slots_v.at[slot],
                sems[slot],
            )

        def wait(slot):
            pltpu.make_async_copy(
                table_hbm.at[:, pl.ds(0, _CHUNK)],
                slots_v.at[slot],
                sems[slot],
            ).wait()

        def load_group(g):
            return idx_v[g // groups_per_chunk,
                         pl.ds((g % groups_per_chunk) * _LANES, _LANES)]

        rvec0 = load_group(0)
        for l in range(_DEPTH):
            fire(l, rvec0[l])

        def body(g, rvec):
            rvec_next = load_group(jnp.minimum(g + 1, n_groups - 1))
            for l in range(_LANES):
                slot = l % _DEPTH
                wait(slot)
                r = rvec[l]
                col = jnp.broadcast_to(r & (_CHUNK - 1), (_LANES,))
                pos = (g % groups_per_chunk) * _LANES + l
                posv = jnp.broadcast_to(pos, (_LANES,))
                for k in range(_EMBED_DIM // _LANES):
                    rows = lane16 + k * _LANES
                    val = plsc.load_gather(slots_v.at[slot], [rows, col])
                    plsc.store_scatter(stage_v, [rows, posv], val)
                if l < _LANES - _DEPTH:
                    fire(slot, rvec[l + _DEPTH])
                else:

                    @pl.when(g < n_groups - 1)
                    def _():
                        fire(slot, rvec_next[l - (_LANES - _DEPTH)])

            @pl.when(g % groups_per_chunk == groups_per_chunk - 1)
            def _():
                colout = pl.multiple_of(
                    base + (g // groups_per_chunk) * _CHUNK, _CHUNK)
                pltpu.sync_copy(
                    stage_v, out_hbm.at[:, pl.ds(colout, _CHUNK)])

            return rvec_next

        lax.fori_loop(0, n_groups, body, rvec0)

    return gather_kernel


def kernel(user_fea, embedding_user):
    idx = user_fea[:, 0].astype(jnp.int32).reshape(_BATCH // _CHUNK, _CHUNK)
    out_t = _build(embedding_user.shape[0])(idx, embedding_user.T)
    return out_t.T

# --- scband reference (transcript-rebuilt; emitter-appended) ---
"""Pipeline reference for scband-amazon-user-75393855914020 (READ-ONLY COPY).

The authoritative reference and input builder live on the scoring server;
editing this copy changes nothing except your own understanding.
"""

import jax, jax.numpy as jnp
import numpy as np

NUM_USER = 1000000
EMBED_DIM = 64
BATCH = 16384

def setup_inputs(seed: int = 0) -> dict:
    key = jax.random.key(seed)
    k1, k2 = jax.random.split(key)
    user_fea = jax.random.randint(k1, (BATCH, 4), 0, NUM_USER, dtype=jnp.int64 if jax.config.jax_enable_x64 else jnp.int32)
    embedding_user = jax.random.normal(k2, (NUM_USER, EMBED_DIM), dtype=jnp.float32) * 0.02
    return {"user_fea": user_fea, "embedding_user": embedding_user}

def reference(user_fea, embedding_user):
    # user_idx = user_fea[:, 0].long(); user_emb = embedding_user(user_idx)
    user_idx = user_fea[:, 0].astype(jnp.int32)
    user_emb = jnp.take(embedding_user, user_idx, axis=0)
    return user_emb

if __name__ == "__main__":
    import jax
    _d = setup_inputs()
    print(jax.jit(kernel)(*tuple(_d.values())))

</pallas_src>

<mosaic_0001>
#map = affine_map<(d0, d1) -> (0, 0)>
module attributes {stable_mosaic.version = 14 : i64} {
  func.func @gather_kernel(%arg0: i32, %arg1: i32, %arg2: memref<128x128xi32, #tpu.memory_space<hbm>>, %arg3: memref<64x1000000xf32, #tpu.memory_space<hbm>>, %arg4: memref<64x16384xf32, #tpu.memory_space<hbm>>, %arg5: memref<4x128xi32, #tpu.memory_space<vmem>>, %arg6: memref<8x64x128xf32, #tpu.memory_space<vmem>>, %arg7: memref<64x128xf32, #tpu.memory_space<vmem>>, %arg8: memref<!tpu.dma_semaphore, #tpu.memory_space<semaphore_mem>>, %arg9: memref<!tpu.dma_semaphore, #tpu.memory_space<semaphore_mem>>, %arg10: memref<!tpu.dma_semaphore, #tpu.memory_space<semaphore_mem>>, %arg11: memref<!tpu.dma_semaphore, #tpu.memory_space<semaphore_mem>>, %arg12: memref<!tpu.dma_semaphore, #tpu.memory_space<semaphore_mem>>, %arg13: memref<!tpu.dma_semaphore, #tpu.memory_space<semaphore_mem>>, %arg14: memref<!tpu.dma_semaphore, #tpu.memory_space<semaphore_mem>>, %arg15: memref<!tpu.dma_semaphore, #tpu.memory_space<semaphore_mem>>) attributes {dimension_semantics = [#tpu.dimension_semantics<core_parallel>, #tpu.dimension_semantics<subcore_parallel>], iteration_bounds = array<i64: 2, 16>, scalar_prefetch = 0 : i64, scratch_operands = 11 : i64, tpu.core_type = #tpu.core_type<sc_vector_subcore>, window_params = [{transform_indices = #map}, {transform_indices = #map}, {transform_indices = #map}]} {
    %mul3A = arith.constant 2 : i32
    %mul3A_0 = arith.muli %arg1, %mul3A : i32
    %add3A = arith.addi %mul3A_0, %arg0 : i32
    %mul3A_1 = arith.constant 512 : i32
    %mul3A_2 = arith.muli %add3A, %mul3A_1 : i32
    %mul3A_3 = arith.constant 4 : i32
    %mul3A_4 = arith.muli %add3A, %mul3A_3 : i32
    "tpu.region"() ({
      %run_scoped3A = tpu.sem_alloc : memref<!tpu.dma_semaphore, #tpu.memory_space<semaphore_mem>>
      %dma_start3A_168 = arith.constant 0 : i32
      %dma_start3A_169 = tpu.memref_slice %arg2[%mul3A_4, %dma_start3A_168] : memref<128x128xi32, #tpu.memory_space<hbm>> -> memref<4x128xi32, #tpu.memory_space<hbm>>
      %dma_start3A_170 = arith.constant 0 : i32
      %dma_start3A_171 = tpu.memref_slice %arg2[%mul3A_4, %dma_start3A_170] : memref<128x128xi32, #tpu.memory_space<hbm>> -> memref<4x128xi32, #tpu.memory_space<hbm>>
      tpu.enqueue_dma source(%dma_start3A_171 : memref<4x128xi32, #tpu.memory_space<hbm>>) target(%arg5 : memref<4x128xi32, #tpu.memory_space<vmem>>) target_semaphore(%run_scoped3A : memref<!tpu.dma_semaphore, #tpu.memory_space<semaphore_mem>>)
      %dma_wait3A = arith.constant 0 : i32
      %dma_wait3A_172 = tpu.memref_slice %arg2[%mul3A_4, %dma_wait3A] : memref<128x128xi32, #tpu.memory_space<hbm>> -> memref<4x128xi32, #tpu.memory_space<hbm>>
      %dma_wait3A_173 = arith.constant 0 : i32
      %dma_wait3A_174 = tpu.memref_slice %arg2[%mul3A_4, %dma_wait3A_173] : memref<128x128xi32, #tpu.memory_space<hbm>> -> memref<4x128xi32, #tpu.memory_space<hbm>>
      tpu.wait_dma2 semaphore(%run_scoped3A : memref<!tpu.dma_semaphore, #tpu.memory_space<semaphore_mem>>) src(%dma_wait3A_174 : memref<4x128xi32, #tpu.memory_space<hbm>>) dst(%arg5 : memref<4x128xi32, #tpu.memory_space<vmem>>)
      tpu.yield
    }) : () -> ()
    %iota3A = tpu.iota {dimensions = array<i32: 0>} : vector<16xi32>
    %get3A = arith.constant 0 : i32
    %get3A_5 = arith.index_cast %get3A : i32 to index
    %get3A_6 = arith.constant 0 : index
    %get3A_7 = tpu.vector_load %arg5[%get3A_5, %get3A_6] {strides = array<i32>} : memref<4x128xi32, #tpu.memory_space<vmem>>, vector<16xi32>,
    %slice3A = vector.extract_strided_slice %get3A_7 {offsets = [0], sizes = [1], strides = [1]} : vector<16xi32> to vector<1xi32>
    %squeeze3A = vector.extract %slice3A[0] : i32 from vector<1xi32>
    %shift_right_arithmetic3A = arith.constant 7 : i32
    %shift_right_arithmetic3A_8 = arith.shrsi %squeeze3A, %shift_right_arithmetic3A : i32
    %mul3A_9 = arith.constant 128 : i32
    %mul3A_10 = arith.muli %shift_right_arithmetic3A_8, %mul3A_9 : i32
    %multiple_of3A = tpu.assume_multiple %mul3A_10, 128 : i32
    %dma_start3A = arith.constant 0 : i32
    %dma_start3A_11 = arith.constant 0 : i32
    %dma_start3A_12 = arith.constant 0 : i32
    %dma_start3A_13 = tpu.memref_slice %arg6[%dma_start3A, %dma_start3A_11, %dma_start3A_12] : memref<8x64x128xf32, #tpu.memory_space<vmem>> -> memref<1x64x128xf32, #tpu.memory_space<vmem>>
    %dma_start3A_14 = tpu.memref_squeeze %dma_start3A_13 : memref<1x64x128xf32, #tpu.memory_space<vmem>> -> memref<64x128xf32, #tpu.memory_space<vmem>>
    %dma_start3A_15 = arith.constant 0 : i32
    %dma_start3A_16 = tpu.memref_slice %arg3[%dma_start3A_15, %multiple_of3A] : memref<64x1000000xf32, #tpu.memory_space<hbm>> -> memref<64x128xf32, #tpu.memory_space<hbm>>
    %dma_start3A_17 = arith.constant 0 : i32
    %dma_start3A_18 = arith.constant 0 : i32
    %dma_start3A_19 = tpu.memref_slice %arg6[%dma_start3A, %dma_start3A_17, %dma_start3A_18] : memref<8x64x128xf32, #tpu.memory_space<vmem>> -> memref<1x64x128xf32, #tpu.memory_space<vmem>>
    %dma_start3A_20 = tpu.memref_squeeze %dma_start3A_19 : memref<1x64x128xf32, #tpu.memory_space<vmem>> -> memref<64x128xf32, #tpu.memory_space<vmem>>
    %dma_start3A_21 = arith.constant 0 : i32
    %dma_start3A_22 = tpu.memref_slice %arg3[%dma_start3A_21, %multiple_of3A] : memref<64x1000000xf32, #tpu.memory_space<hbm>> -> memref<64x128xf32, #tpu.memory_space<hbm>>
    tpu.enqueue_dma source(%dma_start3A_22 : memref<64x128xf32, #tpu.memory_space<hbm>>) target(%dma_start3A_20 : memref<64x128xf32, #tpu.memory_space<vmem>>) target_semaphore(%arg8 : memref<!tpu.dma_semaphore, #tpu.memory_space<semaphore_mem>>)
    %slice3A_23 = vector.extract_strided_slice %get3A_7 {offsets = [1], sizes = [1], strides = [1]} : vector<16xi32> to vector<1xi32>
    %squeeze3A_24 = vector.extract %slice3A_23[0] : i32 from vector<1xi32>
    %shift_right_arithmetic3A_25 = arith.constant 7 : i32
    %shift_right_arithmetic3A_26 = arith.shrsi %squeeze3A_24, %shift_right_arithmetic3A_25 : i32
    %mul3A_27 = arith.constant 128 : i32
    %mul3A_28 = arith.muli %shift_right_arithmetic3A_26, %mul3A_27 : i32
    %multiple_of3A_29 = tpu.assume_multiple %mul3A_28, 128 : i32
    %dma_start3A_30 = arith.constant 1 : i32
    %dma_start3A_31 = arith.constant 0 : i32
    %dma_start3A_32 = arith.constant 0 : i32
    %dma_start3A_33 = tpu.memref_slice %arg6[%dma_start3A_30, %dma_start3A_31, %dma_start3A_32] : memref<8x64x128xf32, #tpu.memory_space<vmem>> -> memref<1x64x128xf32, #tpu.memory_space<vmem>>
    %dma_start3A_34 = tpu.memref_squeeze %dma_start3A_33 : memref<1x64x128xf32, #tpu.memory_space<vmem>> -> memref<64x128xf32, #tpu.memory_space<vmem>>
    %dma_start3A_35 = arith.constant 0 : i32
    %dma_start3A_36 = tpu.memref_slice %arg3[%dma_start3A_35, %multiple_of3A_29] : memref<64x1000000xf32, #tpu.memory_space<hbm>> -> memref<64x128xf32, #tpu.memory_space<hbm>>
    %dma_start3A_37 = arith.constant 0 : i32
    %dma_start3A_38 = arith.constant 0 : i32
    %dma_start3A_39 = tpu.memref_slice %arg6[%dma_start3A_30, %dma_start3A_37, %dma_start3A_38] : memref<8x64x128xf32, #tpu.memory_space<vmem>> -> memref<1x64x128xf32, #tpu.memory_space<vmem>>
    %dma_start3A_40 = tpu.memref_squeeze %dma_start3A_39 : memref<1x64x128xf32, #tpu.memory_space<vmem>> -> memref<64x128xf32, #tpu.memory_space<vmem>>
    %dma_start3A_41 = arith.constant 0 : i32
    %dma_start3A_42 = tpu.memref_slice %arg3[%dma_start3A_41, %multiple_of3A_29] : memref<64x1000000xf32, #tpu.memory_space<hbm>> -> memref<64x128xf32, #tpu.memory_space<hbm>>
    tpu.enqueue_dma source(%dma_start3A_42 : memref<64x128xf32, #tpu.memory_space<hbm>>) target(%dma_start3A_40 : memref<64x128xf32, #tpu.memory_space<vmem>>) target_semaphore(%arg9 : memref<!tpu.dma_semaphore, #tpu.memory_space<semaphore_mem>>)
    %slice3A_43 = vector.extract_strided_slice %get3A_7 {offsets = [2], sizes = [1], strides = [1]} : vector<16xi32> to vector<1xi32>
    %squeeze3A_44 = vector.extract %slice3A_43[0] : i32 from vector<1xi32>
    %shift_right_arithmetic3A_45 = arith.constant 7 : i32
    %shift_right_arithmetic3A_46 = arith.shrsi %squeeze3A_44, %shift_right_arithmetic3A_45 : i32
    %mul3A_47 = arith.constant 128 : i32
    %mul3A_48 = arith.muli %shift_right_arithmetic3A_46, %mul3A_47 : i32
    %multiple_of3A_49 = tpu.assume_multiple %mul3A_48, 128 : i32
    %dma_start3A_50 = arith.constant 2 : i32
    %dma_start3A_51 = arith.constant 0 : i32
    %dma_start3A_52 = arith.constant 0 : i32
    %dma_start3A_53 = tpu.memref_slice %arg6[%dma_start3A_50, %dma_start3A_51, %dma_start3A_52] : memref<8x64x128xf32, #tpu.memory_space<vmem>> -> memref<1x64x128xf32, #tpu.memory_space<vmem>>
    %dma_start3A_54 = tpu.memref_squeeze %dma_start3A_53 : memref<1x64x128xf32, #tpu.memory_space<vmem>> -> memref<64x128xf32, #tpu.memory_space<vmem>>
    %dma_start3A_55 = arith.constant 0 : i32
    %dma_start3A_56 = tpu.memref_slice %arg3[%dma_start3A_55, %multiple_of3A_49] : memref<64x1000000xf32, #tpu.memory_space<hbm>> -> memref<64x128xf32, #tpu.memory_space<hbm>>
    %dma_start3A_57 = arith.constant 0 : i32
    %dma_start3A_58 = arith.constant 0 : i32
    %dma_start3A_59 = tpu.memref_slice %arg6[%dma_start3A_50, %dma_start3A_57, %dma_start3A_58] : memref<8x64x128xf32, #tpu.memory_space<vmem>> -> memref<1x64x128xf32, #tpu.memory_space<vmem>>
    %dma_start3A_60 = tpu.memref_squeeze %dma_start3A_59 : memref<1x64x128xf32, #tpu.memory_space<vmem>> -> memref<64x128xf32, #tpu.memory_space<vmem>>
    %dma_start3A_61 = arith.constant 0 : i32
    %dma_start3A_62 = tpu.memref_slice %arg3[%dma_start3A_61, %multiple_of3A_49] : memref<64x1000000xf32, #tpu.memory_space<hbm>> -> memref<64x128xf32, #tpu.memory_space<hbm>>
    tpu.enqueue_dma source(%dma_start3A_62 : memref<64x128xf32, #tpu.memory_space<hbm>>) target(%dma_start3A_60 : memref<64x128xf32, #tpu.memory_space<vmem>>) target_semaphore(%arg10 : memref<!tpu.dma_semaphore, #tpu.memory_space<semaphore_mem>>)
    %slice3A_63 = vector.extract_strided_slice %get3A_7 {offsets = [3], sizes = [1], strides = [1]} : vector<16xi32> to vector<1xi32>
    %squeeze3A_64 = vector.extract %slice3A_63[0] : i32 from vector<1xi32>
    %shift_right_arithmetic3A_65 = arith.constant 7 : i32
    %shift_right_arithmetic3A_66 = arith.shrsi %squeeze3A_64, %shift_right_arithmetic3A_65 : i32
    %mul3A_67 = arith.constant 128 : i32
    %mul3A_68 = arith.muli %shift_right_arithmetic3A_66, %mul3A_67 : i32
    %multiple_of3A_69 = tpu.assume_multiple %mul3A_68, 128 : i32
    %dma_start3A_70 = arith.constant 3 : i32
    %dma_start3A_71 = arith.constant 0 : i32
    %dma_start3A_72 = arith.constant 0 : i32
    %dma_start3A_73 = tpu.memref_slice %arg6[%dma_start3A_70, %dma_start3A_71, %dma_start3A_72] : memref<8x64x128xf32, #tpu.memory_space<vmem>> -> memref<1x64x128xf32, #tpu.memory_space<vmem>>
    %dma_start3A_74 = tpu.memref_squeeze %dma_start3A_73 : memref<1x64x128xf32, #tpu.memory_space<vmem>> -> memref<64x128xf32, #tpu.memory_space<vmem>>
    %dma_start3A_75 = arith.constant 0 : i32
    %dma_start3A_76 = tpu.memref_slice %arg3[%dma_start3A_75, %multiple_of3A_69] : memref<64x1000000xf32, #tpu.memory_space<hbm>> -> memref<64x128xf32, #tpu.memory_space<hbm>>
    %dma_start3A_77 = arith.constant 0 : i32
    %dma_start3A_78 = arith.constant 0 : i32
    %dma_start3A_79 = tpu.memref_slice %arg6[%dma_start3A_70, %dma_start3A_77, %dma_start3A_78] : memref<8x64x128xf32, #tpu.memory_space<vmem>> -> memref<1x64x128xf32, #tpu.memory_space<vmem>>
    %dma_start3A_80 = tpu.memref_squeeze %dma_start3A_79 : memref<1x64x128xf32, #tpu.memory_space<vmem>> -> memref<64x128xf32, #tpu.memory_space<vmem>>
    %dma_start3A_81 = arith.constant 0 : i32
    %dma_start3A_82 = tpu.memref_slice %arg3[%dma_start3A_81, %multiple_of3A_69] : memref<64x1000000xf32, #tpu.memory_space<hbm>> -> memref<64x128xf32, #tpu.memory_space<hbm>>
    tpu.enqueue_dma source(%dma_start3A_82 : memref<64x128xf32, #tpu.memory_space<hbm>>) target(%dma_start3A_80 : memref<64x128xf32, #tpu.memory_space<vmem>>) target_semaphore(%arg11 : memref<!tpu.dma_semaphore, #tpu.memory_space<semaphore_mem>>)
    %slice3A_83 = vector.extract_strided_slice %get3A_7 {offsets = [4], sizes = [1], strides = [1]} : vector<16xi32> to vector<1xi32>
    %squeeze3A_84 = vector.extract %slice3A_83[0] : i32 from vector<1xi32>
    %shift_right_arithmetic3A_85 = arith.constant 7 : i32
    %shift_right_arithmetic3A_86 = arith.shrsi %squeeze3A_84, %shift_right_arithmetic3A_85 : i32
    %mul3A_87 = arith.constant 128 : i32
    %mul3A_88 = arith.muli %shift_right_arithmetic3A_86, %mul3A_87 : i32
    %multiple_of3A_89 = tpu.assume_multiple %mul3A_88, 128 : i32
    %dma_start3A_90 = arith.constant 4 : i32
    %dma_start3A_91 = arith.constant 0 : i32
    %dma_start3A_92 = arith.constant 0 : i32
    %dma_start3A_93 = tpu.memref_slice %arg6[%dma_start3A_90, %dma_start3A_91, %dma_start3A_92] : memref<8x64x128xf32, #tpu.memory_space<vmem>> -> memref<1x64x128xf32, #tpu.memory_space<vmem>>
    %dma_start3A_94 = tpu.memref_squeeze %dma_start3A_93 : memref<1x64x128xf32, #tpu.memory_space<vmem>> -> memref<64x128xf32, #tpu.memory_space<vmem>>
    %dma_start3A_95 = arith.constant 0 : i32
    %dma_start3A_96 = tpu.memref_slice %arg3[%dma_start3A_95, %multiple_of3A_89] : memref<64x1000000xf32, #tpu.memory_space<hbm>> -> memref<64x128xf32, #tpu.memory_space<hbm>>
    %dma_start3A_97 = arith.constant 0 : i32
    %dma_start3A_98 = arith.constant 0 : i32
    %dma_start3A_99 = tpu.memref_slice %arg6[%dma_start3A_90, %dma_start3A_97, %dma_start3A_98] : memref<8x64x128xf32, #tpu.memory_space<vmem>> -> memref<1x64x128xf32, #tpu.memory_space<vmem>>
    %dma_start3A_100 = tpu.memref_squeeze %dma_start3A_99 : memref<1x64x128xf32, #tpu.memory_space<vmem>> -> memref<64x128xf32, #tpu.memory_space<vmem>>
    %dma_start3A_101 = arith.constant 0 : i32
    %dma_start3A_102 = tpu.memref_slice %arg3[%dma_start3A_101, %multiple_of3A_89] : memref<64x1000000xf32, #tpu.memory_space<hbm>> -> memref<64x128xf32, #tpu.memory_space<hbm>>
    tpu.enqueue_dma source(%dma_start3A_102 : memref<64x128xf32, #tpu.memory_space<hbm>>) target(%dma_start3A_100 : memref<64x128xf32, #tpu.memory_space<vmem>>) target_semaphore(%arg12 : memref<!tpu.dma_semaphore, #tpu.memory_space<semaphore_mem>>)
    %slice3A_103 = vector.extract_strided_slice %get3A_7 {offsets = [5], sizes = [1], strides = [1]} : vector<16xi32> to vector<1xi32>
    %squeeze3A_104 = vector.extract %slice3A_103[0] : i32 from vector<1xi32>
    %shift_right_arithmetic3A_105 = arith.constant 7 : i32
    %shift_right_arithmetic3A_106 = arith.shrsi %squeeze3A_104, %shift_right_arithmetic3A_105 : i32
    %mul3A_107 = arith.constant 128 : i32
    %mul3A_108 = arith.muli %shift_right_arithmetic3A_106, %mul3A_107 : i32
    %multiple_of3A_109 = tpu.assume_multiple %mul3A_108, 128 : i32
    %dma_start3A_110 = arith.constant 5 : i32
    %dma_start3A_111 = arith.constant 0 : i32
    %dma_start3A_112 = arith.constant 0 : i32
    %dma_start3A_113 = tpu.memref_slice %arg6[%dma_start3A_110, %dma_start3A_111, %dma_start3A_112] : memref<8x64x128xf32, #tpu.memory_space<vmem>> -> memref<1x64x128xf32, #tpu.memory_space<vmem>>
    %dma_start3A_114 = tpu.memref_squeeze %dma_start3A_113 : memref<1x64x128xf32, #tpu.memory_space<vmem>> -> memref<64x128xf32, #tpu.memory_space<vmem>>
    %dma_start3A_115 = arith.constant 0 : i32
    %dma_start3A_116 = tpu.memref_slice %arg3[%dma_start3A_115, %multiple_of3A_109] : memref<64x1000000xf32, #tpu.memory_space<hbm>> -> memref<64x128xf32, #tpu.memory_space<hbm>>
    %dma_start3A_117 = arith.constant 0 : i32
    %dma_start3A_118 = arith.constant 0 : i32
    %dma_start3A_119 = tpu.memref_slice %arg6[%dma_start3A_110, %dma_start3A_117, %dma_start3A_118] : memref<8x64x128xf32, #tpu.memory_space<vmem>> -> memref<1x64x128xf32, #tpu.memory_space<vmem>>
    %dma_start3A_120 = tpu.memref_squeeze %dma_start3A_119 : memref<1x64x128xf32, #tpu.memory_space<vmem>> -> memref<64x128xf32, #tpu.memory_space<vmem>>
    %dma_start3A_121 = arith.constant 0 : i32
    %dma_start3A_122 = tpu.memref_slice %arg3[%dma_start3A_121, %multiple_of3A_109] : memref<64x1000000xf32, #tpu.memory_space<hbm>> -> memref<64x128xf32, #tpu.memory_space<hbm>>
    tpu.enqueue_dma source(%dma_start3A_122 : memref<64x128xf32, #tpu.memory_space<hbm>>) target(%dma_start3A_120 : memref<64x128xf32, #tpu.memory_space<vmem>>) target_semaphore(%arg13 : memref<!tpu.dma_semaphore, #tpu.memory_space<semaphore_mem>>)
    %slice3A_123 = vector.extract_strided_slice %get3A_7 {offsets = [6], sizes = [1], strides = [1]} : vector<16xi32> to vector<1xi32>
    %squeeze3A_124 = vector.extract %slice3A_123[0] : i32 from vector<1xi32>
    %shift_right_arithmetic3A_125 = arith.constant 7 : i32
    %shift_right_arithmetic3A_126 = arith.shrsi %squeeze3A_124, %shift_right_arithmetic3A_125 : i32
    %mul3A_127 = arith.constant 128 : i32
    %mul3A_128 = arith.muli %shift_right_arithmetic3A_126, %mul3A_127 : i32
    %multiple_of3A_129 = tpu.assume_multiple %mul3A_128, 128 : i32
    %dma_start3A_130 = arith.constant 6 : i32
    %dma_start3A_131 = arith.constant 0 : i32
    %dma_start3A_132 = arith.constant 0 : i32
    %dma_start3A_133 = tpu.memref_slice %arg6[%dma_start3A_130, %dma_start3A_131, %dma_start3A_132] : memref<8x64x128xf32, #tpu.memory_space<vmem>> -> memref<1x64x128xf32, #tpu.memory_space<vmem>>
    %dma_start3A_134 = tpu.memref_squeeze %dma_start3A_133 : memref<1x64x128xf32, #tpu.memory_space<vmem>> -> memref<64x128xf32, #tpu.memory_space<vmem>>
    %dma_start3A_135 = arith.constant 0 : i32
    %dma_start3A_136 = tpu.memref_slice %arg3[%dma_start3A_135, %multiple_of3A_129] : memref<64x1000000xf32, #tpu.memory_space<hbm>> -> memref<64x128xf32, #tpu.memory_space<hbm>>
    %dma_start3A_137 = arith.constant 0 : i32
    %dma_start3A_138 = arith.constant 0 : i32
    %dma_start3A_139 = tpu.memref_slice %arg6[%dma_start3A_130, %dma_start3A_137, %dma_start3A_138] : memref<8x64x128xf32, #tpu.memory_space<vmem>> -> memref<1x64x128xf32, #tpu.memory_space<vmem>>
    %dma_start3A_140 = tpu.memref_squeeze %dma_start3A_139 : memref<1x64x128xf32, #tpu.memory_space<vmem>> -> memref<64x128xf32, #tpu.memory_space<vmem>>
    %dma_start3A_141 = arith.constant 0 : i32
    %dma_start3A_142 = tpu.memref_slice %arg3[%dma_start3A_141, %multiple_of3A_129] : memref<64x1000000xf32, #tpu.memory_space<hbm>> -> memref<64x128xf32, #tpu.memory_space<hbm>>
    tpu.enqueue_dma source(%dma_start3A_142 : memref<64x128xf32, #tpu.memory_space<hbm>>) target(%dma_start3A_140 : memref<64x128xf32, #tpu.memory_space<vmem>>) target_semaphore(%arg14 : memref<!tpu.dma_semaphore, #tpu.memory_space<semaphore_mem>>)
    %slice3A_143 = vector.extract_strided_slice %get3A_7 {offsets = [7], sizes = [1], strides = [1]} : vector<16xi32> to vector<1xi32>
    %squeeze3A_144 = vector.extract %slice3A_143[0] : i32 from vector<1xi32>
    %shift_right_arithmetic3A_145 = arith.constant 7 : i32
    %shift_right_arithmetic3A_146 = arith.shrsi %squeeze3A_144, %shift_right_arithmetic3A_145 : i32
    %mul3A_147 = arith.constant 128 : i32
    %mul3A_148 = arith.muli %shift_right_arithmetic3A_146, %mul3A_147 : i32
    %multiple_of3A_149 = tpu.assume_multiple %mul3A_148, 128 : i32
    %dma_start3A_150 = arith.constant 7 : i32
    %dma_start3A_151 = arith.constant 0 : i32
    %dma_start3A_152 = arith.constant 0 : i32
    %dma_start3A_153 = tpu.memref_slice %arg6[%dma_start3A_150, %dma_start3A_151, %dma_start3A_152] : memref<8x64x128xf32, #tpu.memory_space<vmem>> -> memref<1x64x128xf32, #tpu.memory_space<vmem>>
    %dma_start3A_154 = tpu.memref_squeeze %dma_start3A_153 : memref<1x64x128xf32, #tpu.memory_space<vmem>> -> memref<64x128xf32, #tpu.memory_space<vmem>>
    %dma_start3A_155 = arith.constant 0 : i32
    %dma_start3A_156 = tpu.memref_slice %arg3[%dma_start3A_155, %multiple_of3A_149] : memref<64x1000000xf32, #tpu.memory_space<hbm>> -> memref<64x128xf32, #tpu.memory_space<hbm>>
    %dma_start3A_157 = arith.constant 0 : i32
    %dma_start3A_158 = arith.constant 0 : i32
    %dma_start3A_159 = tpu.memref_slice %arg6[%dma_start3A_150, %dma_start3A_157, %dma_start3A_158] : memref<8x64x128xf32, #tpu.memory_space<vmem>> -> memref<1x64x128xf32, #tpu.memory_space<vmem>>
    %dma_start3A_160 = tpu.memref_squeeze %dma_start3A_159 : memref<1x64x128xf32, #tpu.memory_space<vmem>> -> memref<64x128xf32, #tpu.memory_space<vmem>>
    %dma_start3A_161 = arith.constant 0 : i32
    %dma_start3A_162 = tpu.memref_slice %arg3[%dma_start3A_161, %multiple_of3A_149] : memref<64x1000000xf32, #tpu.memory_space<hbm>> -> memref<64x128xf32, #tpu.memory_space<hbm>>
    tpu.enqueue_dma source(%dma_start3A_162 : memref<64x128xf32, #tpu.memory_space<hbm>>) target(%dma_start3A_160 : memref<64x128xf32, #tpu.memory_space<vmem>>) target_semaphore(%arg15 : memref<!tpu.dma_semaphore, #tpu.memory_space<semaphore_mem>>)
    %scan3A = arith.constant 0 : i32
    %scan3A_163 = arith.constant 32 : i32
    %scan3A_164 = arith.addi %scan3A, %scan3A_163 : i32
    %scan3A_165 = arith.constant 1 : i32
    %scan3A_166 = scf.for %scan3A_168 = %scan3A to %scan3A_164 step %scan3A_165 iter_args(%scan3A_169 = %get3A_7) -> (vector<16xi32>)  : i32 {
      %add3A_170 = arith.constant 1 : i32
      %add3A_171 = arith.addi %scan3A_168, %add3A_170 : i32
      %min3A = arith.constant 31 : i32
      %min3A_172 = arith.minsi %add3A_171, %min3A : i32
      %jit3A = arith.constant 8 : i32
      %div3A = arith.divsi %min3A_172, %jit3A : i32
      %sign3A = arith.constant 0 : i32
      %sign3A_173 = arith.cmpi sgt, %min3A_172, %sign3A : i32
      %sign3A_174 = arith.extui %sign3A_173 : i1 to i32
      %sign3A_175 = arith.constant 0 : i32
      %sign3A_176 = arith.cmpi slt, %min3A_172, %sign3A_175 : i32
      %sign3A_177 = arith.extui %sign3A_176 : i1 to i32
      %sign3A_178 = arith.subi %sign3A_174, %sign3A_177 : i32
      %sign3A_179 = arith.constant 0 : i32
      %sign3A_180 = arith.cmpi sgt, %jit3A, %sign3A_179 : i32
      %sign3A_181 = arith.extui %sign3A_180 : i1 to i32
      %sign3A_182 = arith.constant 0 : i32
      %sign3A_183 = arith.cmpi slt, %jit3A, %sign3A_182 : i32
      %sign3A_184 = arith.extui %sign3A_183 : i1 to i32
      %sign3A_185 = arith.subi %sign3A_181, %sign3A_184 : i32
      %ne3A = arith.cmpi ne, %sign3A_178, %sign3A_185 : i32
      %rem3A = arith.remsi %min3A_172, %jit3A : i32
      %ne3A_186 = arith.constant 0 : i32
      %ne3A_187 = arith.cmpi ne, %rem3A, %ne3A_186 : i32
      %and3A = arith.andi %ne3A, %ne3A_187 : i1
      %sub3A = arith.constant 1 : i32
      %sub3A_188 = arith.subi %div3A, %sub3A : i32
      %select_n3A = arith.select %and3A, %sub3A_188, %div3A : i32
      %jit3A_189 = arith.constant 8 : i32
      %eq3A = arith.constant 0 : i32
      %eq3A_190 = arith.cmpi eq, %jit3A_189, %eq3A : i32
      %jit3A_191 = arith.constant 1 : i32
      %select_n3A_192 = arith.select %eq3A_190, %jit3A_191, %jit3A_189 : i32
      %rem3A_193 = arith.remsi %min3A_172, %select_n3A_192 : i32
      %ne3A_194 = arith.constant 0 : i32
      %ne3A_195 = arith.cmpi ne, %rem3A_193, %ne3A_194 : i32
      %lt3A = arith.constant 0 : i32
      %lt3A_196 = arith.cmpi slt, %rem3A_193, %lt3A : i32
      %lt3A_197 = arith.constant 0 : i32
      %lt3A_198 = arith.cmpi slt, %select_n3A_192, %lt3A_197 : i32
      %ne3A_199 = arith.xori %lt3A_196, %lt3A_198 : i1
      %and3A_200 = arith.andi %ne3A_199, %ne3A_195 : i1
      %add3A_201 = arith.addi %rem3A_193, %select_n3A_192 : i32
      %select_n3A_202 = arith.select %and3A_200, %add3A_201, %rem3A_193 : i32
      %mul3A_203 = arith.constant 16 : i32
      %mul3A_204 = arith.muli %select_n3A_202, %mul3A_203 : i32
      %get3A_205 = arith.index_cast %select_n3A : i32 to index
      %get3A_206 = arith.index_cast %mul3A_204 : i32 to index
      %get3A_207 = tpu.vector_load %arg5[%get3A_205, %get3A_206] {strides = array<i32>} : memref<4x128xi32, #tpu.memory_space<vmem>>, vector<16xi32>,
      %dma_wait3A = arith.constant 0 : i32
      %dma_wait3A_208 = arith.constant 0 : i32
      %dma_wait3A_209 = arith.constant 0 : i32
      %dma_wait3A_210 = tpu.memref_slice %arg6[%dma_wait3A, %dma_wait3A_208, %dma_wait3A_209] : memref<8x64x128xf32, #tpu.memory_space<vmem>> -> memref<1x64x128xf32, #tpu.memory_space<vmem>>
      %dma_wait3A_211 = tpu.memref_squeeze %dma_wait3A_210 : memref<1x64x128xf32, #tpu.memory_space<vmem>> -> memref<64x128xf32, #tpu.memory_space<vmem>>
      %dma_wait3A_212 = arith.constant 0 : i32
      %dma_wait3A_213 = arith.constant 0 : i32
      %dma_wait3A_214 = tpu.memref_slice %arg3[%dma_wait3A_212, %dma_wait3A_213] : memref<64x1000000xf32, #tpu.memory_space<hbm>> -> memref<64x128xf32, #tpu.memory_space<hbm>>
      %dma_wait3A_215 = arith.constant 0 : i32
      %dma_wait3A_216 = arith.constant 0 : i32
      %dma_wait3A_217 = tpu.memref_slice %arg6[%dma_wait3A, %dma_wait3A_215, %dma_wait3A_216] : memref<8x64x128xf32, #tpu.memory_space<vmem>> -> memref<1x64x128xf32, #tpu.memory_space<vmem>>
      %dma_wait3A_218 = tpu.memref_squeeze %dma_wait3A_217 : memref<1x64x128xf32, #tpu.memory_space<vmem>> -> memref<64x128xf32, #tpu.memory_space<vmem>>
      %dma_wait3A_219 = arith.constant 0 : i32
      %dma_wait3A_220 = arith.constant 0 : i32
      %dma_wait3A_221 = tpu.memref_slice %arg3[%dma_wait3A_219, %dma_wait3A_220] : memref<64x1000000xf32, #tpu.memory_space<hbm>> -> memref<64x128xf32, #tpu.memory_space<hbm>>
      tpu.wait_dma2 semaphore(%arg8 : memref<!tpu.dma_semaphore, #tpu.memory_space<semaphore_mem>>) src(%dma_wait3A_221 : memref<64x128xf32, #tpu.memory_space<hbm>>) dst(%dma_wait3A_218 : memref<64x128xf32, #tpu.memory_space<vmem>>)
      %slice3A_222 = vector.extract_strided_slice %scan3A_169 {offsets = [0], sizes = [1], strides = [1]} : vector<16xi32> to vector<1xi32>
      %squeeze3A_223 = vector.extract %slice3A_222[0] : i32 from vector<1xi32>
      %and3A_224 = arith.constant 127 : i32
      %and3A_225 = arith.andi %squeeze3A_223, %and3A_224 : i32
      %broadcast_in_dim3A = vector.broadcast %and3A_225 : i32 to vector<16xi32>
      %jit3A_226 = arith.constant 8 : i32
      %eq3A_227 = arith.constant 0 : i32
      %eq3A_228 = arith.cmpi eq, %jit3A_226, %eq3A_227 : i32
      %jit3A_229 = arith.constant 1 : i32
      %select_n3A_230 = arith.select %eq3A_228, %jit3A_229, %jit3A_226 : i32
      %rem3A_231 = arith.remsi %scan3A_168, %select_n3A_230 : i32
      %ne3A_232 = arith.constant 0 : i32
      %ne3A_233 = arith.cmpi ne, %rem3A_231, %ne3A_232 : i32
      %lt3A_234 = arith.constant 0 : i32
      %lt3A_235 = arith.cmpi slt, %rem3A_231, %lt3A_234 : i32
      %lt3A_236 = arith.constant 0 : i32
      %lt3A_237 = arith.cmpi slt, %select_n3A_230, %lt3A_236 : i32
      %ne3A_238 = arith.xori %lt3A_235, %lt3A_237 : i1
      %and3A_239 = arith.andi %ne3A_238, %ne3A_233 : i1
      %add3A_240 = arith.addi %rem3A_231, %select_n3A_230 : i32
      %select_n3A_241 = arith.select %and3A_239, %add3A_240, %rem3A_231 : i32
      %mul3A_242 = arith.constant 16 : i32
      %mul3A_243 = arith.muli %select_n3A_241, %mul3A_242 : i32
      %add3A_244 = arith.constant 0 : i32
      %add3A_245 = arith.addi %mul3A_243, %add3A_244 : i32
      %broadcast_in_dim3A_246 = vector.broadcast %add3A_245 : i32 to vector<16xi32>
      %add3A_247 = arith.constant 0 : i32
      %add3A_248 = vector.broadcast %add3A_247 : i32 to vector<16xi32>
      %add3A_249 = arith.addi %iota3A, %add3A_248 : vector<16xi32>
      %gather3A = arith.constant 0 : i32
      %gather3A_250 = arith.constant 0 : i32
      %gather3A_251 = arith.constant 0 : i32
      %gather3A_252 = tpu.memref_slice %arg6[%gather3A, %gather3A_250, %gather3A_251] : memref<8x64x128xf32, #tpu.memory_space<vmem>> -> memref<1x64x128xf32, #tpu.memory_space<vmem>>
      %gather3A_253 = tpu.memref_squeeze %gather3A_252 : memref<1x64x128xf32, #tpu.memory_space<vmem>> -> memref<64x128xf32, #tpu.memory_space<vmem>>
      %gather3A_254 = tpu.vector_load_idx %gather3A_253[%add3A_249, %broadcast_in_dim3A] : memref<64x128xf32, #tpu.memory_space<vmem>>[vector<16xi32>, vector<16xi32>], vector<16xf32>,
      tpu.vector_store_idx %arg7[%add3A_249, %broadcast_in_dim3A_246], %gather3A_254 : memref<64x128xf32, #tpu.memory_space<vmem>>[vector<16xi32>, vector<16xi32>], vector<16xf32>,
      %add3A_255 = arith.constant 16 : i32
      %add3A_256 = vector.broadcast %add3A_255 : i32 to vector<16xi32>
      %add3A_257 = arith.addi %iota3A, %add3A_256 : vector<16xi32>
      %gather3A_258 = arith.constant 0 : i32
      %gather3A_259 = arith.constant 0 : i32
      %gather3A_260 = arith.constant 0 : i32
      %gather3A_261 = tpu.memref_slice %arg6[%gather3A_258, %gather3A_259, %gather3A_260] : memref<8x64x128xf32, #tpu.memory_space<vmem>> -> memref<1x64x128xf32, #tpu.memory_space<vmem>>
      %gather3A_262 = tpu.memref_squeeze %gather3A_261 : memref<1x64x128xf32, #tpu.memory_space<vmem>> -> memref<64x128xf32, #tpu.memory_space<vmem>>
      %gather3A_263 = tpu.vector_load_idx %gather3A_262[%add3A_257, %broadcast_in_dim3A] : memref<64x128xf32, #tpu.memory_space<vmem>>[vector<16xi32>, vector<16xi32>], vector<16xf32>,
      tpu.vector_store_idx %arg7[%add3A_257, %broadcast_in_dim3A_246], %gather3A_263 : memref<64x128xf32, #tpu.memory_space<vmem>>[vector<16xi32>, vector<16xi32>], vector<16xf32>,
      %add3A_264 = arith.constant 32 : i32
      %add3A_265 = vector.broadcast %add3A_264 : i32 to vector<16xi32>
      %add3A_266 = arith.addi %iota3A, %add3A_265 : vector<16xi32>
      %gather3A_267 = arith.constant 0 : i32
      %gather3A_268 = arith.constant 0 : i32
      %gather3A_269 = arith.constant 0 : i32
      %gather3A_270 = tpu.memref_slice %arg6[%gather3A_267, %gather3A_268, %gather3A_269] : memref<8x64x128xf32, #tpu.memory_space<vmem>> -> memref<1x64x128xf32, #tpu.memory_space<vmem>>
      %gather3A_271 = tpu.memref_squeeze %gather3A_270 : memref<1x64x128xf32, #tpu.memory_space<vmem>> -> memref<64x128xf32, #tpu.memory_space<vmem>>
      %gather3A_272 = tpu.vector_load_idx %gather3A_271[%add3A_266, %broadcast_in_dim3A] : memref<64x128xf32, #tpu.memory_space<vmem>>[vector<16xi32>, vector<16xi32>], vector<16xf32>,
      tpu.vector_store_idx %arg7[%add3A_266, %broadcast_in_dim3A_246], %gather3A_272 : memref<64x128xf32, #tpu.memory_space<vmem>>[vector<16xi32>, vector<16xi32>], vector<16xf32>,
      %add3A_273 = arith.constant 48 : i32
      %add3A_274 = vector.broadcast %add3A_273 : i32 to vector<16xi32>
      %add3A_275 = arith.addi %iota3A, %add3A_274 : vector<16xi32>
      %gather3A_276 = arith.constant 0 : i32
      %gather3A_277 = arith.constant 0 : i32
      %gather3A_278 = arith.constant 0 : i32
      %gather3A_279 = tpu.memref_slice %arg6[%gather3A_276, %gather3A_277, %gather3A_278] : memref<8x64x128xf32, #tpu.memory_space<vmem>> -> memref<1x64x128xf32, #tpu.memory_space<vmem>>
      %gather3A_280 = tpu.memref_squeeze %gather3A_279 : memref<1x64x128xf32, #tpu.memory_space<vmem>> -> memref<64x128xf32, #tpu.memory_space<vmem>>
      %gather3A_281 = tpu.vector_load_idx %gather3A_280[%add3A_275, %broadcast_in_dim3A] : memref<64x128xf32, #tpu.memory_space<vmem>>[vector<16xi32>, vector<16xi32>], vector<16xf32>,
      tpu.vector_store_idx %arg7[%add3A_275, %broadcast_in_dim3A_246], %gather3A_281 : memref<64x128xf32, #tpu.memory_space<vmem>>[vector<16xi32>, vector<16xi32>], vector<16xf32>,
      %slice3A_282 = vector.extract_strided_slice %scan3A_169 {offsets = [8], sizes = [1], strides = [1]} : vector<16xi32> to vector<1xi32>
      %squeeze3A_283 = vector.extract %slice3A_282[0] : i32 from vector<1xi32>
      %shift_right_arithmetic3A_284 = arith.constant 7 : i32
      %shift_right_arithmetic3A_285 = arith.shrsi %squeeze3A_283, %shift_right_arithmetic3A_284 : i32
      %mul3A_286 = arith.constant 128 : i32
      %mul3A_287 = arith.muli %shift_right_arithmetic3A_285, %mul3A_286 : i32
      %multiple_of3A_288 = tpu.assume_multiple %mul3A_287, 128 : i32
      %dma_start3A_289 = arith.constant 0 : i32
      %dma_start3A_290 = arith.constant 0 : i32
      %dma_start3A_291 = arith.constant 0 : i32
      %dma_start3A_292 = tpu.memref_slice %arg6[%dma_start3A_289, %dma_start3A_290, %dma_start3A_291] : memref<8x64x128xf32, #tpu.memory_space<vmem>> -> memref<1x64x128xf32, #tpu.memory_space<vmem>>
      %dma_start3A_293 = tpu.memref_squeeze %dma_start3A_292 : memref<1x64x128xf32, #tpu.memory_space<vmem>> -> memref<64x128xf32, #tpu.memory_space<vmem>>
      %dma_start3A_294 = arith.constant 0 : i32
      %dma_start3A_295 = tpu.memref_slice %arg3[%dma_start3A_294, %multiple_of3A_288] : memref<64x1000000xf32, #tpu.memory_space<hbm>> -> memref<64x128xf32, #tpu.memory_space<hbm>>
      %dma_start3A_296 = arith.constant 0 : i32
      %dma_start3A_297 = arith.constant 0 : i32
      %dma_start3A_298 = tpu.memref_slice %arg6[%dma_start3A_289, %dma_start3A_296, %dma_start3A_297] : memref<8x64x128xf32, #tpu.memory_space<vmem>> -> memref<1x64x128xf32, #tpu.memory_space<vmem>>
      %dma_start3A_299 = tpu.memref_squeeze %dma_start3A_298 : memref<1x64x128xf32, #tpu.memory_space<vmem>> -> memref<64x128xf32, #tpu.memory_space<vmem>>
      %dma_start3A_300 = arith.constant 0 : i32
      %dma_start3A_301 = tpu.memref_slice %arg3[%dma_start3A_300, %multiple_of3A_288] : memref<64x1000000xf32, #tpu.memory_space<hbm>> -> memref<64x128xf32, #tpu.memory_space<hbm>>
      tpu.enqueue_dma source(%dma_start3A_301 : memref<64x128xf32, #tpu.memory_space<hbm>>) target(%dma_start3A_299 : memref<64x128xf32, #tpu.memory_space<vmem>>) target_semaphore(%arg8 : memref<!tpu.dma_semaphore, #tpu.memory_space<semaphore_mem>>)
      %dma_wait3A_302 = arith.constant 1 : i32
      %dma_wait3A_303 = arith.constant 0 : i32
      %dma_wait3A_304 = arith.constant 0 : i32
      %dma_wait3A_305 = tpu.memref_slice %arg6[%dma_wait3A_302, %dma_wait3A_303, %dma_wait3A_304] : memref<8x64x128xf32, #tpu.memory_space<vmem>> -> memref<1x64x128xf32, #tpu.memory_space<vmem>>
      %dma_wait3A_306 = tpu.memref_squeeze %dma_wait3A_305 : memref<1x64x128xf32, #tpu.memory_space<vmem>> -> memref<64x128xf32, #tpu.memory_space<vmem>>
      %dma_wait3A_307 = arith.constant 0 : i32
      %dma_wait3A_308 = arith.constant 0 : i32
      %dma_wait3A_309 = tpu.memref_slice %arg3[%dma_wait3A_307, %dma_wait3A_308] : memref<64x1000000xf32, #tpu.memory_space<hbm>> -> memref<64x128xf32, #tpu.memory_space<hbm>>
      %dma_wait3A_310 = arith.constant 0 : i32
      %dma_wait3A_311 = arith.constant 0 : i32
      %dma_wait3A_312 = tpu.memref_slice %arg6[%dma_wait3A_302, %dma_wait3A_310, %dma_wait3A_311] : memref<8x64x128xf32, #tpu.memory_space<vmem>> -> memref<1x64x128xf32, #tpu.memory_space<vmem>>
      %dma_wait3A_313 = tpu.memref_squeeze %dma_wait3A_312 : memref<1x64x128xf32, #tpu.memory_space<vmem>> -> memref<64x128xf32, #tpu.memory_space<vmem>>
      %dma_wait3A_314 = arith.constant 0 : i32
      %dma_wait3A_315 = arith.constant 0 : i32
      %dma_wait3A_316 = tpu.memref_slice %arg3[%dma_wait3A_314, %dma_wait3A_315] : memref<64x1000000xf32, #tpu.memory_space<hbm>> -> memref<64x128xf32, #tpu.memory_space<hbm>>
      tpu.wait_dma2 semaphore(%arg9 : memref<!tpu.dma_semaphore, #tpu.memory_space<semaphore_mem>>) src(%dma_wait3A_316 : memref<64x128xf32, #tpu.memory_space<hbm>>) dst(%dma_wait3A_313 : memref<64x128xf32, #tpu.memory_space<vmem>>)
      %slice3A_317 = vector.extract_strided_slice %scan3A_169 {offsets = [1], sizes = [1], strides = [1]} : vector<16xi32> to vector<1xi32>
      %squeeze3A_318 = vector.extract %slice3A_317[0] : i32 from vector<1xi32>
      %and3A_319 = arith.constant 127 : i32
      %and3A_320 = arith.andi %squeeze3A_318, %and3A_319 : i32
      %broadcast_in_dim3A_321 = vector.broadcast %and3A_320 : i32 to vector<16xi32>
      %jit3A_322 = arith.constant 8 : i32
      %eq3A_323 = arith.constant 0 : i32
      %eq3A_324 = arith.cmpi eq, %jit3A_322, %eq3A_323 : i32
      %jit3A_325 = arith.constant 1 : i32
      %select_n3A_326 = arith.select %eq3A_324, %jit3A_325, %jit3A_322 : i32
      %rem3A_327 = arith.remsi %scan3A_168, %select_n3A_326 : i32
      %ne3A_328 = arith.constant 0 : i32
      %ne3A_329 = arith.cmpi ne, %rem3A_327, %ne3A_328 : i32
      %lt3A_330 = arith.constant 0 : i32
      %lt3A_331 = arith.cmpi slt, %rem3A_327, %lt3A_330 : i32
      %lt3A_332 = arith.constant 0 : i32
      %lt3A_333 = arith.cmpi slt, %select_n3A_326, %lt3A_332 : i32
      %ne3A_334 = arith.xori %lt3A_331, %lt3A_333 : i1
      %and3A_335 = arith.andi %ne3A_334, %ne3A_329 : i1
      %add3A_336 = arith.addi %rem3A_327, %select_n3A_326 : i32
      %select_n3A_337 = arith.select %and3A_335, %add3A_336, %rem3A_327 : i32
      %mul3A_338 = arith.constant 16 : i32
      %mul3A_339 = arith.muli %select_n3A_337, %mul3A_338 : i32
      %add3A_340 = arith.constant 1 : i32
      %add3A_341 = arith.addi %mul3A_339, %add3A_340 : i32
      %broadcast_in_dim3A_342 = vector.broadcast %add3A_341 : i32 to vector<16xi32>
      %add3A_343 = arith.constant 0 : i32
      %add3A_344 = vector.broadcast %add3A_343 : i32 to vector<16xi32>
      %add3A_345 = arith.addi %iota3A, %add3A_344 : vector<16xi32>
      %gather3A_346 = arith.constant 1 : i32
      %gather3A_347 = arith.constant 0 : i32
      %gather3A_348 = arith.constant 0 : i32
      %gather3A_349 = tpu.memref_slice %arg6[%gather3A_346, %gather3A_347, %gather3A_348] : memref<8x64x128xf32, #tpu.memory_space<vmem>> -> memref<1x64x128xf32, #tpu.memory_space<vmem>>
      %gather3A_350 = tpu.memref_squeeze %gather3A_349 : memref<1x64x128xf32, #tpu.memory_space<vmem>> -> memref<64x128xf32, #tpu.memory_space<vmem>>
      %gather3A_351 = tpu.vector_load_idx %gather3A_350[%add3A_345, %broadcast_in_dim3A_321] : memref<64x128xf32, #tpu.memory_space<vmem>>[vector<16xi32>, vector<16xi32>], vector<16xf32>,
      tpu.vector_store_idx %arg7[%add3A_345, %broadcast_in_dim3A_342], %gather3A_351 : memref<64x128xf32, #tpu.memory_space<vmem>>[vector<16xi32>, vector<16xi32>], vector<16xf32>,
      %add3A_352 = arith.constant 16 : i32
      %add3A_353 = vector.broadcast %add3A_352 : i32 to vector<16xi32>
      %add3A_354 = arith.addi %iota3A, %add3A_353 : vector<16xi32>
      %gather3A_355 = arith.constant 1 : i32
      %gather3A_356 = arith.constant 0 : i32
      %gather3A_357 = arith.constant 0 : i32
      %gather3A_358 = tpu.memref_slice %arg6[%gather3A_355, %gather3A_356, %gather3A_357] : memref<8x64x128xf32, #tpu.memory_space<vmem>> -> memref<1x64x128xf32, #tpu.memory_space<vmem>>
      %gather3A_359 = tpu.memref_squeeze %gather3A_358 : memref<1x64x128xf32, #tpu.memory_space<vmem>> -> memref<64x128xf32, #tpu.memory_space<vmem>>
      %gather3A_360 = tpu.vector_load_idx %gather3A_359[%add3A_354, %broadcast_in_dim3A_321] : memref<64x128xf32, #tpu.memory_space<vmem>>[vector<16xi32>, vector<16xi32>], vector<16xf32>,
      tpu.vector_store_idx %arg7[%add3A_354, %broadcast_in_dim3A_342], %gather3A_360 : memref<64x128xf32, #tpu.memory_space<vmem>>[vector<16xi32>, vector<16xi32>], vector<16xf32>,
      %add3A_361 = arith.constant 32 : i32
      %add3A_362 = vector.broadcast %add3A_361 : i32 to vector<16xi32>
      %add3A_363 = arith.addi %iota3A, %add3A_362 : vector<16xi32>
      %gather3A_364 = arith.constant 1 : i32
      %gather3A_365 = arith.constant 0 : i32
      %gather3A_366 = arith.constant 0 : i32
      %gather3A_367 = tpu.memref_slice %arg6[%gather3A_364, %gather3A_365, %gather3A_366] : memref<8x64x128xf32, #tpu.memory_space<vmem>> -> memref<1x64x128xf32, #tpu.memory_space<vmem>>
      %gather3A_368 = tpu.memref_squeeze %gather3A_367 : memref<1x64x128xf32, #tpu.memory_space<vmem>> -> memref<64x128xf32, #tpu.memory_space<vmem>>
      %gather3A_369 = tpu.vector_load_idx %gather3A_368[%add3A_363, %broadcast_in_dim3A_321] : memref<64x128xf32, #tpu.memory_space<vmem>>[vector<16xi32>, vector<16xi32>], vector<16xf32>,
      tpu.vector_store_idx %arg7[%add3A_363, %broadcast_in_dim3A_342], %gather3A_369 : memref<64x128xf32, #tpu.memory_space<vmem>>[vector<16xi32>, vector<16xi32>], vector<16xf32>,
      %add3A_370 = arith.constant 48 : i32
      %add3A_371 = vector.broadcast %add3A_370 : i32 to vector<16xi32>
      %add3A_372 = arith.addi %iota3A, %add3A_371 : vector<16xi32>
      %gather3A_373 = arith.constant 1 : i32
      %gather3A_374 = arith.constant 0 : i32
      %gather3A_375 = arith.constant 0 : i32
      %gather3A_376 = tpu.memref_slice %arg6[%gather3A_373, %gather3A_374, %gather3A_375] : memref<8x64x128xf32, #tpu.memory_space<vmem>> -> memref<1x64x128xf32, #tpu.memory_space<vmem>>
      %gather3A_377 = tpu.memref_squeeze %gather3A_376 : memref<1x64x128xf32, #tpu.memory_space<vmem>> -> memref<64x128xf32, #tpu.memory_space<vmem>>
      %gather3A_378 = tpu.vector_load_idx %gather3A_377[%add3A_372, %broadcast_in_dim3A_321] : memref<64x128xf32, #tpu.memory_space<vmem>>[vector<16xi32>, vector<16xi32>], vector<16xf32>,
      tpu.vector_store_idx %arg7[%add3A_372, %broadcast_in_dim3A_342], %gather3A_378 : memref<64x128xf32, #tpu.memory_space<vmem>>[vector<16xi32>, vector<16xi32>], vector<16xf32>,
      %slice3A_379 = vector.extract_strided_slice %scan3A_169 {offsets = [9], sizes = [1], strides = [1]} : vector<16xi32> to vector<1xi32>
      %squeeze3A_380 = vector.extract %slice3A_379[0] : i32 from vector<1xi32>
      %shift_right_arithmetic3A_381 = arith.constant 7 : i32
      %shift_right_arithmetic3A_382 = arith.shrsi %squeeze3A_380, %shift_right_arithmetic3A_381 : i32
      %mul3A_383 = arith.constant 128 : i32
      %mul3A_384 = arith.muli %shift_right_arithmetic3A_382, %mul3A_383 : i32
      %multiple_of3A_385 = tpu.assume_multiple %mul3A_384, 128 : i32
      %dma_start3A_386 = arith.constant 1 : i32
      %dma_start3A_387 = arith.constant 0 : i32
      %dma_start3A_388 = arith.constant 0 : i32
      %dma_start3A_389 = tpu.memref_slice %arg6[%dma_start3A_386, %dma_start3A_387, %dma_start3A_388] : memref<8x64x128xf32, #tpu.memory_space<vmem>> -> memref<1x64x128xf32, #tpu.memory_space<vmem>>
      %dma_start3A_390 = tpu.memref_squeeze %dma_start3A_389 : memref<1x64x128xf32, #tpu.memory_space<vmem>> -> memref<64x128xf32, #tpu.memory_space<vmem>>
      %dma_start3A_391 = arith.constant 0 : i32
      %dma_start3A_392 = tpu.memref_slice %arg3[%dma_start3A_391, %multiple_of3A_385] : memref<64x1000000xf32, #tpu.memory_space<hbm>> -> memref<64x128xf32, #tpu.memory_space<hbm>>
      %dma_start3A_393 = arith.constant 0 : i32
      %dma_start3A_394 = arith.constant 0 : i32
      %dma_start3A_395 = tpu.memref_slice %arg6[%dma_start3A_386, %dma_start3A_393, %dma_start3A_394] : memref<8x64x128xf32, #tpu.memory_space<vmem>> -> memref<1x64x128xf32, #tpu.memory_space<vmem>>
      %dma_start3A_396 = tpu.memref_squeeze %dma_start3A_395 : memref<1x64x128xf32, #tpu.memory_space<vmem>> -> memref<64x128xf32, #tpu.memory_space<vmem>>
      %dma_start3A_397 = arith.constant 0 : i32
      %dma_start3A_398 = tpu.memref_slice %arg3[%dma_start3A_397, %multiple_of3A_385] : memref<64x1000000xf32, #tpu.memory_space<hbm>> -> memref<64x128xf32, #tpu.memory_space<hbm>>
      tpu.enqueue_dma source(%dma_start3A_398 : memref<64x128xf32, #tpu.memory_space<hbm>>) target(%dma_start3A_396 : memref<64x128xf32, #tpu.memory_space<vmem>>) target_semaphore(%arg9 : memref<!tpu.dma_semaphore, #tpu.memory_space<semaphore_mem>>)
      %dma_wait3A_399 = arith.constant 2 : i32
      %dma_wait3A_400 = arith.constant 0 : i32
      %dma_wait3A_401 = arith.constant 0 : i32
      %dma_wait3A_402 = tpu.memref_slice %arg6[%dma_wait3A_399, %dma_wait3A_400, %dma_wait3A_401] : memref<8x64x128xf32, #tpu.memory_space<vmem>> -> memref<1x64x128xf32, #tpu.memory_space<vmem>>
      %dma_wait3A_403 = tpu.memref_squeeze %dma_wait3A_402 : memref<1x64x128xf32, #tpu.memory_space<vmem>> -> memref<64x128xf32, #tpu.memory_space<vmem>>
      %dma_wait3A_404 = arith.constant 0 : i32
      %dma_wait3A_405 = arith.constant 0 : i32
      %dma_wait3A_406 = tpu.memref_slice %arg3[%dma_wait3A_404, %dma_wait3A_405] : memref<64x1000000xf32, #tpu.memory_space<hbm>> -> memref<64x128xf32, #tpu.memory_space<hbm>>
      %dma_wait3A_407 = arith.constant 0 : i32
      %dma_wait3A_408 = arith.constant 0 : i32
      %dma_wait3A_409 = tpu.memref_slice %arg6[%dma_wait3A_399, %dma_wait3A_407, %dma_wait3A_408] : memref<8x64x128xf32, #tpu.memory_space<vmem>> -> memref<1x64x128xf32, #tpu.memory_space<vmem>>
      %dma_wait3A_410 = tpu.memref_squeeze %dma_wait3A_409 : memref<1x64x128xf32, #tpu.memory_space<vmem>> -> memref<64x128xf32, #tpu.memory_space<vmem>>
      %dma_wait3A_411 = arith.constant 0 : i32
      %dma_wait3A_412 = arith.constant 0 : i32
      %dma_wait3A_413 = tpu.memref_slice %arg3[%dma_wait3A_411, %dma_wait3A_412] : memref<64x1000000xf32, #tpu.memory_space<hbm>> -> memref<64x128xf32, #tpu.memory_space<hbm>>
      tpu.wait_dma2 semaphore(%arg10 : memref<!tpu.dma_semaphore, #tpu.memory_space<semaphore_mem>>) src(%dma_wait3A_413 : memref<64x128xf32, #tpu.memory_space<hbm>>) dst(%dma_wait3A_410 : memref<64x128xf32, #tpu.memory_space<vmem>>)
      %slice3A_414 = vector.extract_strided_slice %scan3A_169 {offsets = [2], sizes = [1], strides = [1]} : vector<16xi32> to vector<1xi32>
      %squeeze3A_415 = vector.extract %slice3A_414[0] : i32 from vector<1xi32>
      %and3A_416 = arith.constant 127 : i32
      %and3A_417 = arith.andi %squeeze3A_415, %and3A_416 : i32
      %broadcast_in_dim3A_418 = vector.broadcast %and3A_417 : i32 to vector<16xi32>
      %jit3A_419 = arith.constant 8 : i32
      %eq3A_420 = arith.constant 0 : i32
      %eq3A_421 = arith.cmpi eq, %jit3A_419, %eq3A_420 : i32
      %jit3A_422 = arith.constant 1 : i32
      %select_n3A_423 = arith.select %eq3A_421, %jit3A_422, %jit3A_419 : i32
      %rem3A_424 = arith.remsi %scan3A_168, %select_n3A_423 : i32
      %ne3A_425 = arith.constant 0 : i32
      %ne3A_426 = arith.cmpi ne, %rem3A_424, %ne3A_425 : i32
      %lt3A_427 = arith.constant 0 : i32
      %lt3A_428 = arith.cmpi slt, %rem3A_424, %lt3A_427 : i32
      %lt3A_429 = arith.constant 0 : i32
      %lt3A_430 = arith.cmpi slt, %select_n3A_423, %lt3A_429 : i32
      %ne3A_431 = arith.xori %lt3A_428, %lt3A_430 : i1
      %and3A_432 = arith.andi %ne3A_431, %ne3A_426 : i1
      %add3A_433 = arith.addi %rem3A_424, %select_n3A_423 : i32
      %select_n3A_434 = arith.select %and3A_432, %add3A_433, %rem3A_424 : i32
      %mul3A_435 = arith.constant 16 : i32
      %mul3A_436 = arith.muli %select_n3A_434, %mul3A_435 : i32
      %add3A_437 = arith.constant 2 : i32
      %add3A_438 = arith.addi %mul3A_436, %add3A_437 : i32
      %broadcast_in_dim3A_439 = vector.broadcast %add3A_438 : i32 to vector<16xi32>
      %add3A_440 = arith.constant 0 : i32
      %add3A_441 = vector.broadcast %add3A_440 : i32 to vector<16xi32>
      %add3A_442 = arith.addi %iota3A, %add3A_441 : vector<16xi32>
      %gather3A_443 = arith.constant 2 : i32
      %gather3A_444 = arith.constant 0 : i32
      %gather3A_445 = arith.constant 0 : i32
      %gather3A_446 = tpu.memref_slice %arg6[%gather3A_443, %gather3A_444, %gather3A_445] : memref<8x64x128xf32, #tpu.memory_space<vmem>> -> memref<1x64x128xf32, #tpu.memory_space<vmem>>
      %gather3A_447 = tpu.memref_squeeze %gather3A_446 : memref<1x64x128xf32, #tpu.memory_space<vmem>> -> memref<64x128xf32, #tpu.memory_space<vmem>>
      %gather3A_448 = tpu.vector_load_idx %gather3A_447[%add3A_442, %broadcast_in_dim3A_418] : memref<64x128xf32, #tpu.memory_space<vmem>>[vector<16xi32>, vector<16xi32>], vector<16xf32>,
      tpu.vector_store_idx %arg7[%add3A_442, %broadcast_in_dim3A_439], %gather3A_448 : memref<64x128xf32, #tpu.memory_space<vmem>>[vector<16xi32>, vector<16xi32>], vector<16xf32>,
      %add3A_449 = arith.constant 16 : i32
      %add3A_450 = vector.broadcast %add3A_449 : i32 to vector<16xi32>
      %add3A_451 = arith.addi %iota3A, %add3A_450 : vector<16xi32>
      %gather3A_452 = arith.constant 2 : i32
      %gather3A_453 = arith.constant 0 : i32
      %gather3A_454 = arith.constant 0 : i32
      %gather3A_455 = tpu.memref_slice %arg6[%gather3A_452, %gather3A_453, %gather3A_454] : memref<8x64x128xf32, #tpu.memory_space<vmem>> -> memref<1x64x128xf32, #tpu.memory_space<vmem>>
      %gather3A_456 = tpu.memref_squeeze %gather3A_455 : memref<1x64x128xf32, #tpu.memory_space<vmem>> -> memref<64x128xf32, #tpu.memory_space<vmem>>
      %gather3A_457 = tpu.vector_load_idx %gather3A_456[%add3A_451, %broadcast_in_dim3A_418] : memref<64x128xf32, #tpu.memory_space<vmem>>[vector<16xi32>, vector<16xi32>], vector<16xf32>,
      tpu.vector_store_idx %arg7[%add3A_451, %broadcast_in_dim3A_439], %gather3A_457 : memref<64x128xf32, #tpu.memory_space<vmem>>[vector<16xi32>, vector<16xi32>], vector<16xf32>,
      %add3A_458 = arith.constant 32 : i32
      %add3A_459 = vector.broadcast %add3A_458 : i32 to vector<16xi32>
      %add3A_460 = arith.addi %iota3A, %add3A_459 : vector<16xi32>
      %gather3A_461 = arith.constant 2 : i32
      %gather3A_462 = arith.constant 0 : i32
      %gather3A_463 = arith.constant 0 : i32
      %gather3A_464 = tpu.memref_slice %arg6[%gather3A_461, %gather3A_462, %gather3A_463] : memref<8x64x128xf32, #tpu.memory_space<vmem>> -> memref<1x64x128xf32, #tpu.memory_space<vmem>>
      %gather3A_465 = tpu.memref_squeeze %gather3A_464 : memref<1x64x128xf32, #tpu.memory_space<vmem>> -> memref<64x128xf32, #tpu.memory_space<vmem>>
      %gather3A_466 = tpu.vector_load_idx %gather3A_465[%add3A_460, %broadcast_in_dim3A_418] : memref<64x128xf32, #tpu.memory_space<vmem>>[vector<16xi32>, vector<16xi32>], vector<16xf32>,
      tpu.vector_store_idx %arg7[%add3A_460, %broadcast_in_dim3A_439], %gather3A_466 : memref<64x128xf32, #tpu.memory_space<vmem>>[vector<16xi32>, vector<16xi32>], vector<16xf32>,
      %add3A_467 = arith.constant 48 : i32
      %add3A_468 = vector.broadcast %add3A_467 : i32 to vector<16xi32>
      %add3A_469 = arith.addi %iota3A, %add3A_468 : vector<16xi32>
      %gather3A_470 = arith.constant 2 : i32
      %gather3A_471 = arith.constant 0 : i32
      %gather3A_472 = arith.constant 0 : i32
      %gather3A_473 = tpu.memref_slice %arg6[%gather3A_470, %gather3A_471, %gather3A_472] : memref<8x64x128xf32, #tpu.memory_space<vmem>> -> memref<1x64x128xf32, #tpu.memory_space<vmem>>
      %gather3A_474 = tpu.memref_squeeze %gather3A_473 : memref<1x64x128xf32, #tpu.memory_space<vmem>> -> memref<64x128xf32, #tpu.memory_space<vmem>>
      %gather3A_475 = tpu.vector_load_idx %gather3A_474[%add3A_469, %broadcast_in_dim3A_418] : memref<64x128xf32, #tpu.memory_space<vmem>>[vector<16xi32>, vector<16xi32>], vector<16xf32>,
      tpu.vector_store_idx %arg7[%add3A_469, %broadcast_in_dim3A_439], %gather3A_475 : memref<64x128xf32, #tpu.memory_space<vmem>>[vector<16xi32>, vector<16xi32>], vector<16xf32>,
      %slice3A_476 = vector.extract_strided_slice %scan3A_169 {offsets = [10], sizes = [1], strides = [1]} : vector<16xi32> to vector<1xi32>
      %squeeze3A_477 = vector.extract %slice3A_476[0] : i32 from vector<1xi32>
      %shift_right_arithmetic3A_478 = arith.constant 7 : i32
      %shift_right_arithmetic3A_479 = arith.shrsi %squeeze3A_477, %shift_right_arithmetic3A_478 : i32
      %mul3A_480 = arith.constant 128 : i32
      %mul3A_481 = arith.muli %shift_right_arithmetic3A_479, %mul3A_480 : i32
      %multiple_of3A_482 = tpu.assume_multiple %mul3A_481, 128 : i32
      %dma_start3A_483 = arith.constant 2 : i32
      %dma_start3A_484 = arith.constant 0 : i32
      %dma_start3A_485 = arith.constant 0 : i32
      %dma_start3A_486 = tpu.memref_slice %arg6[%dma_start3A_483, %dma_start3A_484, %dma_start3A_485] : memref<8x64x128xf32, #tpu.memory_space<vmem>> -> memref<1x64x128xf32, #tpu.memory_space<vmem>>
      %dma_start3A_487 = tpu.memref_squeeze %dma_start3A_486 : memref<1x64x128xf32, #tpu.memory_space<vmem>> -> memref<64x128xf32, #tpu.memory_space<vmem>>
      %dma_start3A_488 = arith.constant 0 : i32
      %dma_start3A_489 = tpu.memref_slice %arg3[%dma_start3A_488, %multiple_of3A_482] : memref<64x1000000xf32, #tpu.memory_space<hbm>> -> memref<64x128xf32, #tpu.memory_space<hbm>>
      %dma_start3A_490 = arith.constant 0 : i32
      %dma_start3A_491 = arith.constant 0 : i32
      %dma_start3A_492 = tpu.memref_slice %arg6[%dma_start3A_483, %dma_start3A_490, %dma_start3A_491] : memref<8x64x128xf32, #tpu.memory_space<vmem>> -> memref<1x64x128xf32, #tpu.memory_space<vmem>>
      %dma_start3A_493 = tpu.memref_squeeze %dma_start3A_492 : memref<1x64x128xf32, #tpu.memory_space<vmem>> -> memref<64x128xf32, #tpu.memory_space<vmem>>
      %dma_start3A_494 = arith.constant 0 : i32
      %dma_start3A_495 = tpu.memref_slice %arg3[%dma_start3A_494, %multiple_of3A_482] : memref<64x1000000xf32, #tpu.memory_space<hbm>> -> memref<64x128xf32, #tpu.memory_space<hbm>>
      tpu.enqueue_dma source(%dma_start3A_495 : memref<64x128xf32, #tpu.memory_space<hbm>>) target(%dma_start3A_493 : memref<64x128xf32, #tpu.memory_space<vmem>>) target_semaphore(%arg10 : memref<!tpu.dma_semaphore, #tpu.memory_space<semaphore_mem>>)
      %dma_wait3A_496 = arith.constant 3 : i32
      %dma_wait3A_497 = arith.constant 0 : i32
      %dma_wait3A_498 = arith.constant 0 : i32
      %dma_wait3A_499 = tpu.memref_slice %arg6[%dma_wait3A_496, %dma_wait3A_497, %dma_wait3A_498] : memref<8x64x128xf32, #tpu.memory_space<vmem>> -> memref<1x64x128xf32, #tpu.memory_space<vmem>>
      %dma_wait3A_500 = tpu.memref_squeeze %dma_wait3A_499 : memref<1x64x128xf32, #tpu.memory_space<vmem>> -> memref<64x128xf32, #tpu.memory_space<vmem>>
      %dma_wait3A_501 = arith.constant 0 : i32
      %dma_wait3A_502 = arith.constant 0 : i32
      %dma_wait3A_503 = tpu.memref_slice %arg3[%dma_wait3A_501, %dma_wait3A_502] : memref<64x1000000xf32, #tpu.memory_space<hbm>> -> memref<64x128xf32, #tpu.memory_space<hbm>>
      %dma_wait3A_504 = arith.constant 0 : i32
      %dma_wait3A_505 = arith.constant 0 : i32
      %dma_wait3A_506 = tpu.memref_slice %arg6[%dma_wait3A_496, %dma_wait3A_504, %dma_wait3A_505] : memref<8x64x128xf32, #tpu.memory_space<vmem>> -> memref<1x64x128xf32, #tpu.memory_space<vmem>>
      %dma_wait3A_507 = tpu.memref_squeeze %dma_wait3A_506 : memref<1x64x128xf32, #tpu.memory_space<vmem>> -> memref<64x128xf32, #tpu.memory_space<vmem>>
      %dma_wait3A_508 = arith.constant 0 : i32
      %dma_wait3A_509 = arith.constant 0 : i32
      %dma_wait3A_510 = tpu.memref_slice %arg3[%dma_wait3A_508, %dma_wait3A_509] : memref<64x1000000xf32, #tpu.memory_space<hbm>> -> memref<64x128xf32, #tpu.memory_space<hbm>>
      tpu.wait_dma2 semaphore(%arg11 : memref<!tpu.dma_semaphore, #tpu.memory_space<semaphore_mem>>) src(%dma_wait3A_510 : memref<64x128xf32, #tpu.memory_space<hbm>>) dst(%dma_wait3A_507 : memref<64x128xf32, #tpu.memory_space<vmem>>)
      %slice3A_511 = vector.extract_strided_slice %scan3A_169 {offsets = [3], sizes = [1], strides = [1]} : vector<16xi32> to vector<1xi32>
      %squeeze3A_512 = vector.extract %slice3A_511[0] : i32 from vector<1xi32>
      %and3A_513 = arith.constant 127 : i32
      %and3A_514 = arith.andi %squeeze3A_512, %and3A_513 : i32
      %broadcast_in_dim3A_515 = vector.broadcast %and3A_514 : i32 to vector<16xi32>
      %jit3A_516 = arith.constant 8 : i32
      %eq3A_517 = arith.constant 0 : i32
      %eq3A_518 = arith.cmpi eq, %jit3A_516, %eq3A_517 : i32
      %jit3A_519 = arith.constant 1 : i32
      %select_n3A_520 = arith.select %eq3A_518, %jit3A_519, %jit3A_516 : i32
      %rem3A_521 = arith.remsi %scan3A_168, %select_n3A_520 : i32
      %ne3A_522 = arith.constant 0 : i32
      %ne3A_523 = arith.cmpi ne, %rem3A_521, %ne3A_522 : i32
      %lt3A_524 = arith.constant 0 : i32
      %lt3A_525 = arith.cmpi slt, %rem3A_521, %lt3A_524 : i32
      %lt3A_526 = arith.constant 0 : i32
      %lt3A_527 = arith.cmpi slt, %select_n3A_520, %lt3A_526 : i32
      %ne3A_528 = arith.xori %lt3A_525, %lt3A_527 : i1
      %and3A_529 = arith.andi %ne3A_528, %ne3A_523 : i1
      %add3A_530 = arith.addi %rem3A_521, %select_n3A_520 : i32
      %select_n3A_531 = arith.select %and3A_529, %add3A_530, %rem3A_521 : i32
      %mul3A_532 = arith.constant 16 : i32
      %mul3A_533 = arith.muli %select_n3A_531, %mul3A_532 : i32
      %add3A_534 = arith.constant 3 : i32
      %add3A_535 = arith.addi %mul3A_533, %add3A_534 : i32
      %broadcast_in_dim3A_536 = vector.broadcast %add3A_535 : i32 to vector<16xi32>
      %add3A_537 = arith.constant 0 : i32
      %add3A_538 = vector.broadcast %add3A_537 : i32 to vector<16xi32>
      %add3A_539 = arith.addi %iota3A, %add3A_538 : vector<16xi32>
      %gather3A_540 = arith.constant 3 : i32
      %gather3A_541 = arith.constant 0 : i32
      %gather3A_542 = arith.constant 0 : i32
      %gather3A_543 = tpu.memref_slice %arg6[%gather3A_540, %gather3A_541, %gather3A_542] : memref<8x64x128xf32, #tpu.memory_space<vmem>> -> memref<1x64x128xf32, #tpu.memory_space<vmem>>
      %gather3A_544 = tpu.memref_squeeze %gather3A_543 : memref<1x64x128xf32, #tpu.memory_space<vmem>> -> memref<64x128xf32, #tpu.memory_space<vmem>>
      %gather3A_545 = tpu.vector_load_idx %gather3A_544[%add3A_539, %broadcast_in_dim3A_515] : memref<64x128xf32, #tpu.memory_space<vmem>>[vector<16xi32>, vector<16xi32>], vector<16xf32>,
      tpu.vector_store_idx %arg7[%add3A_539, %broadcast_in_dim3A_536], %gather3A_545 : memref<64x128xf32, #tpu.memory_space<vmem>>[vector<16xi32>, vector<16xi32>], vector<16xf32>,
      %add3A_546 = arith.constant 16 : i32
      %add3A_547 = vector.broadcast %add3A_546 : i32 to vector<16xi32>
      %add3A_548 = arith.addi %iota3A, %add3A_547 : vector<16xi32>
      %gather3A_549 = arith.constant 3 : i32
      %gather3A_550 = arith.constant 0 : i32
      %gather3A_551 = arith.constant 0 : i32
      %gather3A_552 = tpu.memref_slice %arg6[%gather3A_549, %gather3A_550, %gather3A_551] : memref<8x64x128xf32, #tpu.memory_space<vmem>> -> memref<1x64x128xf32, #tpu.memory_space<vmem>>
      %gather3A_553 = tpu.memref_squeeze %gather3A_552 : memref<1x64x128xf32, #tpu.memory_space<vmem>> -> memref<64x128xf32, #tpu.memory_space<vmem>>
      %gather3A_554 = tpu.vector_load_idx %gather3A_553[%add3A_548, %broadcast_in_dim3A_515] : memref<64x128xf32, #tpu.memory_space<vmem>>[vector<16xi32>, vector<16xi32>], vector<16xf32>,
      tpu.vector_store_idx %arg7[%add3A_548, %broadcast_in_dim3A_536], %gather3A_554 : memref<64x128xf32, #tpu.memory_space<vmem>>[vector<16xi32>, vector<16xi32>], vector<16xf32>,
      %add3A_555 = arith.constant 32 : i32
      %add3A_556 = vector.broadcast %add3A_555 : i32 to vector<16xi32>
      %add3A_557 = arith.addi %iota3A, %add3A_556 : vector<16xi32>
      %gather3A_558 = arith.constant 3 : i32
      %gather3A_559 = arith.constant 0 : i32
      %gather3A_560 = arith.constant 0 : i32
      %gather3A_561 = tpu.memref_slice %arg6[%gather3A_558, %gather3A_559, %gather3A_560] : memref<8x64x128xf32, #tpu.memory_space<vmem>> -> memref<1x64x128xf32, #tpu.memory_space<vmem>>
      %gather3A_562 = tpu.memref_squeeze %gather3A_561 : memref<1x64x128xf32, #tpu.memory_space<vmem>> -> memref<64x128xf32, #tpu.memory_space<vmem>>
      %gather3A_563 = tpu.vector_load_idx %gather3A_562[%add3A_557, %broadcast_in_dim3A_515] : memref<64x128xf32, #tpu.memory_space<vmem>>[vector<16xi32>, vector<16xi32>], vector<16xf32>,
      tpu.vector_store_idx %arg7[%add3A_557, %broadcast_in_dim3A_536], %gather3A_563 : memref<64x128xf32, #tpu.memory_space<vmem>>[vector<16xi32>, vector<16xi32>], vector<16xf32>,
      %add3A_564 = arith.constant 48 : i32
      %add3A_565 = vector.broadcast %add3A_564 : i32 to vector<16xi32>
      %add3A_566 = arith.addi %iota3A, %add3A_565 : vector<16xi32>
      %gather3A_567 = arith.constant 3 : i32
      %gather3A_568 = arith.constant 0 : i32
      %gather3A_569 = arith.constant 0 : i32
      %gather3A_570 = tpu.memref_slice %arg6[%gather3A_567, %gather3A_568, %gather3A_569] : memref<8x64x128xf32, #tpu.memory_space<vmem>> -> memref<1x64x128xf32, #tpu.memory_space<vmem>>
      %gather3A_571 = tpu.memref_squeeze %gather3A_570 : memref<1x64x128xf32, #tpu.memory_space<vmem>> -> memref<64x128xf32, #tpu.memory_space<vmem>>
      %gather3A_572 = tpu.vector_load_idx %gather3A_571[%add3A_566, %broadcast_in_dim3A_515] : memref<64x128xf32, #tpu.memory_space<vmem>>[vector<16xi32>, vector<16xi32>], vector<16xf32>,
      tpu.vector_store_idx %arg7[%add3A_566, %broadcast_in_dim3A_536], %gather3A_572 : memref<64x128xf32, #tpu.memory_space<vmem>>[vector<16xi32>, vector<16xi32>], vector<16xf32>,
      %slice3A_573 = vector.extract_strided_slice %scan3A_169 {offsets = [11], sizes = [1], strides = [1]} : vector<16xi32> to vector<1xi32>
      %squeeze3A_574 = vector.extract %slice3A_573[0] : i32 from vector<1xi32>
      %shift_right_arithmetic3A_575 = arith.constant 7 : i32
      %shift_right_arithmetic3A_576 = arith.shrsi %squeeze3A_574, %shift_right_arithmetic3A_575 : i32
      %mul3A_577 = arith.constant 128 : i32
      %mul3A_578 = arith.muli %shift_right_arithmetic3A_576, %mul3A_577 : i32
      %multiple_of3A_579 = tpu.assume_multiple %mul3A_578, 128 : i32
      %dma_start3A_580 = arith.constant 3 : i32
      %dma_start3A_581 = arith.constant 0 : i32
      %dma_start3A_582 = arith.constant 0 : i32
      %dma_start3A_583 = tpu.memref_slice %arg6[%dma_start3A_580, %dma_start3A_581, %dma_start3A_582] : memref<8x64x128xf32, #tpu.memory_space<vmem>> -> memref<1x64x128xf32, #tpu.memory_space<vmem>>
      %dma_start3A_584 = tpu.memref_squeeze %dma_start3A_583 : memref<1x64x128xf32, #tpu.memory_space<vmem>> -> memref<64x128xf32, #tpu.memory_space<vmem>>
      %dma_start3A_585 = arith.constant 0 : i32
      %dma_start3A_586 = tpu.memref_slice %arg3[%dma_start3A_585, %multiple_of3A_579] : memref<64x1000000xf32, #tpu.memory_space<hbm>> -> memref<64x128xf32, #tpu.memory_space<hbm>>
      %dma_start3A_587 = arith.constant 0 : i32
      %dma_start3A_588 = arith.constant 0 : i32
      %dma_start3A_589 = tpu.memref_slice %arg6[%dma_start3A_580, %dma_start3A_587, %dma_start3A_588] : memref<8x64x128xf32, #tpu.memory_space<vmem>> -> memref<1x64x128xf32, #tpu.memory_space<vmem>>
      %dma_start3A_590 = tpu.memref_squeeze %dma_start3A_589 : memref<1x64x128xf32, #tpu.memory_space<vmem>> -> memref<64x128xf32, #tpu.memory_space<vmem>>
      %dma_start3A_591 = arith.constant 0 : i32
      %dma_start3A_592 = tpu.memref_slice %arg3[%dma_start3A_591, %multiple_of3A_579] : memref<64x1000000xf32, #tpu.memory_space<hbm>> -> memref<64x128xf32, #tpu.memory_space<hbm>>
      tpu.enqueue_dma source(%dma_start3A_592 : memref<64x128xf32, #tpu.memory_space<hbm>>) target(%dma_start3A_590 : memref<64x128xf32, #tpu.memory_space<vmem>>) target_semaphore(%arg11 : memref<!tpu.dma_semaphore, #tpu.memory_space<semaphore_mem>>)
      %dma_wait3A_593 = arith.constant 4 : i32
      %dma_wait3A_594 = arith.constant 0 : i32
      %dma_wait3A_595 = arith.constant 0 : i32
      %dma_wait3A_596 = tpu.memref_slice %arg6[%dma_wait3A_593, %dma_wait3A_594, %dma_wait3A_595] : memref<8x64x128xf32, #tpu.memory_space<vmem>> -> memref<1x64x128xf32, #tpu.memory_space<vmem>>
      %dma_wait3A_597 = tpu.memref_squeeze %dma_wait3A_596 : memref<1x64x128xf32, #tpu.memory_space<vmem>> -> memref<64x128xf32, #tpu.memory_space<vmem>>
      %dma_wait3A_598 = arith.constant 0 : i32
      %dma_wait3A_599 = arith.constant 0 : i32
      %dma_wait3A_600 = tpu.memref_slice %arg3[%dma_wait3A_598, %dma_wait3A_599] : memref<64x1000000xf32, #tpu.memory_space<hbm>> -> memref<64x128xf32, #tpu.memory_space<hbm>>
      %dma_wait3A_601 = arith.constant 0 : i32
      %dma_wait3A_602 = arith.constant 0 : i32
      %dma_wait3A_603 = tpu.memref_slice %arg6[%dma_wait3A_593, %dma_wait3A_601, %dma_wait3A_602] : memref<8x64x128xf32, #tpu.memory_space<vmem>> -> memref<1x64x128xf32, #tpu.memory_space<vmem>>
      %dma_wait3A_604 = tpu.memref_squeeze %dma_wait3A_603 : memref<1x64x128xf32, #tpu.memory_space<vmem>> -> memref<64x128xf32, #tpu.memory_space<vmem>>
      %dma_wait3A_605 = arith.constant 0 : i32
      %dma_wait3A_606 = arith.constant 0 : i32
      %dma_wait3A_607 = tpu.memref_slice %arg3[%dma_wait3A_605, %dma_wait3A_606] : memref<64x1000000xf32, #tpu.memory_space<hbm>> -> memref<64x128xf32, #tpu.memory_space<hbm>>
      tpu.wait_dma2 semaphore(%arg12 : memref<!tpu.dma_semaphore, #tpu.memory_space<semaphore_mem>>) src(%dma_wait3A_607 : memref<64x128xf32, #tpu.memory_space<hbm>>) dst(%dma_wait3A_604 : memref<64x128xf32, #tpu.memory_space<vmem>>)
      %slice3A_608 = vector.extract_strided_slice %scan3A_169 {offsets = [4], sizes = [1], strides = [1]} : vector<16xi32> to vector<1xi32>
      %squeeze3A_609 = vector.extract %slice3A_608[0] : i32 from vector<1xi32>
      %and3A_610 = arith.constant 127 : i32
      %and3A_611 = arith.andi %squeeze3A_609, %and3A_610 : i32
      %broadcast_in_dim3A_612 = vector.broadcast %and3A_611 : i32 to vector<16xi32>
      %jit3A_613 = arith.constant 8 : i32
      %eq3A_614 = arith.constant 0 : i32
      %eq3A_615 = arith.cmpi eq, %jit3A_613, %eq3A_614 : i32
      %jit3A_616 = arith.constant 1 : i32
      %select_n3A_617 = arith.select %eq3A_615, %jit3A_616, %jit3A_613 : i32
      %rem3A_618 = arith.remsi %scan3A_168, %select_n3A_617 : i32
      %ne3A_619 = arith.constant 0 : i32
      %ne3A_620 = arith.cmpi ne, %rem3A_618, %ne3A_619 : i32
      %lt3A_621 = arith.constant 0 : i32
      %lt3A_622 = arith.cmpi slt, %rem3A_618, %lt3A_621 : i32
      %lt3A_623 = arith.constant 0 : i32
      %lt3A_624 = arith.cmpi slt, %select_n3A_617, %lt3A_623 : i32
      %ne3A_625 = arith.xori %lt3A_622, %lt3A_624 : i1
      %and3A_626 = arith.andi %ne3A_625, %ne3A_620 : i1
      %add3A_627 = arith.addi %rem3A_618, %select_n3A_617 : i32
      %select_n3A_628 = arith.select %and3A_626, %add3A_627, %rem3A_618 : i32
      %mul3A_629 = arith.constant 16 : i32
      %mul3A_630 = arith.muli %select_n3A_628, %mul3A_629 : i32
      %add3A_631 = arith.constant 4 : i32
      %add3A_632 = arith.addi %mul3A_630, %add3A_631 : i32
      %broadcast_in_dim3A_633 = vector.broadcast %add3A_632 : i32 to vector<16xi32>
      %add3A_634 = arith.constant 0 : i32
      %add3A_635 = vector.broadcast %add3A_634 : i32 to vector<16xi32>
      %add3A_636 = arith.addi %iota3A, %add3A_635 : vector<16xi32>
      %gather3A_637 = arith.constant 4 : i32
      %gather3A_638 = arith.constant 0 : i32
      %gather3A_639 = arith.constant 0 : i32
      %gather3A_640 = tpu.memref_slice %arg6[%gather3A_637, %gather3A_638, %gather3A_639] : memref<8x64x128xf32, #tpu.memory_space<vmem>> -> memref<1x64x128xf32, #tpu.memory_space<vmem>>
      %gather3A_641 = tpu.memref_squeeze %gather3A_640 : memref<1x64x128xf32, #tpu.memory_space<vmem>> -> memref<64x128xf32, #tpu.memory_space<vmem>>
      %gather3A_642 = tpu.vector_load_idx %gather3A_641[%add3A_636, %broadcast_in_dim3A_612] : memref<64x128xf32, #tpu.memory_space<vmem>>[vector<16xi32>, vector<16xi32>], vector<16xf32>,
      tpu.vector_store_idx %arg7[%add3A_636, %broadcast_in_dim3A_633], %gather3A_642 : memref<64x128xf32, #tpu.memory_space<vmem>>[vector<16xi32>, vector<16xi32>], vector<16xf32>,
      %add3A_643 = arith.constant 16 : i32
      %add3A_644 = vector.broadcast %add3A_643 : i32 to vector<16xi32>
      %add3A_645 = arith.addi %iota3A, %add3A_644 : vector<16xi32>
      %gather3A_646 = arith.constant 4 : i32
      %gather3A_647 = arith.constant 0 : i32
      %gather3A_648 = arith.constant 0 : i32
      %gather3A_649 = tpu.memref_slice %arg6[%gather3A_646, %gather3A_647, %gather3A_648] : memref<8x64x128xf32, #tpu.memory_space<vmem>> -> memref<1x64x128xf32, #tpu.memory_space<vmem>>
      %gather3A_650 = tpu.memref_squeeze %gather3A_649 : memref<1x64x128xf32, #tpu.memory_space<vmem>> -> memref<64x128xf32, #tpu.memory_space<vmem>>
      %gather3A_651 = tpu.vector_load_idx %gather3A_650[%add3A_645, %broadcast_in_dim3A_612] : memref<64x128xf32, #tpu.memory_space<vmem>>[vector<16xi32>, vector<16xi32>], vector<16xf32>,
      tpu.vector_store_idx %arg7[%add3A_645, %broadcast_in_dim3A_633], %gather3A_651 : memref<64x128xf32, #tpu.memory_space<vmem>>[vector<16xi32>, vector<16xi32>], vector<16xf32>,
      %add3A_652 = arith.constant 32 : i32
      %add3A_653 = vector.broadcast %add3A_652 : i32 to vector<16xi32>
      %add3A_654 = arith.addi %iota3A, %add3A_653 : vector<16xi32>
      %gather3A_655 = arith.constant 4 : i32
      %gather3A_656 = arith.constant 0 : i32
      %gather3A_657 = arith.constant 0 : i32
      %gather3A_658 = tpu.memref_slice %arg6[%gather3A_655, %gather3A_656, %gather3A_657] : memref<8x64x128xf32, #tpu.memory_space<vmem>> -> memref<1x64x128xf32, #tpu.memory_space<vmem>>
      %gather3A_659 = tpu.memref_squeeze %gather3A_658 : memref<1x64x128xf32, #tpu.memory_space<vmem>> -> memref<64x128xf32, #tpu.memory_space<vmem>>
      %gather3A_660 = tpu.vector_load_idx %gather3A_659[%add3A_654, %broadcast_in_dim3A_612] : memref<64x128xf32, #tpu.memory_space<vmem>>[vector<16xi32>, vector<16xi32>], vector<16xf32>,
      tpu.vector_store_idx %arg7[%add3A_654, %broadcast_in_dim3A_633], %gather3A_660 : memref<64x128xf32, #tpu.memory_space<vmem>>[vector<16xi32>, vector<16xi32>], vector<16xf32>,
      %add3A_661 = arith.constant 48 : i32
      %add3A_662 = vector.broadcast %add3A_661 : i32 to vector<16xi32>
      %add3A_663 = arith.addi %iota3A, %add3A_662 : vector<16xi32>
      %gather3A_664 = arith.constant 4 : i32
      %gather3A_665 = arith.constant 0 : i32
      %gather3A_666 = arith.constant 0 : i32
      %gather3A_667 = tpu.memref_slice %arg6[%gather3A_664, %gather3A_665, %gather3A_666] : memref<8x64x128xf32, #tpu.memory_space<vmem>> -> memref<1x64x128xf32, #tpu.memory_space<vmem>>
      %gather3A_668 = tpu.memref_squeeze %gather3A_667 : memref<1x64x128xf32, #tpu.memory_space<vmem>> -> memref<64x128xf32, #tpu.memory_space<vmem>>
      %gather3A_669 = tpu.vector_load_idx %gather3A_668[%add3A_663, %broadcast_in_dim3A_612] : memref<64x128xf32, #tpu.memory_space<vmem>>[vector<16xi32>, vector<16xi32>], vector<16xf32>,
      tpu.vector_store_idx %arg7[%add3A_663, %broadcast_in_dim3A_633], %gather3A_669 : memref<64x128xf32, #tpu.memory_space<vmem>>[vector<16xi32>, vector<16xi32>], vector<16xf32>,
      %slice3A_670 = vector.extract_strided_slice %scan3A_169 {offsets = [12], sizes = [1], strides = [1]} : vector<16xi32> to vector<1xi32>
      %squeeze3A_671 = vector.extract %slice3A_670[0] : i32 from vector<1xi32>
      %shift_right_arithmetic3A_672 = arith.constant 7 : i32
      %shift_right_arithmetic3A_673 = arith.shrsi %squeeze3A_671, %shift_right_arithmetic3A_672 : i32
      %mul3A_674 = arith.constant 128 : i32
      %mul3A_675 = arith.muli %shift_right_arithmetic3A_673, %mul3A_674 : i32
      %multiple_of3A_676 = tpu.assume_multiple %mul3A_675, 128 : i32
      %dma_start3A_677 = arith.constant 4 : i32
      %dma_start3A_678 = arith.constant 0 : i32
      %dma_start3A_679 = arith.constant 0 : i32
      %dma_start3A_680 = tpu.memref_slice %arg6[%dma_start3A_677, %dma_start3A_678, %dma_start3A_679] : memref<8x64x128xf32, #tpu.memory_space<vmem>> -> memref<1x64x128xf32, #tpu.memory_space<vmem>>
      %dma_start3A_681 = tpu.memref_squeeze %dma_start3A_680 : memref<1x64x128xf32, #tpu.memory_space<vmem>> -> memref<64x128xf32, #tpu.memory_space<vmem>>
      %dma_start3A_682 = arith.constant 0 : i32
      %dma_start3A_683 = tpu.memref_slice %arg3[%dma_start3A_682, %multiple_of3A_676] : memref<64x1000000xf32, #tpu.memory_space<hbm>> -> memref<64x128xf32, #tpu.memory_space<hbm>>
      %dma_start3A_684 = arith.constant 0 : i32
      %dma_start3A_685 = arith.constant 0 : i32
      %dma_start3A_686 = tpu.memref_slice %arg6[%dma_start3A_677, %dma_start3A_684, %dma_start3A_685] : memref<8x64x128xf32, #tpu.memory_space<vmem>> -> memref<1x64x128xf32, #tpu.memory_space<vmem>>
      %dma_start3A_687 = tpu.memref_squeeze %dma_start3A_686 : memref<1x64x128xf32, #tpu.memory_space<vmem>> -> memref<64x128xf32, #tpu.memory_space<vmem>>
      %dma_start3A_688 = arith.constant 0 : i32
      %dma_start3A_689 = tpu.memref_slice %arg3[%dma_start3A_688, %multiple_of3A_676] : memref<64x1000000xf32, #tpu.memory_space<hbm>> -> memref<64x128xf32, #tpu.memory_space<hbm>>
      tpu.enqueue_dma source(%dma_start3A_689 : memref<64x128xf32, #tpu.memory_space<hbm>>) target(%dma_start3A_687 : memref<64x128xf32, #tpu.memory_space<vmem>>) target_semaphore(%arg12 : memref<!tpu.dma_semaphore, #tpu.memory_space<semaphore_mem>>)
      %dma_wait3A_690 = arith.constant 5 : i32
      %dma_wait3A_691 = arith.constant 0 : i32
      %dma_wait3A_692 = arith.constant 0 : i32
      %dma_wait3A_693 = tpu.memref_slice %arg6[%dma_wait3A_690, %dma_wait3A_691, %dma_wait3A_692] : memref<8x64x128xf32, #tpu.memory_space<vmem>> -> memref<1x64x128xf32, #tpu.memory_space<vmem>>
      %dma_wait3A_694 = tpu.memref_squeeze %dma_wait3A_693 : memref<1x64x128xf32, #tpu.memory_space<vmem>> -> memref<64x128xf32, #tpu.memory_space<vmem>>
      %dma_wait3A_695 = arith.constant 0 : i32
      %dma_wait3A_696 = arith.constant 0 : i32
      %dma_wait3A_697 = tpu.memref_slice %arg3[%dma_wait3A_695, %dma_wait3A_696] : memref<64x1000000xf32, #tpu.memory_space<hbm>> -> memref<64x128xf32, #tpu.memory_space<hbm>>
      %dma_wait3A_698 = arith.constant 0 : i32
      %dma_wait3A_699 = arith.constant 0 : i32
      %dma_wait3A_700 = tpu.memref_slice %arg6[%dma_wait3A_690, %dma_wait3A_698, %dma_wait3A_699] : memref<8x64x128xf32, #tpu.memory_space<vmem>> -> memref<1x64x128xf32, #tpu.memory_space<vmem>>
      %dma_wait3A_701 = tpu.memref_squeeze %dma_wait3A_700 : memref<1x64x128xf32, #tpu.memory_space<vmem>> -> memref<64x128xf32, #tpu.memory_space<vmem>>
      %dma_wait3A_702 = arith.constant 0 : i32
      %dma_wait3A_703 = arith.constant 0 : i32
      %dma_wait3A_704 = tpu.memref_slice %arg3[%dma_wait3A_702, %dma_wait3A_703] : memref<64x1000000xf32, #tpu.memory_space<hbm>> -> memref<64x128xf32, #tpu.memory_space<hbm>>
      tpu.wait_dma2 semaphore(%arg13 : memref<!tpu.dma_semaphore, #tpu.memory_space<semaphore_mem>>) src(%dma_wait3A_704 : memref<64x128xf32, #tpu.memory_space<hbm>>) dst(%dma_wait3A_701 : memref<64x128xf32, #tpu.memory_space<vmem>>)
      %slice3A_705 = vector.extract_strided_slice %scan3A_169 {offsets = [5], sizes = [1], strides = [1]} : vector<16xi32> to vector<1xi32>
      %squeeze3A_706 = vector.extract %slice3A_705[0] : i32 from vector<1xi32>
      %and3A_707 = arith.constant 127 : i32
      %and3A_708 = arith.andi %squeeze3A_706, %and3A_707 : i32
      %broadcast_in_dim3A_709 = vector.broadcast %and3A_708 : i32 to vector<16xi32>
      %jit3A_710 = arith.constant 8 : i32
      %eq3A_711 = arith.constant 0 : i32
      %eq3A_712 = arith.cmpi eq, %jit3A_710, %eq3A_711 : i32
      %jit3A_713 = arith.constant 1 : i32
      %select_n3A_714 = arith.select %eq3A_712, %jit3A_713, %jit3A_710 : i32
      %rem3A_715 = arith.remsi %scan3A_168, %select_n3A_714 : i32
      %ne3A_716 = arith.constant 0 : i32
      %ne3A_717 = arith.cmpi ne, %rem3A_715, %ne3A_716 : i32
      %lt3A_718 = arith.constant 0 : i32
      %lt3A_719 = arith.cmpi slt, %rem3A_715, %lt3A_718 : i32
      %lt3A_720 = arith.constant 0 : i32
      %lt3A_721 = arith.cmpi slt, %select_n3A_714, %lt3A_720 : i32
      %ne3A_722 = arith.xori %lt3A_719, %lt3A_721 : i1
      %and3A_723 = arith.andi %ne3A_722, %ne3A_717 : i1
      %add3A_724 = arith.addi %rem3A_715, %select_n3A_714 : i32
      %select_n3A_725 = arith.select %and3A_723, %add3A_724, %rem3A_715 : i32
      %mul3A_726 = arith.constant 16 : i32
      %mul3A_727 = arith.muli %select_n3A_725, %mul3A_726 : i32
      %add3A_728 = arith.constant 5 : i32
      %add3A_729 = arith.addi %mul3A_727, %add3A_728 : i32
      %broadcast_in_dim3A_730 = vector.broadcast %add3A_729 : i32 to vector<16xi32>
      %add3A_731 = arith.constant 0 : i32
      %add3A_732 = vector.broadcast %add3A_731 : i32 to vector<16xi32>
      %add3A_733 = arith.addi %iota3A, %add3A_732 : vector<16xi32>
      %gather3A_734 = arith.constant 5 : i32
      %gather3A_735 = arith.constant 0 : i32
      %gather3A_736 = arith.constant 0 : i32
      %gather3A_737 = tpu.memref_slice %arg6[%gather3A_734, %gather3A_735, %gather3A_736] : memref<8x64x128xf32, #tpu.memory_space<vmem>> -> memref<1x64x128xf32, #tpu.memory_space<vmem>>
      %gather3A_738 = tpu.memref_squeeze %gather3A_737 : memref<1x64x128xf32, #tpu.memory_space<vmem>> -> memref<64x128xf32, #tpu.memory_space<vmem>>
      %gather3A_739 = tpu.vector_load_idx %gather3A_738[%add3A_733, %broadcast_in_dim3A_709] : memref<64x128xf32, #tpu.memory_space<vmem>>[vector<16xi32>, vector<16xi32>], vector<16xf32>,
      tpu.vector_store_idx %arg7[%add3A_733, %broadcast_in_dim3A_730], %gather3A_739 : memref<64x128xf32, #tpu.memory_space<vmem>>[vector<16xi32>, vector<16xi32>], vector<16xf32>,
      %add3A_740 = arith.constant 16 : i32
      %add3A_741 = vector.broadcast %add3A_740 : i32 to vector<16xi32>
      %add3A_742 = arith.addi %iota3A, %add3A_741 : vector<16xi32>
      %gather3A_743 = arith.constant 5 : i32
      %gather3A_744 = arith.constant 0 : i32
      %gather3A_745 = arith.constant 0 : i32
      %gather3A_746 = tpu.memref_slice %arg6[%gather3A_743, %gather3A_744, %gather3A_745] : memref<8x64x128xf32, #tpu.memory_space<vmem>> -> memref<1x64x128xf32, #tpu.memory_space<vmem>>
      %gather3A_747 = tpu.memref_squeeze %gather3A_746 : memref<1x64x128xf32, #tpu.memory_space<vmem>> -> memref<64x128xf32, #tpu.memory_space<vmem>>
      %gather3A_748 = tpu.vector_load_idx %gather3A_747[%add3A_742, %broadcast_in_dim3A_709] : memref<64x128xf32, #tpu.memory_space<vmem>>[vector<16xi32>, vector<16xi32>], vector<16xf32>,
      tpu.vector_store_idx %arg7[%add3A_742, %broadcast_in_dim3A_730], %gather3A_748 : memref<64x128xf32, #tpu.memory_space<vmem>>[vector<16xi32>, vector<16xi32>], vector<16xf32>,
      %add3A_749 = arith.constant 32 : i32
      %add3A_750 = vector.broadcast %add3A_749 : i32 to vector<16xi32>
      %add3A_751 = arith.addi %iota3A, %add3A_750 : vector<16xi32>
      %gather3A_752 = arith.constant 5 : i32
      %gather3A_753 = arith.constant 0 : i32
      %gather3A_754 = arith.constant 0 : i32
      %gather3A_755 = tpu.memref_slice %arg6[%gather3A_752, %gather3A_753, %gather3A_754] : memref<8x64x128xf32, #tpu.memory_space<vmem>> -> memref<1x64x128xf32, #tpu.memory_space<vmem>>
      %gather3A_756 = tpu.memref_squeeze %gather3A_755 : memref<1x64x128xf32, #tpu.memory_space<vmem>> -> memref<64x128xf32, #tpu.memory_space<vmem>>
      %gather3A_757 = tpu.vector_load_idx %gather3A_756[%add3A_751, %broadcast_in_dim3A_709] : memref<64x128xf32, #tpu.memory_space<vmem>>[vector<16xi32>, vector<16xi32>], vector<16xf32>,
      tpu.vector_store_idx %arg7[%add3A_751, %broadcast_in_dim3A_730], %gather3A_757 : memref<64x128xf32, #tpu.memory_space<vmem>>[vector<16xi32>, vector<16xi32>], vector<16xf32>,
      %add3A_758 = arith.constant 48 : i32
      %add3A_759 = vector.broadcast %add3A_758 : i32 to vector<16xi32>
      %add3A_760 = arith.addi %iota3A, %add3A_759 : vector<16xi32>
      %gather3A_761 = arith.constant 5 : i32
      %gather3A_762 = arith.constant 0 : i32
      %gather3A_763 = arith.constant 0 : i32
      %gather3A_764 = tpu.memref_slice %arg6[%gather3A_761, %gather3A_762, %gather3A_763] : memref<8x64x128xf32, #tpu.memory_space<vmem>> -> memref<1x64x128xf32, #tpu.memory_space<vmem>>
      %gather3A_765 = tpu.memref_squeeze %gather3A_764 : memref<1x64x128xf32, #tpu.memory_space<vmem>> -> memref<64x128xf32, #tpu.memory_space<vmem>>
      %gather3A_766 = tpu.vector_load_idx %gather3A_765[%add3A_760, %broadcast_in_dim3A_709] : memref<64x128xf32, #tpu.memory_space<vmem>>[vector<16xi32>, vector<16xi32>], vector<16xf32>,
      tpu.vector_store_idx %arg7[%add3A_760, %broadcast_in_dim3A_730], %gather3A_766 : memref<64x128xf32, #tpu.memory_space<vmem>>[vector<16xi32>, vector<16xi32>], vector<16xf32>,
      %slice3A_767 = vector.extract_strided_slice %scan3A_169 {offsets = [13], sizes = [1], strides = [1]} : vector<16xi32> to vector<1xi32>
      %squeeze3A_768 = vector.extract %slice3A_767[0] : i32 from vector<1xi32>
      %shift_right_arithmetic3A_769 = arith.constant 7 : i32
      %shift_right_arithmetic3A_770 = arith.shrsi %squeeze3A_768, %shift_right_arithmetic3A_769 : i32
      %mul3A_771 = arith.constant 128 : i32
      %mul3A_772 = arith.muli %shift_right_arithmetic3A_770, %mul3A_771 : i32
      %multiple_of3A_773 = tpu.assume_multiple %mul3A_772, 128 : i32
      %dma_start3A_774 = arith.constant 5 : i32
      %dma_start3A_775 = arith.constant 0 : i32
      %dma_start3A_776 = arith.constant 0 : i32
      %dma_start3A_777 = tpu.memref_slice %arg6[%dma_start3A_774, %dma_start3A_775, %dma_start3A_776] : memref<8x64x128xf32, #tpu.memory_space<vmem>> -> memref<1x64x128xf32, #tpu.memory_space<vmem>>
      %dma_start3A_778 = tpu.memref_squeeze %dma_start3A_777 : memref<1x64x128xf32, #tpu.memory_space<vmem>> -> memref<64x128xf32, #tpu.memory_space<vmem>>
      %dma_start3A_779 = arith.constant 0 : i32
      %dma_start3A_780 = tpu.memref_slice %arg3[%dma_start3A_779, %multiple_of3A_773] : memref<64x1000000xf32, #tpu.memory_space<hbm>> -> memref<64x128xf32, #tpu.memory_space<hbm>>
      %dma_start3A_781 = arith.constant 0 : i32
      %dma_start3A_782 = arith.constant 0 : i32
      %dma_start3A_783 = tpu.memref_slice %arg6[%dma_start3A_774, %dma_start3A_781, %dma_start3A_782] : memref<8x64x128xf32, #tpu.memory_space<vmem>> -> memref<1x64x128xf32, #tpu.memory_space<vmem>>
      %dma_start3A_784 = tpu.memref_squeeze %dma_start3A_783 : memref<1x64x128xf32, #tpu.memory_space<vmem>> -> memref<64x128xf32, #tpu.memory_space<vmem>>
      %dma_start3A_785 = arith.constant 0 : i32
      %dma_start3A_786 = tpu.memref_slice %arg3[%dma_start3A_785, %multiple_of3A_773] : memref<64x1000000xf32, #tpu.memory_space<hbm>> -> memref<64x128xf32, #tpu.memory_space<hbm>>
      tpu.enqueue_dma source(%dma_start3A_786 : memref<64x128xf32, #tpu.memory_space<hbm>>) target(%dma_start3A_784 : memref<64x128xf32, #tpu.memory_space<vmem>>) target_semaphore(%arg13 : memref<!tpu.dma_semaphore, #tpu.memory_space<semaphore_mem>>)
      %dma_wait3A_787 = arith.constant 6 : i32
      %dma_wait3A_788 = arith.constant 0 : i32
      %dma_wait3A_789 = arith.constant 0 : i32
      %dma_wait3A_790 = tpu.memref_slice %arg6[%dma_wait3A_787, %dma_wait3A_788, %dma_wait3A_789] : memref<8x64x128xf32, #tpu.memory_space<vmem>> -> memref<1x64x128xf32, #tpu.memory_space<vmem>>
      %dma_wait3A_791 = tpu.memref_squeeze %dma_wait3A_790 : memref<1x64x128xf32, #tpu.memory_space<vmem>> -> memref<64x128xf32, #tpu.memory_space<vmem>>
      %dma_wait3A_792 = arith.constant 0 : i32
      %dma_wait3A_793 = arith.constant 0 : i32
      %dma_wait3A_794 = tpu.memref_slice %arg3[%dma_wait3A_792, %dma_wait3A_793] : memref<64x1000000xf32, #tpu.memory_space<hbm>> -> memref<64x128xf32, #tpu.memory_space<hbm>>
      %dma_wait3A_795 = arith.constant 0 : i32
      %dma_wait3A_796 = arith.constant 0 : i32
      %dma_wait3A_797 = tpu.memref_slice %arg6[%dma_wait3A_787, %dma_wait3A_795, %dma_wait3A_796] : memref<8x64x128xf32, #tpu.memory_space<vmem>> -> memref<1x64x128xf32, #tpu.memory_space<vmem>>
      %dma_wait3A_798 = tpu.memref_squeeze %dma_wait3A_797 : memref<1x64x128xf32, #tpu.memory_space<vmem>> -> memref<64x128xf32, #tpu.memory_space<vmem>>
      %dma_wait3A_799 = arith.constant 0 : i32
      %dma_wait3A_800 = arith.constant 0 : i32
      %dma_wait3A_801 = tpu.memref_slice %arg3[%dma_wait3A_799, %dma_wait3A_800] : memref<64x1000000xf32, #tpu.memory_space<hbm>> -> memref<64x128xf32, #tpu.memory_space<hbm>>
      tpu.wait_dma2 semaphore(%arg14 : memref<!tpu.dma_semaphore, #tpu.memory_space<semaphore_mem>>) src(%dma_wait3A_801 : memref<64x128xf32, #tpu.memory_space<hbm>>) dst(%dma_wait3A_798 : memref<64x128xf32, #tpu.memory_space<vmem>>)
      %slice3A_802 = vector.extract_strided_slice %scan3A_169 {offsets = [6], sizes = [1], strides = [1]} : vector<16xi32> to vector<1xi32>
      %squeeze3A_803 = vector.extract %slice3A_802[0] : i32 from vector<1xi32>
      %and3A_804 = arith.constant 127 : i32
      %and3A_805 = arith.andi %squeeze3A_803, %and3A_804 : i32
      %broadcast_in_dim3A_806 = vector.broadcast %and3A_805 : i32 to vector<16xi32>
      %jit3A_807 = arith.constant 8 : i32
      %eq3A_808 = arith.constant 0 : i32
      %eq3A_809 = arith.cmpi eq, %jit3A_807, %eq3A_808 : i32
      %jit3A_810 = arith.constant 1 : i32
      %select_n3A_811 = arith.select %eq3A_809, %jit3A_810, %jit3A_807 : i32
      %rem3A_812 = arith.remsi %scan3A_168, %select_n3A_811 : i32
      %ne3A_813 = arith.constant 0 : i32
      %ne3A_814 = arith.cmpi ne, %rem3A_812, %ne3A_813 : i32
      %lt3A_815 = arith.constant 0 : i32
      %lt3A_816 = arith.cmpi slt, %rem3A_812, %lt3A_815 : i32
      %lt3A_817 = arith.constant 0 : i32
      %lt3A_818 = arith.cmpi slt, %select_n3A_811, %lt3A_817 : i32
      %ne3A_819 = arith.xori %lt3A_816, %lt3A_818 : i1
      %and3A_820 = arith.andi %ne3A_819, %ne3A_814 : i1
      %add3A_821 = arith.addi %rem3A_812, %select_n3A_811 : i32
      %select_n3A_822 = arith.select %and3A_820, %add3A_821, %rem3A_812 : i32
      %mul3A_823 = arith.constant 16 : i32
      %mul3A_824 = arith.muli %select_n3A_822, %mul3A_823 : i32
      %add3A_825 = arith.constant 6 : i32
      %add3A_826 = arith.addi %mul3A_824, %add3A_825 : i32
      %broadcast_in_dim3A_827 = vector.broadcast %add3A_826 : i32 to vector<16xi32>
      %add3A_828 = arith.constant 0 : i32
      %add3A_829 = vector.broadcast %add3A_828 : i32 to vector<16xi32>
      %add3A_830 = arith.addi %iota3A, %add3A_829 : vector<16xi32>
      %gather3A_831 = arith.constant 6 : i32
      %gather3A_832 = arith.constant 0 : i32
      %gather3A_833 = arith.constant 0 : i32
      %gather3A_834 = tpu.memref_slice %arg6[%gather3A_831, %gather3A_832, %gather3A_833] : memref<8x64x128xf32, #tpu.memory_space<vmem>> -> memref<1x64x128xf32, #tpu.memory_space<vmem>>
      %gather3A_835 = tpu.memref_squeeze %gather3A_834 : memref<1x64x128xf32, #tpu.memory_space<vmem>> -> memref<64x128xf32, #tpu.memory_space<vmem>>
      %gather3A_836 = tpu.vector_load_idx %gather3A_835[%add3A_830, %broadcast_in_dim3A_806] : memref<64x128xf32, #tpu.memory_space<vmem>>[vector<16xi32>, vector<16xi32>], vector<16xf32>,
      tpu.vector_store_idx %arg7[%add3A_830, %broadcast_in_dim3A_827], %gather3A_836 : memref<64x128xf32, #tpu.memory_space<vmem>>[vector<16xi32>, vector<16xi32>], vector<16xf32>,
      %add3A_837 = arith.constant 16 : i32
      %add3A_838 = vector.broadcast %add3A_837 : i32 to vector<16xi32>
      %add3A_839 = arith.addi %iota3A, %add3A_838 : vector<16xi32>
      %gather3A_840 = arith.constant 6 : i32
      %gather3A_841 = arith.constant 0 : i32
      %gather3A_842 = arith.constant 0 : i32
      %gather3A_843 = tpu.memref_slice %arg6[%gather3A_840, %gather3A_841, %gather3A_842] : memref<8x64x128xf32, #tpu.memory_space<vmem>> -> memref<1x64x128xf32, #tpu.memory_space<vmem>>
      %gather3A_844 = tpu.memref_squeeze %gather3A_843 : memref<1x64x128xf32, #tpu.memory_space<vmem>> -> memref<64x128xf32, #tpu.memory_space<vmem>>
      %gather3A_845 = tpu.vector_load_idx %gather3A_844[%add3A_839, %broadcast_in_dim3A_806] : memref<64x128xf32, #tpu.memory_space<vmem>>[vector<16xi32>, vector<16xi32>], vector<16xf32>,
      tpu.vector_store_idx %arg7[%add3A_839, %broadcast_in_dim3A_827], %gather3A_845 : memref<64x128xf32, #tpu.memory_space<vmem>>[vector<16xi32>, vector<16xi32>], vector<16xf32>,
      %add3A_846 = arith.constant 32 : i32
      %add3A_847 = vector.broadcast %add3A_846 : i32 to vector<16xi32>
      %add3A_848 = arith.addi %iota3A, %add3A_847 : vector<16xi32>
      %gather3A_849 = arith.constant 6 : i32
      %gather3A_850 = arith.constant 0 : i32
      %gather3A_851 = arith.constant 0 : i32
      %gather3A_852 = tpu.memref_slice %arg6[%gather3A_849, %gather3A_850, %gather3A_851] : memref<8x64x128xf32, #tpu.memory_space<vmem>> -> memref<1x64x128xf32, #tpu.memory_space<vmem>>
      %gather3A_853 = tpu.memref_squeeze %gather3A_852 : memref<1x64x128xf32, #tpu.memory_space<vmem>> -> memref<64x128xf32, #tpu.memory_space<vmem>>
      %gather3A_854 = tpu.vector_load_idx %gather3A_853[%add3A_848, %broadcast_in_dim3A_806] : memref<64x128xf32, #tpu.memory_space<vmem>>[vector<16xi32>, vector<16xi32>], vector<16xf32>,
      tpu.vector_store_idx %arg7[%add3A_848, %broadcast_in_dim3A_827], %gather3A_854 : memref<64x128xf32, #tpu.memory_space<vmem>>[vector<16xi32>, vector<16xi32>], vector<16xf32>,
      %add3A_855 = arith.constant 48 : i32
      %add3A_856 = vector.broadcast %add3A_855 : i32 to vector<16xi32>
      %add3A_857 = arith.addi %iota3A, %add3A_856 : vector<16xi32>
      %gather3A_858 = arith.constant 6 : i32
      %gather3A_859 = arith.constant 0 : i32
      %gather3A_860 = arith.constant 0 : i32
      %gather3A_861 = tpu.memref_slice %arg6[%gather3A_858, %gather3A_859, %gather3A_860] : memref<8x64x128xf32, #tpu.memory_space<vmem>> -> memref<1x64x128xf32, #tpu.memory_space<vmem>>
      %gather3A_862 = tpu.memref_squeeze %gather3A_861 : memref<1x64x128xf32, #tpu.memory_space<vmem>> -> memref<64x128xf32, #tpu.memory_space<vmem>>
      %gather3A_863 = tpu.vector_load_idx %gather3A_862[%add3A_857, %broadcast_in_dim3A_806] : memref<64x128xf32, #tpu.memory_space<vmem>>[vector<16xi32>, vector<16xi32>], vector<16xf32>,
      tpu.vector_store_idx %arg7[%add3A_857, %broadcast_in_dim3A_827], %gather3A_863 : memref<64x128xf32, #tpu.memory_space<vmem>>[vector<16xi32>, vector<16xi32>], vector<16xf32>,
      %slice3A_864 = vector.extract_strided_slice %scan3A_169 {offsets = [14], sizes = [1], strides = [1]} : vector<16xi32> to vector<1xi32>
      %squeeze3A_865 = vector.extract %slice3A_864[0] : i32 from vector<1xi32>
      %shift_right_arithmetic3A_866 = arith.constant 7 : i32
      %shift_right_arithmetic3A_867 = arith.shrsi %squeeze3A_865, %shift_right_arithmetic3A_866 : i32
      %mul3A_868 = arith.constant 128 : i32
      %mul3A_869 = arith.muli %shift_right_arithmetic3A_867, %mul3A_868 : i32
      %multiple_of3A_870 = tpu.assume_multiple %mul3A_869, 128 : i32
      %dma_start3A_871 = arith.constant 6 : i32
      %dma_start3A_872 = arith.constant 0 : i32
      %dma_start3A_873 = arith.constant 0 : i32
      %dma_start3A_874 = tpu.memref_slice %arg6[%dma_start3A_871, %dma_start3A_872, %dma_start3A_873] : memref<8x64x128xf32, #tpu.memory_space<vmem>> -> memref<1x64x128xf32, #tpu.memory_space<vmem>>
      %dma_start3A_875 = tpu.memref_squeeze %dma_start3A_874 : memref<1x64x128xf32, #tpu.memory_space<vmem>> -> memref<64x128xf32, #tpu.memory_space<vmem>>
      %dma_start3A_876 = arith.constant 0 : i32
      %dma_start3A_877 = tpu.memref_slice %arg3[%dma_start3A_876, %multiple_of3A_870] : memref<64x1000000xf32, #tpu.memory_space<hbm>> -> memref<64x128xf32, #tpu.memory_space<hbm>>
      %dma_start3A_878 = arith.constant 0 : i32
      %dma_start3A_879 = arith.constant 0 : i32
      %dma_start3A_880 = tpu.memref_slice %arg6[%dma_start3A_871, %dma_start3A_878, %dma_start3A_879] : memref<8x64x128xf32, #tpu.memory_space<vmem>> -> memref<1x64x128xf32, #tpu.memory_space<vmem>>
      %dma_start3A_881 = tpu.memref_squeeze %dma_start3A_880 : memref<1x64x128xf32, #tpu.memory_space<vmem>> -> memref<64x128xf32, #tpu.memory_space<vmem>>
      %dma_start3A_882 = arith.constant 0 : i32
      %dma_start3A_883 = tpu.memref_slice %arg3[%dma_start3A_882, %multiple_of3A_870] : memref<64x1000000xf32, #tpu.memory_space<hbm>> -> memref<64x128xf32, #tpu.memory_space<hbm>>
      tpu.enqueue_dma source(%dma_start3A_883 : memref<64x128xf32, #tpu.memory_space<hbm>>) target(%dma_start3A_881 : memref<64x128xf32, #tpu.memory_space<vmem>>) target_semaphore(%arg14 : memref<!tpu.dma_semaphore, #tpu.memory_space<semaphore_mem>>)
      %dma_wait3A_884 = arith.constant 7 : i32
      %dma_wait3A_885 = arith.constant 0 : i32
      %dma_wait3A_886 = arith.constant 0 : i32
      %dma_wait3A_887 = tpu.memref_slice %arg6[%dma_wait3A_884, %dma_wait3A_885, %dma_wait3A_886] : memref<8x64x128xf32, #tpu.memory_space<vmem>> -> memref<1x64x128xf32, #tpu.memory_space<vmem>>
      %dma_wait3A_888 = tpu.memref_squeeze %dma_wait3A_887 : memref<1x64x128xf32, #tpu.memory_space<vmem>> -> memref<64x128xf32, #tpu.memory_space<vmem>>
      %dma_wait3A_889 = arith.constant 0 : i32
      %dma_wait3A_890 = arith.constant 0 : i32
      %dma_wait3A_891 = tpu.memref_slice %arg3[%dma_wait3A_889, %dma_wait3A_890] : memref<64x1000000xf32, #tpu.memory_space<hbm>> -> memref<64x128xf32, #tpu.memory_space<hbm>>
      %dma_wait3A_892 = arith.constant 0 : i32
      %dma_wait3A_893 = arith.constant 0 : i32
      %dma_wait3A_894 = tpu.memref_slice %arg6[%dma_wait3A_884, %dma_wait3A_892, %dma_wait3A_893] : memref<8x64x128xf32, #tpu.memory_space<vmem>> -> memref<1x64x128xf32, #tpu.memory_space<vmem>>
      %dma_wait3A_895 = tpu.memref_squeeze %dma_wait3A_894 : memref<1x64x128xf32, #tpu.memory_space<vmem>> -> memref<64x128xf32, #tpu.memory_space<vmem>>
      %dma_wait3A_896 = arith.constant 0 : i32
      %dma_wait3A_897 = arith.constant 0 : i32
      %dma_wait3A_898 = tpu.memref_slice %arg3[%dma_wait3A_896, %dma_wait3A_897] : memref<64x1000000xf32, #tpu.memory_space<hbm>> -> memref<64x128xf32, #tpu.memory_space<hbm>>
      tpu.wait_dma2 semaphore(%arg15 : memref<!tpu.dma_semaphore, #tpu.memory_space<semaphore_mem>>) src(%dma_wait3A_898 : memref<64x128xf32, #tpu.memory_space<hbm>>) dst(%dma_wait3A_895 : memref<64x128xf32, #tpu.memory_space<vmem>>)
      %slice3A_899 = vector.extract_strided_slice %scan3A_169 {offsets = [7], sizes = [1], strides = [1]} : vector<16xi32> to vector<1xi32>
      %squeeze3A_900 = vector.extract %slice3A_899[0] : i32 from vector<1xi32>
      %and3A_901 = arith.constant 127 : i32
      %and3A_902 = arith.andi %squeeze3A_900, %and3A_901 : i32
      %broadcast_in_dim3A_903 = vector.broadcast %and3A_902 : i32 to vector<16xi32>
      %jit3A_904 = arith.constant 8 : i32
      %eq3A_905 = arith.constant 0 : i32
      %eq3A_906 = arith.cmpi eq, %jit3A_904, %eq3A_905 : i32
      %jit3A_907 = arith.constant 1 : i32
      %select_n3A_908 = arith.select %eq3A_906, %jit3A_907, %jit3A_904 : i32
      %rem3A_909 = arith.remsi %scan3A_168, %select_n3A_908 : i32
      %ne3A_910 = arith.constant 0 : i32
      %ne3A_911 = arith.cmpi ne, %rem3A_909, %ne3A_910 : i32
      %lt3A_912 = arith.constant 0 : i32
      %lt3A_913 = arith.cmpi slt, %rem3A_909, %lt3A_912 : i32
      %lt3A_914 = arith.constant 0 : i32
      %lt3A_915 = arith.cmpi slt, %select_n3A_908, %lt3A_914 : i32
      %ne3A_916 = arith.xori %lt3A_913, %lt3A_915 : i1
      %and3A_917 = arith.andi %ne3A_916, %ne3A_911 : i1
      %add3A_918 = arith.addi %rem3A_909, %select_n3A_908 : i32
      %select_n3A_919 = arith.select %and3A_917, %add3A_918, %rem3A_909 : i32
      %mul3A_920 = arith.constant 16 : i32
      %mul3A_921 = arith.muli %select_n3A_919, %mul3A_920 : i32
      %add3A_922 = arith.constant 7 : i32
      %add3A_923 = arith.addi %mul3A_921, %add3A_922 : i32
      %broadcast_in_dim3A_924 = vector.broadcast %add3A_923 : i32 to vector<16xi32>
      %add3A_925 = arith.constant 0 : i32
      %add3A_926 = vector.broadcast %add3A_925 : i32 to vector<16xi32>
      %add3A_927 = arith.addi %iota3A, %add3A_926 : vector<16xi32>
      %gather3A_928 = arith.constant 7 : i32
      %gather3A_929 = arith.constant 0 : i32
      %gather3A_930 = arith.constant 0 : i32
      %gather3A_931 = tpu.memref_slice %arg6[%gather3A_928, %gather3A_929, %gather3A_930] : memref<8x64x128xf32, #tpu.memory_space<vmem>> -> memref<1x64x128xf32, #tpu.memory_space<vmem>>
      %gather3A_932 = tpu.memref_squeeze %gather3A_931 : memref<1x64x128xf32, #tpu.memory_space<vmem>> -> memref<64x128xf32, #tpu.memory_space<vmem>>
      %gather3A_933 = tpu.vector_load_idx %gather3A_932[%add3A_927, %broadcast_in_dim3A_903] : memref<64x128xf32, #tpu.memory_space<vmem>>[vector<16xi32>, vector<16xi32>], vector<16xf32>,
      tpu.vector_store_idx %arg7[%add3A_927, %broadcast_in_dim3A_924], %gather3A_933 : memref<64x128xf32, #tpu.memory_space<vmem>>[vector<16xi32>, vector<16xi32>], vector<16xf32>,
      %add3A_934 = arith.constant 16 : i32
      %add3A_935 = vector.broadcast %add3A_934 : i32 to vector<16xi32>
      %add3A_936 = arith.addi %iota3A, %add3A_935 : vector<16xi32>
      %gather3A_937 = arith.constant 7 : i32
      %gather3A_938 = arith.constant 0 : i32
      %gather3A_939 = arith.constant 0 : i32
      %gather3A_940 = tpu.memref_slice %arg6[%gather3A_937, %gather3A_938, %gather3A_939] : memref<8x64x128xf32, #tpu.memory_space<vmem>> -> memref<1x64x128xf32, #tpu.memory_space<vmem>>
      %gather3A_941 = tpu.memref_squeeze %gather3A_940 : memref<1x64x128xf32, #tpu.memory_space<vmem>> -> memref<64x128xf32, #tpu.memory_space<vmem>>
      %gather3A_942 = tpu.vector_load_idx %gather3A_941[%add3A_936, %broadcast_in_dim3A_903] : memref<64x128xf32, #tpu.memory_space<vmem>>[vector<16xi32>, vector<16xi32>], vector<16xf32>,
      tpu.vector_store_idx %arg7[%add3A_936, %broadcast_in_dim3A_924], %gather3A_942 : memref<64x128xf32, #tpu.memory_space<vmem>>[vector<16xi32>, vector<16xi32>], vector<16xf32>,
      %add3A_943 = arith.constant 32 : i32
      %add3A_944 = vector.broadcast %add3A_943 : i32 to vector<16xi32>
      %add3A_945 = arith.addi %iota3A, %add3A_944 : vector<16xi32>
      %gather3A_946 = arith.constant 7 : i32
      %gather3A_947 = arith.constant 0 : i32
      %gather3A_948 = arith.constant 0 : i32
      %gather3A_949 = tpu.memref_slice %arg6[%gather3A_946, %gather3A_947, %gather3A_948] : memref<8x64x128xf32, #tpu.memory_space<vmem>> -> memref<1x64x128xf32, #tpu.memory_space<vmem>>
      %gather3A_950 = tpu.memref_squeeze %gather3A_949 : memref<1x64x128xf32, #tpu.memory_space<vmem>> -> memref<64x128xf32, #tpu.memory_space<vmem>>
      %gather3A_951 = tpu.vector_load_idx %gather3A_950[%add3A_945, %broadcast_in_dim3A_903] : memref<64x128xf32, #tpu.memory_space<vmem>>[vector<16xi32>, vector<16xi32>], vector<16xf32>,
      tpu.vector_store_idx %arg7[%add3A_945, %broadcast_in_dim3A_924], %gather3A_951 : memref<64x128xf32, #tpu.memory_space<vmem>>[vector<16xi32>, vector<16xi32>], vector<16xf32>,
      %add3A_952 = arith.constant 48 : i32
      %add3A_953 = vector.broadcast %add3A_952 : i32 to vector<16xi32>
      %add3A_954 = arith.addi %iota3A, %add3A_953 : vector<16xi32>
      %gather3A_955 = arith.constant 7 : i32
      %gather3A_956 = arith.constant 0 : i32
      %gather3A_957 = arith.constant 0 : i32
      %gather3A_958 = tpu.memref_slice %arg6[%gather3A_955, %gather3A_956, %gather3A_957] : memref<8x64x128xf32, #tpu.memory_space<vmem>> -> memref<1x64x128xf32, #tpu.memory_space<vmem>>
      %gather3A_959 = tpu.memref_squeeze %gather3A_958 : memref<1x64x128xf32, #tpu.memory_space<vmem>> -> memref<64x128xf32, #tpu.memory_space<vmem>>
      %gather3A_960 = tpu.vector_load_idx %gather3A_959[%add3A_954, %broadcast_in_dim3A_903] : memref<64x128xf32, #tpu.memory_space<vmem>>[vector<16xi32>, vector<16xi32>], vector<16xf32>,
      tpu.vector_store_idx %arg7[%add3A_954, %broadcast_in_dim3A_924], %gather3A_960 : memref<64x128xf32, #tpu.memory_space<vmem>>[vector<16xi32>, vector<16xi32>], vector<16xf32>,
      %slice3A_961 = vector.extract_strided_slice %scan3A_169 {offsets = [15], sizes = [1], strides = [1]} : vector<16xi32> to vector<1xi32>
      %squeeze3A_962 = vector.extract %slice3A_961[0] : i32 from vector<1xi32>
      %shift_right_arithmetic3A_963 = arith.constant 7 : i32
      %shift_right_arithmetic3A_964 = arith.shrsi %squeeze3A_962, %shift_right_arithmetic3A_963 : i32
      %mul3A_965 = arith.constant 128 : i32
      %mul3A_966 = arith.muli %shift_right_arithmetic3A_964, %mul3A_965 : i32
      %multiple_of3A_967 = tpu.assume_multiple %mul3A_966, 128 : i32
      %dma_start3A_968 = arith.constant 7 : i32
      %dma_start3A_969 = arith.constant 0 : i32
      %dma_start3A_970 = arith.constant 0 : i32
      %dma_start3A_971 = tpu.memref_slice %arg6[%dma_start3A_968, %dma_start3A_969, %dma_start3A_970] : memref<8x64x128xf32, #tpu.memory_space<vmem>> -> memref<1x64x128xf32, #tpu.memory_space<vmem>>
      %dma_start3A_972 = tpu.memref_squeeze %dma_start3A_971 : memref<1x64x128xf32, #tpu.memory_space<vmem>> -> memref<64x128xf32, #tpu.memory_space<vmem>>
      %dma_start3A_973 = arith.constant 0 : i32
      %dma_start3A_974 = tpu.memref_slice %arg3[%dma_start3A_973, %multiple_of3A_967] : memref<64x1000000xf32, #tpu.memory_space<hbm>> -> memref<64x128xf32, #tpu.memory_space<hbm>>
      %dma_start3A_975 = arith.constant 0 : i32
      %dma_start3A_976 = arith.constant 0 : i32
      %dma_start3A_977 = tpu.memref_slice %arg6[%dma_start3A_968, %dma_start3A_975, %dma_start3A_976] : memref<8x64x128xf32, #tpu.memory_space<vmem>> -> memref<1x64x128xf32, #tpu.memory_space<vmem>>
      %dma_start3A_978 = tpu.memref_squeeze %dma_start3A_977 : memref<1x64x128xf32, #tpu.memory_space<vmem>> -> memref<64x128xf32, #tpu.memory_space<vmem>>
      %dma_start3A_979 = arith.constant 0 : i32
      %dma_start3A_980 = tpu.memref_slice %arg3[%dma_start3A_979, %multiple_of3A_967] : memref<64x1000000xf32, #tpu.memory_space<hbm>> -> memref<64x128xf32, #tpu.memory_space<hbm>>
      tpu.enqueue_dma source(%dma_start3A_980 : memref<64x128xf32, #tpu.memory_space<hbm>>) target(%dma_start3A_978 : memref<64x128xf32, #tpu.memory_space<vmem>>) target_semaphore(%arg15 : memref<!tpu.dma_semaphore, #tpu.memory_space<semaphore_mem>>)
      %dma_wait3A_981 = arith.constant 0 : i32
      %dma_wait3A_982 = arith.constant 0 : i32
      %dma_wait3A_983 = arith.constant 0 : i32
      %dma_wait3A_984 = tpu.memref_slice %arg6[%dma_wait3A_981, %dma_wait3A_982, %dma_wait3A_983] : memref<8x64x128xf32, #tpu.memory_space<vmem>> -> memref<1x64x128xf32, #tpu.memory_space<vmem>>
      %dma_wait3A_985 = tpu.memref_squeeze %dma_wait3A_984 : memref<1x64x128xf32, #tpu.memory_space<vmem>> -> memref<64x128xf32, #tpu.memory_space<vmem>>
      %dma_wait3A_986 = arith.constant 0 : i32
      %dma_wait3A_987 = arith.constant 0 : i32
      %dma_wait3A_988 = tpu.memref_slice %arg3[%dma_wait3A_986, %dma_wait3A_987] : memref<64x1000000xf32, #tpu.memory_space<hbm>> -> memref<64x128xf32, #tpu.memory_space<hbm>>
      %dma_wait3A_989 = arith.constant 0 : i32
      %dma_wait3A_990 = arith.constant 0 : i32
      %dma_wait3A_991 = tpu.memref_slice %arg6[%dma_wait3A_981, %dma_wait3A_989, %dma_wait3A_990] : memref<8x64x128xf32, #tpu.memory_space<vmem>> -> memref<1x64x128xf32, #tpu.memory_space<vmem>>
      %dma_wait3A_992 = tpu.memref_squeeze %dma_wait3A_991 : memref<1x64x128xf32, #tpu.memory_space<vmem>> -> memref<64x128xf32, #tpu.memory_space<vmem>>
      %dma_wait3A_993 = arith.constant 0 : i32
      %dma_wait3A_994 = arith.constant 0 : i32
      %dma_wait3A_995 = tpu.memref_slice %arg3[%dma_wait3A_993, %dma_wait3A_994] : memref<64x1000000xf32, #tpu.memory_space<hbm>> -> memref<64x128xf32, #tpu.memory_space<hbm>>
      tpu.wait_dma2 semaphore(%arg8 : memref<!tpu.dma_semaphore, #tpu.memory_space<semaphore_mem>>) src(%dma_wait3A_995 : memref<64x128xf32, #tpu.memory_space<hbm>>) dst(%dma_wait3A_992 : memref<64x128xf32, #tpu.memory_space<vmem>>)
      %slice3A_996 = vector.extract_strided_slice %scan3A_169 {offsets = [8], sizes = [1], strides = [1]} : vector<16xi32> to vector<1xi32>
      %squeeze3A_997 = vector.extract %slice3A_996[0] : i32 from vector<1xi32>
      %and3A_998 = arith.constant 127 : i32
      %and3A_999 = arith.andi %squeeze3A_997, %and3A_998 : i32
      %broadcast_in_dim3A_1000 = vector.broadcast %and3A_999 : i32 to vector<16xi32>
      %jit3A_1001 = arith.constant 8 : i32
      %eq3A_1002 = arith.constant 0 : i32
      %eq3A_1003 = arith.cmpi eq, %jit3A_1001, %eq3A_1002 : i32
      %jit3A_1004 = arith.constant 1 : i32
      %select_n3A_1005 = arith.select %eq3A_1003, %jit3A_1004, %jit3A_1001 : i32
      %rem3A_1006 = arith.remsi %scan3A_168, %select_n3A_1005 : i32
      %ne3A_1007 = arith.constant 0 : i32
      %ne3A_1008 = arith.cmpi ne, %rem3A_1006, %ne3A_1007 : i32
      %lt3A_1009 = arith.constant 0 : i32
      %lt3A_1010 = arith.cmpi slt, %rem3A_1006, %lt3A_1009 : i32
      %lt3A_1011 = arith.constant 0 : i32
      %lt3A_1012 = arith.cmpi slt, %select_n3A_1005, %lt3A_1011 : i32
      %ne3A_1013 = arith.xori %lt3A_1010, %lt3A_1012 : i1
      %and3A_1014 = arith.andi %ne3A_1013, %ne3A_1008 : i1
      %add3A_1015 = arith.addi %rem3A_1006, %select_n3A_1005 : i32
      %select_n3A_1016 = arith.select %and3A_1014, %add3A_1015, %rem3A_1006 : i32
      %mul3A_1017 = arith.constant 16 : i32
      %mul3A_1018 = arith.muli %select_n3A_1016, %mul3A_1017 : i32
      %add3A_1019 = arith.constant 8 : i32
      %add3A_1020 = arith.addi %mul3A_1018, %add3A_1019 : i32
      %broadcast_in_dim3A_1021 = vector.broadcast %add3A_1020 : i32 to vector<16xi32>
      %add3A_1022 = arith.constant 0 : i32
      %add3A_1023 = vector.broadcast %add3A_1022 : i32 to vector<16xi32>
      %add3A_1024 = arith.addi %iota3A, %add3A_1023 : vector<16xi32>
      %gather3A_1025 = arith.constant 0 : i32
      %gather3A_1026 = arith.constant 0 : i32
      %gather3A_1027 = arith.constant 0 : i32
      %gather3A_1028 = tpu.memref_slice %arg6[%gather3A_1025, %gather3A_1026, %gather3A_1027] : memref<8x64x128xf32, #tpu.memory_space<vmem>> -> memref<1x64x128xf32, #tpu.memory_space<vmem>>
      %gather3A_1029 = tpu.memref_squeeze %gather3A_1028 : memref<1x64x128xf32, #tpu.memory_space<vmem>> -> memref<64x128xf32, #tpu.memory_space<vmem>>
      %gather3A_1030 = tpu.vector_load_idx %gather3A_1029[%add3A_1024, %broadcast_in_dim3A_1000] : memref<64x128xf32, #tpu.memory_space<vmem>>[vector<16xi32>, vector<16xi32>], vector<16xf32>,
      tpu.vector_store_idx %arg7[%add3A_1024, %broadcast_in_dim3A_1021], %gather3A_1030 : memref<64x128xf32, #tpu.memory_space<vmem>>[vector<16xi32>, vector<16xi32>], vector<16xf32>,
      %add3A_1031 = arith.constant 16 : i32
      %add3A_1032 = vector.broadcast %add3A_1031 : i32 to vector<16xi32>
      %add3A_1033 = arith.addi %iota3A, %add3A_1032 : vector<16xi32>
      %gather3A_1034 = arith.constant 0 : i32
      %gather3A_1035 = arith.constant 0 : i32
      %gather3A_1036 = arith.constant 0 : i32
      %gather3A_1037 = tpu.memref_slice %arg6[%gather3A_1034, %gather3A_1035, %gather3A_1036] : memref<8x64x128xf32, #tpu.memory_space<vmem>> -> memref<1x64x128xf32, #tpu.memory_space<vmem>>
      %gather3A_1038 = tpu.memref_squeeze %gather3A_1037 : memref<1x64x128xf32, #tpu.memory_space<vmem>> -> memref<64x128xf32, #tpu.memory_space<vmem>>
      %gather3A_1039 = tpu.vector_load_idx %gather3A_1038[%add3A_1033, %broadcast_in_dim3A_1000] : memref<64x128xf32, #tpu.memory_space<vmem>>[vector<16xi32>, vector<16xi32>], vector<16xf32>,
      tpu.vector_store_idx %arg7[%add3A_1033, %broadcast_in_dim3A_1021], %gather3A_1039 : memref<64x128xf32, #tpu.memory_space<vmem>>[vector<16xi32>, vector<16xi32>], vector<16xf32>,
      %add3A_1040 = arith.constant 32 : i32
      %add3A_1041 = vector.broadcast %add3A_1040 : i32 to vector<16xi32>
      %add3A_1042 = arith.addi %iota3A, %add3A_1041 : vector<16xi32>
      %gather3A_1043 = arith.constant 0 : i32
      %gather3A_1044 = arith.constant 0 : i32
      %gather3A_1045 = arith.constant 0 : i32
      %gather3A_1046 = tpu.memref_slice %arg6[%gather3A_1043, %gather3A_1044, %gather3A_1045] : memref<8x64x128xf32, #tpu.memory_space<vmem>> -> memref<1x64x128xf32, #tpu.memory_space<vmem>>
      %gather3A_1047 = tpu.memref_squeeze %gather3A_1046 : memref<1x64x128xf32, #tpu.memory_space<vmem>> -> memref<64x128xf32, #tpu.memory_space<vmem>>
      %gather3A_1048 = tpu.vector_load_idx %gather3A_1047[%add3A_1042, %broadcast_in_dim3A_1000] : memref<64x128xf32, #tpu.memory_space<vmem>>[vector<16xi32>, vector<16xi32>], vector<16xf32>,
      tpu.vector_store_idx %arg7[%add3A_1042, %broadcast_in_dim3A_1021], %gather3A_1048 : memref<64x128xf32, #tpu.memory_space<vmem>>[vector<16xi32>, vector<16xi32>], vector<16xf32>,
      %add3A_1049 = arith.constant 48 : i32
      %add3A_1050 = vector.broadcast %add3A_1049 : i32 to vector<16xi32>
      %add3A_1051 = arith.addi %iota3A, %add3A_1050 : vector<16xi32>
      %gather3A_1052 = arith.constant 0 : i32
      %gather3A_1053 = arith.constant 0 : i32
      %gather3A_1054 = arith.constant 0 : i32
      %gather3A_1055 = tpu.memref_slice %arg6[%gather3A_1052, %gather3A_1053, %gather3A_1054] : memref<8x64x128xf32, #tpu.memory_space<vmem>> -> memref<1x64x128xf32, #tpu.memory_space<vmem>>
      %gather3A_1056 = tpu.memref_squeeze %gather3A_1055 : memref<1x64x128xf32, #tpu.memory_space<vmem>> -> memref<64x128xf32, #tpu.memory_space<vmem>>
      %gather3A_1057 = tpu.vector_load_idx %gather3A_1056[%add3A_1051, %broadcast_in_dim3A_1000] : memref<64x128xf32, #tpu.memory_space<vmem>>[vector<16xi32>, vector<16xi32>], vector<16xf32>,
      tpu.vector_store_idx %arg7[%add3A_1051, %broadcast_in_dim3A_1021], %gather3A_1057 : memref<64x128xf32, #tpu.memory_space<vmem>>[vector<16xi32>, vector<16xi32>], vector<16xf32>,
      %lt3A_1058 = arith.constant 31 : i32
      %lt3A_1059 = arith.cmpi slt, %scan3A_168, %lt3A_1058 : i32
      %convert_element_type3A = arith.extui %lt3A_1059 : i1 to i32
      %cond3A = arith.constant 0 : i32
      %cond3A_1060 = arith.cmpi ne, %convert_element_type3A, %cond3A : i32
      scf.if %cond3A_1060 {
        %slice3A_1656 = vector.extract_strided_slice %get3A_207 {offsets = [0], sizes = [1], strides = [1]} : vector<16xi32> to vector<1xi32>
        %squeeze3A_1657 = vector.extract %slice3A_1656[0] : i32 from vector<1xi32>
        %shift_right_arithmetic3A_1658 = arith.constant 7 : i32
        %shift_right_arithmetic3A_1659 = arith.shrsi %squeeze3A_1657, %shift_right_arithmetic3A_1658 : i32
        %mul3A_1660 = arith.constant 128 : i32
        %mul3A_1661 = arith.muli %shift_right_arithmetic3A_1659, %mul3A_1660 : i32
        %multiple_of3A_1662 = tpu.assume_multiple %mul3A_1661, 128 : i32
        %dma_start3A_1663 = arith.constant 0 : i32
        %dma_start3A_1664 = arith.constant 0 : i32
        %dma_start3A_1665 = arith.constant 0 : i32
        %dma_start3A_1666 = tpu.memref_slice %arg6[%dma_start3A_1663, %dma_start3A_1664, %dma_start3A_1665] : memref<8x64x128xf32, #tpu.memory_space<vmem>> -> memref<1x64x128xf32, #tpu.memory_space<vmem>>
        %dma_start3A_1667 = tpu.memref_squeeze %dma_start3A_1666 : memref<1x64x128xf32, #tpu.memory_space<vmem>> -> memref<64x128xf32, #tpu.memory_space<vmem>>
        %dma_start3A_1668 = arith.constant 0 : i32
        %dma_start3A_1669 = tpu.memref_slice %arg3[%dma_start3A_1668, %multiple_of3A_1662] : memref<64x1000000xf32, #tpu.memory_space<hbm>> -> memref<64x128xf32, #tpu.memory_space<hbm>>
        %dma_start3A_1670 = arith.constant 0 : i32
        %dma_start3A_1671 = arith.constant 0 : i32
        %dma_start3A_1672 = tpu.memref_slice %arg6[%dma_start3A_1663, %dma_start3A_1670, %dma_start3A_1671] : memref<8x64x128xf32, #tpu.memory_space<vmem>> -> memref<1x64x128xf32, #tpu.memory_space<vmem>>
        %dma_start3A_1673 = tpu.memref_squeeze %dma_start3A_1672 : memref<1x64x128xf32, #tpu.memory_space<vmem>> -> memref<64x128xf32, #tpu.memory_space<vmem>>
        %dma_start3A_1674 = arith.constant 0 : i32
        %dma_start3A_1675 = tpu.memref_slice %arg3[%dma_start3A_1674, %multiple_of3A_1662] : memref<64x1000000xf32, #tpu.memory_space<hbm>> -> memref<64x128xf32, #tpu.memory_space<hbm>>
        tpu.enqueue_dma source(%dma_start3A_1675 : memref<64x128xf32, #tpu.memory_space<hbm>>) target(%dma_start3A_1673 : memref<64x128xf32, #tpu.memory_space<vmem>>) target_semaphore(%arg8 : memref<!tpu.dma_semaphore, #tpu.memory_space<semaphore_mem>>)
      } else {
      }
      %dma_wait3A_1061 = arith.constant 1 : i32
      %dma_wait3A_1062 = arith.constant 0 : i32
      %dma_wait3A_1063 = arith.constant 0 : i32
      %dma_wait3A_1064 = tpu.memref_slice %arg6[%dma_wait3A_1061, %dma_wait3A_1062, %dma_wait3A_1063] : memref<8x64x128xf32, #tpu.memory_space<vmem>> -> memref<1x64x128xf32, #tpu.memory_space<vmem>>
      %dma_wait3A_1065 = tpu.memref_squeeze %dma_wait3A_1064 : memref<1x64x128xf32, #tpu.memory_space<vmem>> -> memref<64x128xf32, #tpu.memory_space<vmem>>
      %dma_wait3A_1066 = arith.constant 0 : i32
      %dma_wait3A_1067 = arith.constant 0 : i32
      %dma_wait3A_1068 = tpu.memref_slice %arg3[%dma_wait3A_1066, %dma_wait3A_1067] : memref<64x1000000xf32, #tpu.memory_space<hbm>> -> memref<64x128xf32, #tpu.memory_space<hbm>>
      %dma_wait3A_1069 = arith.constant 0 : i32
      %dma_wait3A_1070 = arith.constant 0 : i32
      %dma_wait3A_1071 = tpu.memref_slice %arg6[%dma_wait3A_1061, %dma_wait3A_1069, %dma_wait3A_1070] : memref<8x64x128xf32, #tpu.memory_space<vmem>> -> memref<1x64x128xf32, #tpu.memory_space<vmem>>
      %dma_wait3A_1072 = tpu.memref_squeeze %dma_wait3A_1071 : memref<1x64x128xf32, #tpu.memory_space<vmem>> -> memref<64x128xf32, #tpu.memory_space<vmem>>
      %dma_wait3A_1073 = arith.constant 0 : i32
      %dma_wait3A_1074 = arith.constant 0 : i32
      %dma_wait3A_1075 = tpu.memref_slice %arg3[%dma_wait3A_1073, %dma_wait3A_1074] : memref<64x1000000xf32, #tpu.memory_space<hbm>> -> memref<64x128xf32, #tpu.memory_space<hbm>>
      tpu.wait_dma2 semaphore(%arg9 : memref<!tpu.dma_semaphore, #tpu.memory_space<semaphore_mem>>) src(%dma_wait3A_1075 : memref<64x128xf32, #tpu.memory_space<hbm>>) dst(%dma_wait3A_1072 : memref<64x128xf32, #tpu.memory_space<vmem>>)
      %slice3A_1076 = vector.extract_strided_slice %scan3A_169 {offsets = [9], sizes = [1], strides = [1]} : vector<16xi32> to vector<1xi32>
      %squeeze3A_1077 = vector.extract %slice3A_1076[0] : i32 from vector<1xi32>
      %and3A_1078 = arith.constant 127 : i32
      %and3A_1079 = arith.andi %squeeze3A_1077, %and3A_1078 : i32
      %broadcast_in_dim3A_1080 = vector.broadcast %and3A_1079 : i32 to vector<16xi32>
      %jit3A_1081 = arith.constant 8 : i32
      %eq3A_1082 = arith.constant 0 : i32
      %eq3A_1083 = arith.cmpi eq, %jit3A_1081, %eq3A_1082 : i32
      %jit3A_1084 = arith.constant 1 : i32
      %select_n3A_1085 = arith.select %eq3A_1083, %jit3A_1084, %jit3A_1081 : i32
      %rem3A_1086 = arith.remsi %scan3A_168, %select_n3A_1085 : i32
      %ne3A_1087 = arith.constant 0 : i32
      %ne3A_1088 = arith.cmpi ne, %rem3A_1086, %ne3A_1087 : i32
      %lt3A_1089 = arith.constant 0 : i32
      %lt3A_1090 = arith.cmpi slt, %rem3A_1086, %lt3A_1089 : i32
      %lt3A_1091 = arith.constant 0 : i32
      %lt3A_1092 = arith.cmpi slt, %select_n3A_1085, %lt3A_1091 : i32
      %ne3A_1093 = arith.xori %lt3A_1090, %lt3A_1092 : i1
      %and3A_1094 = arith.andi %ne3A_1093, %ne3A_1088 : i1
      %add3A_1095 = arith.addi %rem3A_1086, %select_n3A_1085 : i32
      %select_n3A_1096 = arith.select %and3A_1094, %add3A_1095, %rem3A_1086 : i32
      %mul3A_1097 = arith.constant 16 : i32
      %mul3A_1098 = arith.muli %select_n3A_1096, %mul3A_1097 : i32
      %add3A_1099 = arith.constant 9 : i32
      %add3A_1100 = arith.addi %mul3A_1098, %add3A_1099 : i32
      %broadcast_in_dim3A_1101 = vector.broadcast %add3A_1100 : i32 to vector<16xi32>
      %add3A_1102 = arith.constant 0 : i32
      %add3A_1103 = vector.broadcast %add3A_1102 : i32 to vector<16xi32>
      %add3A_1104 = arith.addi %iota3A, %add3A_1103 : vector<16xi32>
      %gather3A_1105 = arith.constant 1 : i32
      %gather3A_1106 = arith.constant 0 : i32
      %gather3A_1107 = arith.constant 0 : i32
      %gather3A_1108 = tpu.memref_slice %arg6[%gather3A_1105, %gather3A_1106, %gather3A_1107] : memref<8x64x128xf32, #tpu.memory_space<vmem>> -> memref<1x64x128xf32, #tpu.memory_space<vmem>>
      %gather3A_1109 = tpu.memref_squeeze %gather3A_1108 : memref<1x64x128xf32, #tpu.memory_space<vmem>> -> memref<64x128xf32, #tpu.memory_space<vmem>>
      %gather3A_1110 = tpu.vector_load_idx %gather3A_1109[%add3A_1104, %broadcast_in_dim3A_1080] : memref<64x128xf32, #tpu.memory_space<vmem>>[vector<16xi32>, vector<16xi32>], vector<16xf32>,
      tpu.vector_store_idx %arg7[%add3A_1104, %broadcast_in_dim3A_1101], %gather3A_1110 : memref<64x128xf32, #tpu.memory_space<vmem>>[vector<16xi32>, vector<16xi32>], vector<16xf32>,
      %add3A_1111 = arith.constant 16 : i32
      %add3A_1112 = vector.broadcast %add3A_1111 : i32 to vector<16xi32>
      %add3A_1113 = arith.addi %iota3A, %add3A_1112 : vector<16xi32>
      %gather3A_1114 = arith.constant 1 : i32
      %gather3A_1115 = arith.constant 0 : i32
      %gather3A_1116 = arith.constant 0 : i32
      %gather3A_1117 = tpu.memref_slice %arg6[%gather3A_1114, %gather3A_1115, %gather3A_1116] : memref<8x64x128xf32, #tpu.memory_space<vmem>> -> memref<1x64x128xf32, #tpu.memory_space<vmem>>
      %gather3A_1118 = tpu.memref_squeeze %gather3A_1117 : memref<1x64x128xf32, #tpu.memory_space<vmem>> -> memref<64x128xf32, #tpu.memory_space<vmem>>
      %gather3A_1119 = tpu.vector_load_idx %gather3A_1118[%add3A_1113, %broadcast_in_dim3A_1080] : memref<64x128xf32, #tpu.memory_space<vmem>>[vector<16xi32>, vector<16xi32>], vector<16xf32>,
      tpu.vector_store_idx %arg7[%add3A_1113, %broadcast_in_dim3A_1101], %gather3A_1119 : memref<64x128xf32, #tpu.memory_space<vmem>>[vector<16xi32>, vector<16xi32>], vector<16xf32>,
      %add3A_1120 = arith.constant 32 : i32
      %add3A_1121 = vector.broadcast %add3A_1120 : i32 to vector<16xi32>
      %add3A_1122 = arith.addi %iota3A, %add3A_1121 : vector<16xi32>
      %gather3A_1123 = arith.constant 1 : i32
      %gather3A_1124 = arith.constant 0 : i32
      %gather3A_1125 = arith.constant 0 : i32
      %gather3A_1126 = tpu.memref_slice %arg6[%gather3A_1123, %gather3A_1124, %gather3A_1125] : memref<8x64x128xf32, #tpu.memory_space<vmem>> -> memref<1x64x128xf32, #tpu.memory_space<vmem>>
      %gather3A_1127 = tpu.memref_squeeze %gather3A_1126 : memref<1x64x128xf32, #tpu.memory_space<vmem>> -> memref<64x128xf32, #tpu.memory_space<vmem>>
      %gather3A_1128 = tpu.vector_load_idx %gather3A_1127[%add3A_1122, %broadcast_in_dim3A_1080] : memref<64x128xf32, #tpu.memory_space<vmem>>[vector<16xi32>, vector<16xi32>], vector<16xf32>,
      tpu.vector_store_idx %arg7[%add3A_1122, %broadcast_in_dim3A_1101], %gather3A_1128 : memref<64x128xf32, #tpu.memory_space<vmem>>[vector<16xi32>, vector<16xi32>], vector<16xf32>,
      %add3A_1129 = arith.constant 48 : i32
      %add3A_1130 = vector.broadcast %add3A_1129 : i32 to vector<16xi32>
      %add3A_1131 = arith.addi %iota3A, %add3A_1130 : vector<16xi32>
      %gather3A_1132 = arith.constant 1 : i32
      %gather3A_1133 = arith.constant 0 : i32
      %gather3A_1134 = arith.constant 0 : i32
      %gather3A_1135 = tpu.memref_slice %arg6[%gather3A_1132, %gather3A_1133, %gather3A_1134] : memref<8x64x128xf32, #tpu.memory_space<vmem>> -> memref<1x64x128xf32, #tpu.memory_space<vmem>>
      %gather3A_1136 = tpu.memref_squeeze %gather3A_1135 : memref<1x64x128xf32, #tpu.memory_space<vmem>> -> memref<64x128xf32, #tpu.memory_space<vmem>>
      %gather3A_1137 = tpu.vector_load_idx %gather3A_1136[%add3A_1131, %broadcast_in_dim3A_1080] : memref<64x128xf32, #tpu.memory_space<vmem>>[vector<16xi32>, vector<16xi32>], vector<16xf32>,
      tpu.vector_store_idx %arg7[%add3A_1131, %broadcast_in_dim3A_1101], %gather3A_1137 : memref<64x128xf32, #tpu.memory_space<vmem>>[vector<16xi32>, vector<16xi32>], vector<16xf32>,
      %lt3A_1138 = arith.constant 31 : i32
      %lt3A_1139 = arith.cmpi slt, %scan3A_168, %lt3A_1138 : i32
      %convert_element_type3A_1140 = arith.extui %lt3A_1139 : i1 to i32
      %cond3A_1141 = arith.constant 0 : i32
      %cond3A_1142 = arith.cmpi ne, %convert_element_type3A_1140, %cond3A_1141 : i32
      scf.if %cond3A_1142 {
        %slice3A_1656 = vector.extract_strided_slice %get3A_207 {offsets = [1], sizes = [1], strides = [1]} : vector<16xi32> to vector<1xi32>
        %squeeze3A_1657 = vector.extract %slice3A_1656[0] : i32 from vector<1xi32>
        %shift_right_arithmetic3A_1658 = arith.constant 7 : i32
        %shift_right_arithmetic3A_1659 = arith.shrsi %squeeze3A_1657, %shift_right_arithmetic3A_1658 : i32
        %mul3A_1660 = arith.constant 128 : i32
        %mul3A_1661 = arith.muli %shift_right_arithmetic3A_1659, %mul3A_1660 : i32
        %multiple_of3A_1662 = tpu.assume_multiple %mul3A_1661, 128 : i32
        %dma_start3A_1663 = arith.constant 1 : i32
        %dma_start3A_1664 = arith.constant 0 : i32
        %dma_start3A_1665 = arith.constant 0 : i32
        %dma_start3A_1666 = tpu.memref_slice %arg6[%dma_start3A_1663, %dma_start3A_1664, %dma_start3A_1665] : memref<8x64x128xf32, #tpu.memory_space<vmem>> -> memref<1x64x128xf32, #tpu.memory_space<vmem>>
        %dma_start3A_1667 = tpu.memref_squeeze %dma_start3A_1666 : memref<1x64x128xf32, #tpu.memory_space<vmem>> -> memref<64x128xf32, #tpu.memory_space<vmem>>
        %dma_start3A_1668 = arith.constant 0 : i32
        %dma_start3A_1669 = tpu.memref_slice %arg3[%dma_start3A_1668, %multiple_of3A_1662] : memref<64x1000000xf32, #tpu.memory_space<hbm>> -> memref<64x128xf32, #tpu.memory_space<hbm>>
        %dma_start3A_1670 = arith.constant 0 : i32
        %dma_start3A_1671 = arith.constant 0 : i32
        %dma_start3A_1672 = tpu.memref_slice %arg6[%dma_start3A_1663, %dma_start3A_1670, %dma_start3A_1671] : memref<8x64x128xf32, #tpu.memory_space<vmem>> -> memref<1x64x128xf32, #tpu.memory_space<vmem>>
        %dma_start3A_1673 = tpu.memref_squeeze %dma_start3A_1672 : memref<1x64x128xf32, #tpu.memory_space<vmem>> -> memref<64x128xf32, #tpu.memory_space<vmem>>
        %dma_start3A_1674 = arith.constant 0 : i32
        %dma_start3A_1675 = tpu.memref_slice %arg3[%dma_start3A_1674, %multiple_of3A_1662] : memref<64x1000000xf32, #tpu.memory_space<hbm>> -> memref<64x128xf32, #tpu.memory_space<hbm>>
        tpu.enqueue_dma source(%dma_start3A_1675 : memref<64x128xf32, #tpu.memory_space<hbm>>) target(%dma_start3A_1673 : memref<64x128xf32, #tpu.memory_space<vmem>>) target_semaphore(%arg9 : memref<!tpu.dma_semaphore, #tpu.memory_space<semaphore_mem>>)
      } else {
      }
      %dma_wait3A_1143 = arith.constant 2 : i32
      %dma_wait3A_1144 = arith.constant 0 : i32
      %dma_wait3A_1145 = arith.constant 0 : i32
      %dma_wait3A_1146 = tpu.memref_slice %arg6[%dma_wait3A_1143, %dma_wait3A_1144, %dma_wait3A_1145] : memref<8x64x128xf32, #tpu.memory_space<vmem>> -> memref<1x64x128xf32, #tpu.memory_space<vmem>>
      %dma_wait3A_1147 = tpu.memref_squeeze %dma_wait3A_1146 : memref<1x64x128xf32, #tpu.memory_space<vmem>> -> memref<64x128xf32, #tpu.memory_space<vmem>>
      %dma_wait3A_1148 = arith.constant 0 : i32
      %dma_wait3A_1149 = arith.constant 0 : i32
      %dma_wait3A_1150 = tpu.memref_slice %arg3[%dma_wait3A_1148, %dma_wait3A_1149] : memref<64x1000000xf32, #tpu.memory_space<hbm>> -> memref<64x128xf32, #tpu.memory_space<hbm>>
      %dma_wait3A_1151 = arith.constant 0 : i32
      %dma_wait3A_1152 = arith.constant 0 : i32
      %dma_wait3A_1153 = tpu.memref_slice %arg6[%dma_wait3A_1143, %dma_wait3A_1151, %dma_wait3A_1152] : memref<8x64x128xf32, #tpu.memory_space<vmem>> -> memref<1x64x128xf32, #tpu.memory_space<vmem>>
      %dma_wait3A_1154 = tpu.memref_squeeze %dma_wait3A_1153 : memref<1x64x128xf32, #tpu.memory_space<vmem>> -> memref<64x128xf32, #tpu.memory_space<vmem>>
      %dma_wait3A_1155 = arith.constant 0 : i32
      %dma_wait3A_1156 = arith.constant 0 : i32
      %dma_wait3A_1157 = tpu.memref_slice %arg3[%dma_wait3A_1155, %dma_wait3A_1156] : memref<64x1000000xf32, #tpu.memory_space<hbm>> -> memref<64x128xf32, #tpu.memory_space<hbm>>
      tpu.wait_dma2 semaphore(%arg10 : memref<!tpu.dma_semaphore, #tpu.memory_space<semaphore_mem>>) src(%dma_wait3A_1157 : memref<64x128xf32, #tpu.memory_space<hbm>>) dst(%dma_wait3A_1154 : memref<64x128xf32, #tpu.memory_space<vmem>>)
      %slice3A_1158 = vector.extract_strided_slice %scan3A_169 {offsets = [10], sizes = [1], strides = [1]} : vector<16xi32> to vector<1xi32>
      %squeeze3A_1159 = vector.extract %slice3A_1158[0] : i32 from vector<1xi32>
      %and3A_1160 = arith.constant 127 : i32
      %and3A_1161 = arith.andi %squeeze3A_1159, %and3A_1160 : i32
      %broadcast_in_dim3A_1162 = vector.broadcast %and3A_1161 : i32 to vector<16xi32>
      %jit3A_1163 = arith.constant 8 : i32
      %eq3A_1164 = arith.constant 0 : i32
      %eq3A_1165 = arith.cmpi eq, %jit3A_1163, %eq3A_1164 : i32
      %jit3A_1166 = arith.constant 1 : i32
      %select_n3A_1167 = arith.select %eq3A_1165, %jit3A_1166, %jit3A_1163 : i32
      %rem3A_1168 = arith.remsi %scan3A_168, %select_n3A_1167 : i32
      %ne3A_1169 = arith.constant 0 : i32
      %ne3A_1170 = arith.cmpi ne, %rem3A_1168, %ne3A_1169 : i32
      %lt3A_1171 = arith.constant 0 : i32
      %lt3A_1172 = arith.cmpi slt, %rem3A_1168, %lt3A_1171 : i32
      %lt3A_1173 = arith.constant 0 : i32
      %lt3A_1174 = arith.cmpi slt, %select_n3A_1167, %lt3A_1173 : i32
      %ne3A_1175 = arith.xori %lt3A_1172, %lt3A_1174 : i1
      %and3A_1176 = arith.andi %ne3A_1175, %ne3A_1170 : i1
      %add3A_1177 = arith.addi %rem3A_1168, %select_n3A_1167 : i32
      %select_n3A_1178 = arith.select %and3A_1176, %add3A_1177, %rem3A_1168 : i32
      %mul3A_1179 = arith.constant 16 : i32
      %mul3A_1180 = arith.muli %select_n3A_1178, %mul3A_1179 : i32
      %add3A_1181 = arith.constant 10 : i32
      %add3A_1182 = arith.addi %mul3A_1180, %add3A_1181 : i32
      %broadcast_in_dim3A_1183 = vector.broadcast %add3A_1182 : i32 to vector<16xi32>
      %add3A_1184 = arith.constant 0 : i32
      %add3A_1185 = vector.broadcast %add3A_1184 : i32 to vector<16xi32>
      %add3A_1186 = arith.addi %iota3A, %add3A_1185 : vector<16xi32>
      %gather3A_1187 = arith.constant 2 : i32
      %gather3A_1188 = arith.constant 0 : i32
      %gather3A_1189 = arith.constant 0 : i32
      %gather3A_1190 = tpu.memref_slice %arg6[%gather3A_1187, %gather3A_1188, %gather3A_1189] : memref<8x64x128xf32, #tpu.memory_space<vmem>> -> memref<1x64x128xf32, #tpu.memory_space<vmem>>
      %gather3A_1191 = tpu.memref_squeeze %gather3A_1190 : memref<1x64x128xf32, #tpu.memory_space<vmem>> -> memref<64x128xf32, #tpu.memory_space<vmem>>
      %gather3A_1192 = tpu.vector_load_idx %gather3A_1191[%add3A_1186, %broadcast_in_dim3A_1162] : memref<64x128xf32, #tpu.memory_space<vmem>>[vector<16xi32>, vector<16xi32>], vector<16xf32>,
      tpu.vector_store_idx %arg7[%add3A_1186, %broadcast_in_dim3A_1183], %gather3A_1192 : memref<64x128xf32, #tpu.memory_space<vmem>>[vector<16xi32>, vector<16xi32>], vector<16xf32>,
      %add3A_1193 = arith.constant 16 : i32
      %add3A_1194 = vector.broadcast %add3A_1193 : i32 to vector<16xi32>
      %add3A_1195 = arith.addi %iota3A, %add3A_1194 : vector<16xi32>
      %gather3A_1196 = arith.constant 2 : i32
      %gather3A_1197 = arith.constant 0 : i32
      %gather3A_1198 = arith.constant 0 : i32
      %gather3A_1199 = tpu.memref_slice %arg6[%gather3A_1196, %gather3A_1197, %gather3A_1198] : memref<8x64x128xf32, #tpu.memory_space<vmem>> -> memref<1x64x128xf32, #tpu.memory_space<vmem>>
      %gather3A_1200 = tpu.memref_squeeze %gather3A_1199 : memref<1x64x128xf32, #tpu.memory_space<vmem>> -> memref<64x128xf32, #tpu.memory_space<vmem>>
      %gather3A_1201 = tpu.vector_load_idx %gather3A_1200[%add3A_1195, %broadcast_in_dim3A_1162] : memref<64x128xf32, #tpu.memory_space<vmem>>[vector<16xi32>, vector<16xi32>], vector<16xf32>,
      tpu.vector_store_idx %arg7[%add3A_1195, %broadcast_in_dim3A_1183], %gather3A_1201 : memref<64x128xf32, #tpu.memory_space<vmem>>[vector<16xi32>, vector<16xi32>], vector<16xf32>,
      %add3A_1202 = arith.constant 32 : i32
      %add3A_1203 = vector.broadcast %add3A_1202 : i32 to vector<16xi32>
      %add3A_1204 = arith.addi %iota3A, %add3A_1203 : vector<16xi32>
      %gather3A_1205 = arith.constant 2 : i32
      %gather3A_1206 = arith.constant 0 : i32
      %gather3A_1207 = arith.constant 0 : i32
      %gather3A_1208 = tpu.memref_slice %arg6[%gather3A_1205, %gather3A_1206, %gather3A_1207] : memref<8x64x128xf32, #tpu.memory_space<vmem>> -> memref<1x64x128xf32, #tpu.memory_space<vmem>>
      %gather3A_1209 = tpu.memref_squeeze %gather3A_1208 : memref<1x64x128xf32, #tpu.memory_space<vmem>> -> memref<64x128xf32, #tpu.memory_space<vmem>>
      %gather3A_1210 = tpu.vector_load_idx %gather3A_1209[%add3A_1204, %broadcast_in_dim3A_1162] : memref<64x128xf32, #tpu.memory_space<vmem>>[vector<16xi32>, vector<16xi32>], vector<16xf32>,
      tpu.vector_store_idx %arg7[%add3A_1204, %broadcast_in_dim3A_1183], %gather3A_1210 : memref<64x128xf32, #tpu.memory_space<vmem>>[vector<16xi32>, vector<16xi32>], vector<16xf32>,
      %add3A_1211 = arith.constant 48 : i32
      %add3A_1212 = vector.broadcast %add3A_1211 : i32 to vector<16xi32>
      %add3A_1213 = arith.addi %iota3A, %add3A_1212 : vector<16xi32>
      %gather3A_1214 = arith.constant 2 : i32
      %gather3A_1215 = arith.constant 0 : i32
      %gather3A_1216 = arith.constant 0 : i32
      %gather3A_1217 = tpu.memref_slice %arg6[%gather3A_1214, %gather3A_1215, %gather3A_1216] : memref<8x64x128xf32, #tpu.memory_space<vmem>> -> memref<1x64x128xf32, #tpu.memory_space<vmem>>
      %gather3A_1218 = tpu.memref_squeeze %gather3A_1217 : memref<1x64x128xf32, #tpu.memory_space<vmem>> -> memref<64x128xf32, #tpu.memory_space<vmem>>
      %gather3A_1219 = tpu.vector_load_idx %gather3A_1218[%add3A_1213, %broadcast_in_dim3A_1162] : memref<64x128xf32, #tpu.memory_space<vmem>>[vector<16xi32>, vector<16xi32>], vector<16xf32>,
      tpu.vector_store_idx %arg7[%add3A_1213, %broadcast_in_dim3A_1183], %gather3A_1219 : memref<64x128xf32, #tpu.memory_space<vmem>>[vector<16xi32>, vector<16xi32>], vector<16xf32>,
      %lt3A_1220 = arith.constant 31 : i32
      %lt3A_1221 = arith.cmpi slt, %scan3A_168, %lt3A_1220 : i32
      %convert_element_type3A_1222 = arith.extui %lt3A_1221 : i1 to i32
      %cond3A_1223 = arith.constant 0 : i32
      %cond3A_1224 = arith.cmpi ne, %convert_element_type3A_1222, %cond3A_1223 : i32
      scf.if %cond3A_1224 {
        %slice3A_1656 = vector.extract_strided_slice %get3A_207 {offsets = [2], sizes = [1], strides = [1]} : vector<16xi32> to vector<1xi32>
        %squeeze3A_1657 = vector.extract %slice3A_1656[0] : i32 from vector<1xi32>
        %shift_right_arithmetic3A_1658 = arith.constant 7 : i32
        %shift_right_arithmetic3A_1659 = arith.shrsi %squeeze3A_1657, %shift_right_arithmetic3A_1658 : i32
        %mul3A_1660 = arith.constant 128 : i32
        %mul3A_1661 = arith.muli %shift_right_arithmetic3A_1659, %mul3A_1660 : i32
        %multiple_of3A_1662 = tpu.assume_multiple %mul3A_1661, 128 : i32
        %dma_start3A_1663 = arith.constant 2 : i32
        %dma_start3A_1664 = arith.constant 0 : i32
        %dma_start3A_1665 = arith.constant 0 : i32
        %dma_start3A_1666 = tpu.memref_slice %arg6[%dma_start3A_1663, %dma_start3A_1664, %dma_start3A_1665] : memref<8x64x128xf32, #tpu.memory_space<vmem>> -> memref<1x64x128xf32, #tpu.memory_space<vmem>>
        %dma_start3A_1667 = tpu.memref_squeeze %dma_start3A_1666 : memref<1x64x128xf32, #tpu.memory_space<vmem>> -> memref<64x128xf32, #tpu.memory_space<vmem>>
        %dma_start3A_1668 = arith.constant 0 : i32
        %dma_start3A_1669 = tpu.memref_slice %arg3[%dma_start3A_1668, %multiple_of3A_1662] : memref<64x1000000xf32, #tpu.memory_space<hbm>> -> memref<64x128xf32, #tpu.memory_space<hbm>>
        %dma_start3A_1670 = arith.constant 0 : i32
        %dma_start3A_1671 = arith.constant 0 : i32
        %dma_start3A_1672 = tpu.memref_slice %arg6[%dma_start3A_1663, %dma_start3A_1670, %dma_start3A_1671] : memref<8x64x128xf32, #tpu.memory_space<vmem>> -> memref<1x64x128xf32, #tpu.memory_space<vmem>>
        %dma_start3A_1673 = tpu.memref_squeeze %dma_start3A_1672 : memref<1x64x128xf32, #tpu.memory_space<vmem>> -> memref<64x128xf32, #tpu.memory_space<vmem>>
        %dma_start3A_1674 = arith.constant 0 : i32
        %dma_start3A_1675 = tpu.memref_slice %arg3[%dma_start3A_1674, %multiple_of3A_1662] : memref<64x1000000xf32, #tpu.memory_space<hbm>> -> memref<64x128xf32, #tpu.memory_space<hbm>>
        tpu.enqueue_dma source(%dma_start3A_1675 : memref<64x128xf32, #tpu.memory_space<hbm>>) target(%dma_start3A_1673 : memref<64x128xf32, #tpu.memory_space<vmem>>) target_semaphore(%arg10 : memref<!tpu.dma_semaphore, #tpu.memory_space<semaphore_mem>>)
      } else {
      }
      %dma_wait3A_1225 = arith.constant 3 : i32
      %dma_wait3A_1226 = arith.constant 0 : i32
      %dma_wait3A_1227 = arith.constant 0 : i32
      %dma_wait3A_1228 = tpu.memref_slice %arg6[%dma_wait3A_1225, %dma_wait3A_1226, %dma_wait3A_1227] : memref<8x64x128xf32, #tpu.memory_space<vmem>> -> memref<1x64x128xf32, #tpu.memory_space<vmem>>
      %dma_wait3A_1229 = tpu.memref_squeeze %dma_wait3A_1228 : memref<1x64x128xf32, #tpu.memory_space<vmem>> -> memref<64x128xf32, #tpu.memory_space<vmem>>
      %dma_wait3A_1230 = arith.constant 0 : i32
      %dma_wait3A_1231 = arith.constant 0 : i32
      %dma_wait3A_1232 = tpu.memref_slice %arg3[%dma_wait3A_1230, %dma_wait3A_1231] : memref<64x1000000xf32, #tpu.memory_space<hbm>> -> memref<64x128xf32, #tpu.memory_space<hbm>>
      %dma_wait3A_1233 = arith.constant 0 : i32
      %dma_wait3A_1234 = arith.constant 0 : i32
      %dma_wait3A_1235 = tpu.memref_slice %arg6[%dma_wait3A_1225, %dma_wait3A_1233, %dma_wait3A_1234] : memref<8x64x128xf32, #tpu.memory_space<vmem>> -> memref<1x64x128xf32, #tpu.memory_space<vmem>>
      %dma_wait3A_1236 = tpu.memref_squeeze %dma_wait3A_1235 : memref<1x64x128xf32, #tpu.memory_space<vmem>> -> memref<64x128xf32, #tpu.memory_space<vmem>>
      %dma_wait3A_1237 = arith.constant 0 : i32
      %dma_wait3A_1238 = arith.constant 0 : i32
      %dma_wait3A_1239 = tpu.memref_slice %arg3[%dma_wait3A_1237, %dma_wait3A_1238] : memref<64x1000000xf32, #tpu.memory_space<hbm>> -> memref<64x128xf32, #tpu.memory_space<hbm>>
      tpu.wait_dma2 semaphore(%arg11 : memref<!tpu.dma_semaphore, #tpu.memory_space<semaphore_mem>>) src(%dma_wait3A_1239 : memref<64x128xf32, #tpu.memory_space<hbm>>) dst(%dma_wait3A_1236 : memref<64x128xf32, #tpu.memory_space<vmem>>)
      %slice3A_1240 = vector.extract_strided_slice %scan3A_169 {offsets = [11], sizes = [1], strides = [1]} : vector<16xi32> to vector<1xi32>
      %squeeze3A_1241 = vector.extract %slice3A_1240[0] : i32 from vector<1xi32>
      %and3A_1242 = arith.constant 127 : i32
      %and3A_1243 = arith.andi %squeeze3A_1241, %and3A_1242 : i32
      %broadcast_in_dim3A_1244 = vector.broadcast %and3A_1243 : i32 to vector<16xi32>
      %jit3A_1245 = arith.constant 8 : i32
      %eq3A_1246 = arith.constant 0 : i32
      %eq3A_1247 = arith.cmpi eq, %jit3A_1245, %eq3A_1246 : i32
      %jit3A_1248 = arith.constant 1 : i32
      %select_n3A_1249 = arith.select %eq3A_1247, %jit3A_1248, %jit3A_1245 : i32
      %rem3A_1250 = arith.remsi %scan3A_168, %select_n3A_1249 : i32
      %ne3A_1251 = arith.constant 0 : i32
      %ne3A_1252 = arith.cmpi ne, %rem3A_1250, %ne3A_1251 : i32
      %lt3A_1253 = arith.constant 0 : i32
      %lt3A_1254 = arith.cmpi slt, %rem3A_1250, %lt3A_1253 : i32
      %lt3A_1255 = arith.constant 0 : i32
      %lt3A_1256 = arith.cmpi slt, %select_n3A_1249, %lt3A_1255 : i32
      %ne3A_1257 = arith.xori %lt3A_1254, %lt3A_1256 : i1
      %and3A_1258 = arith.andi %ne3A_1257, %ne3A_1252 : i1
      %add3A_1259 = arith.addi %rem3A_1250, %select_n3A_1249 : i32
      %select_n3A_1260 = arith.select %and3A_1258, %add3A_1259, %rem3A_1250 : i32
      %mul3A_1261 = arith.constant 16 : i32
      %mul3A_1262 = arith.muli %select_n3A_1260, %mul3A_1261 : i32
      %add3A_1263 = arith.constant 11 : i32
      %add3A_1264 = arith.addi %mul3A_1262, %add3A_1263 : i32
      %broadcast_in_dim3A_1265 = vector.broadcast %add3A_1264 : i32 to vector<16xi32>
      %add3A_1266 = arith.constant 0 : i32
      %add3A_1267 = vector.broadcast %add3A_1266 : i32 to vector<16xi32>
      %add3A_1268 = arith.addi %iota3A, %add3A_1267 : vector<16xi32>
      %gather3A_1269 = arith.constant 3 : i32
      %gather3A_1270 = arith.constant 0 : i32
      %gather3A_1271 = arith.constant 0 : i32
      %gather3A_1272 = tpu.memref_slice %arg6[%gather3A_1269, %gather3A_1270, %gather3A_1271] : memref<8x64x128xf32, #tpu.memory_space<vmem>> -> memref<1x64x128xf32, #tpu.memory_space<vmem>>
      %gather3A_1273 = tpu.memref_squeeze %gather3A_1272 : memref<1x64x128xf32, #tpu.memory_space<vmem>> -> memref<64x128xf32, #tpu.memory_space<vmem>>
      %gather3A_1274 = tpu.vector_load_idx %gather3A_1273[%add3A_1268, %broadcast_in_dim3A_1244] : memref<64x128xf32, #tpu.memory_space<vmem>>[vector<16xi32>, vector<16xi32>], vector<16xf32>,
      tpu.vector_store_idx %arg7[%add3A_1268, %broadcast_in_dim3A_1265], %gather3A_1274 : memref<64x128xf32, #tpu.memory_space<vmem>>[vector<16xi32>, vector<16xi32>], vector<16xf32>,
      %add3A_1275 = arith.constant 16 : i32
      %add3A_1276 = vector.broadcast %add3A_1275 : i32 to vector<16xi32>
      %add3A_1277 = arith.addi %iota3A, %add3A_1276 : vector<16xi32>
      %gather3A_1278 = arith.constant 3 : i32
      %gather3A_1279 = arith.constant 0 : i32
      %gather3A_1280 = arith.constant 0 : i32
      %gather3A_1281 = tpu.memref_slice %arg6[%gather3A_1278, %gather3A_1279, %gather3A_1280] : memref<8x64x128xf32, #tpu.memory_space<vmem>> -> memref<1x64x128xf32, #tpu.memory_space<vmem>>
      %gather3A_1282 = tpu.memref_squeeze %gather3A_1281 : memref<1x64x128xf32, #tpu.memory_space<vmem>> -> memref<64x128xf32, #tpu.memory_space<vmem>>
      %gather3A_1283 = tpu.vector_load_idx %gather3A_1282[%add3A_1277, %broadcast_in_dim3A_1244] : memref<64x128xf32, #tpu.memory_space<vmem>>[vector<16xi32>, vector<16xi32>], vector<16xf32>,
      tpu.vector_store_idx %arg7[%add3A_1277, %broadcast_in_dim3A_1265], %gather3A_1283 : memref<64x128xf32, #tpu.memory_space<vmem>>[vector<16xi32>, vector<16xi32>], vector<16xf32>,
      %add3A_1284 = arith.constant 32 : i32
      %add3A_1285 = vector.broadcast %add3A_1284 : i32 to vector<16xi32>
      %add3A_1286 = arith.addi %iota3A, %add3A_1285 : vector<16xi32>
      %gather3A_1287 = arith.constant 3 : i32
      %gather3A_1288 = arith.constant 0 : i32
      %gather3A_1289 = arith.constant 0 : i32
      %gather3A_1290 = tpu.memref_slice %arg6[%gather3A_1287, %gather3A_1288, %gather3A_1289] : memref<8x64x128xf32, #tpu.memory_space<vmem>> -> memref<1x64x128xf32, #tpu.memory_space<vmem>>
      %gather3A_1291 = tpu.memref_squeeze %gather3A_1290 : memref<1x64x128xf32, #tpu.memory_space<vmem>> -> memref<64x128xf32, #tpu.memory_space<vmem>>
      %gather3A_1292 = tpu.vector_load_idx %gather3A_1291[%add3A_1286, %broadcast_in_dim3A_1244] : memref<64x128xf32, #tpu.memory_space<vmem>>[vector<16xi32>, vector<16xi32>], vector<16xf32>,
      tpu.vector_store_idx %arg7[%add3A_1286, %broadcast_in_dim3A_1265], %gather3A_1292 : memref<64x128xf32, #tpu.memory_space<vmem>>[vector<16xi32>, vector<16xi32>], vector<16xf32>,
      %add3A_1293 = arith.constant 48 : i32
      %add3A_1294 = vector.broadcast %add3A_1293 : i32 to vector<16xi32>
      %add3A_1295 = arith.addi %iota3A, %add3A_1294 : vector<16xi32>
      %gather3A_1296 = arith.constant 3 : i32
      %gather3A_1297 = arith.constant 0 : i32
      %gather3A_1298 = arith.constant 0 : i32
      %gather3A_1299 = tpu.memref_slice %arg6[%gather3A_1296, %gather3A_1297, %gather3A_1298] : memref<8x64x128xf32, #tpu.memory_space<vmem>> -> memref<1x64x128xf32, #tpu.memory_space<vmem>>
      %gather3A_1300 = tpu.memref_squeeze %gather3A_1299 : memref<1x64x128xf32, #tpu.memory_space<vmem>> -> memref<64x128xf32, #tpu.memory_space<vmem>>
      %gather3A_1301 = tpu.vector_load_idx %gather3A_1300[%add3A_1295, %broadcast_in_dim3A_1244] : memref<64x128xf32, #tpu.memory_space<vmem>>[vector<16xi32>, vector<16xi32>], vector<16xf32>,
      tpu.vector_store_idx %arg7[%add3A_1295, %broadcast_in_dim3A_1265], %gather3A_1301 : memref<64x128xf32, #tpu.memory_space<vmem>>[vector<16xi32>, vector<16xi32>], vector<16xf32>,
      %lt3A_1302 = arith.constant 31 : i32
      %lt3A_1303 = arith.cmpi slt, %scan3A_168, %lt3A_1302 : i32
      %convert_element_type3A_1304 = arith.extui %lt3A_1303 : i1 to i32
      %cond3A_1305 = arith.constant 0 : i32
      %cond3A_1306 = arith.cmpi ne, %convert_element_type3A_1304, %cond3A_1305 : i32
      scf.if %cond3A_1306 {
        %slice3A_1656 = vector.extract_strided_slice %get3A_207 {offsets = [3], sizes = [1], strides = [1]} : vector<16xi32> to vector<1xi32>
        %squeeze3A_1657 = vector.extract %slice3A_1656[0] : i32 from vector<1xi32>
        %shift_right_arithmetic3A_1658 = arith.constant 7 : i32
        %shift_right_arithmetic3A_1659 = arith.shrsi %squeeze3A_1657, %shift_right_arithmetic3A_1658 : i32
        %mul3A_1660 = arith.constant 128 : i32
        %mul3A_1661 = arith.muli %shift_right_arithmetic3A_1659, %mul3A_1660 : i32
        %multiple_of3A_1662 = tpu.assume_multiple %mul3A_1661, 128 : i32
        %dma_start3A_1663 = arith.constant 3 : i32
        %dma_start3A_1664 = arith.constant 0 : i32
        %dma_start3A_1665 = arith.constant 0 : i32
        %dma_start3A_1666 = tpu.memref_slice %arg6[%dma_start3A_1663, %dma_start3A_1664, %dma_start3A_1665] : memref<8x64x128xf32, #tpu.memory_space<vmem>> -> memref<1x64x128xf32, #tpu.memory_space<vmem>>
        %dma_start3A_1667 = tpu.memref_squeeze %dma_start3A_1666 : memref<1x64x128xf32, #tpu.memory_space<vmem>> -> memref<64x128xf32, #tpu.memory_space<vmem>>
        %dma_start3A_1668 = arith.constant 0 : i32
        %dma_start3A_1669 = tpu.memref_slice %arg3[%dma_start3A_1668, %multiple_of3A_1662] : memref<64x1000000xf32, #tpu.memory_space<hbm>> -> memref<64x128xf32, #tpu.memory_space<hbm>>
        %dma_start3A_1670 = arith.constant 0 : i32
        %dma_start3A_1671 = arith.constant 0 : i32
        %dma_start3A_1672 = tpu.memref_slice %arg6[%dma_start3A_1663, %dma_start3A_1670, %dma_start3A_1671] : memref<8x64x128xf32, #tpu.memory_space<vmem>> -> memref<1x64x128xf32, #tpu.memory_space<vmem>>
        %dma_start3A_1673 = tpu.memref_squeeze %dma_start3A_1672 : memref<1x64x128xf32, #tpu.memory_space<vmem>> -> memref<64x128xf32, #tpu.memory_space<vmem>>
        %dma_start3A_1674 = arith.constant 0 : i32
        %dma_start3A_1675 = tpu.memref_slice %arg3[%dma_start3A_1674, %multiple_of3A_1662] : memref<64x1000000xf32, #tpu.memory_space<hbm>> -> memref<64x128xf32, #tpu.memory_space<hbm>>
        tpu.enqueue_dma source(%dma_start3A_1675 : memref<64x128xf32, #tpu.memory_space<hbm>>) target(%dma_start3A_1673 : memref<64x128xf32, #tpu.memory_space<vmem>>) target_semaphore(%arg11 : memref<!tpu.dma_semaphore, #tpu.memory_space<semaphore_mem>>)
      } else {
      }
      %dma_wait3A_1307 = arith.constant 4 : i32
      %dma_wait3A_1308 = arith.constant 0 : i32
      %dma_wait3A_1309 = arith.constant 0 : i32
      %dma_wait3A_1310 = tpu.memref_slice %arg6[%dma_wait3A_1307, %dma_wait3A_1308, %dma_wait3A_1309] : memref<8x64x128xf32, #tpu.memory_space<vmem>> -> memref<1x64x128xf32, #tpu.memory_space<vmem>>
      %dma_wait3A_1311 = tpu.memref_squeeze %dma_wait3A_1310 : memref<1x64x128xf32, #tpu.memory_space<vmem>> -> memref<64x128xf32, #tpu.memory_space<vmem>>
      %dma_wait3A_1312 = arith.constant 0 : i32
      %dma_wait3A_1313 = arith.constant 0 : i32
      %dma_wait3A_1314 = tpu.memref_slice %arg3[%dma_wait3A_1312, %dma_wait3A_1313] : memref<64x1000000xf32, #tpu.memory_space<hbm>> -> memref<64x128xf32, #tpu.memory_space<hbm>>
      %dma_wait3A_1315 = arith.constant 0 : i32
      %dma_wait3A_1316 = arith.constant 0 : i32
      %dma_wait3A_1317 = tpu.memref_slice %arg6[%dma_wait3A_1307, %dma_wait3A_1315, %dma_wait3A_1316] : memref<8x64x128xf32, #tpu.memory_space<vmem>> -> memref<1x64x128xf32, #tpu.memory_space<vmem>>
      %dma_wait3A_1318 = tpu.memref_squeeze %dma_wait3A_1317 : memref<1x64x128xf32, #tpu.memory_space<vmem>> -> memref<64x128xf32, #tpu.memory_space<vmem>>
      %dma_wait3A_1319 = arith.constant 0 : i32
      %dma_wait3A_1320 = arith.constant 0 : i32
      %dma_wait3A_1321 = tpu.memref_slice %arg3[%dma_wait3A_1319, %dma_wait3A_1320] : memref<64x1000000xf32, #tpu.memory_space<hbm>> -> memref<64x128xf32, #tpu.memory_space<hbm>>
      tpu.wait_dma2 semaphore(%arg12 : memref<!tpu.dma_semaphore, #tpu.memory_space<semaphore_mem>>) src(%dma_wait3A_1321 : memref<64x128xf32, #tpu.memory_space<hbm>>) dst(%dma_wait3A_1318 : memref<64x128xf32, #tpu.memory_space<vmem>>)
      %slice3A_1322 = vector.extract_strided_slice %scan3A_169 {offsets = [12], sizes = [1], strides = [1]} : vector<16xi32> to vector<1xi32>
      %squeeze3A_1323 = vector.extract %slice3A_1322[0] : i32 from vector<1xi32>
      %and3A_1324 = arith.constant 127 : i32
      %and3A_1325 = arith.andi %squeeze3A_1323, %and3A_1324 : i32
      %broadcast_in_dim3A_1326 = vector.broadcast %and3A_1325 : i32 to vector<16xi32>
      %jit3A_1327 = arith.constant 8 : i32
      %eq3A_1328 = arith.constant 0 : i32
      %eq3A_1329 = arith.cmpi eq, %jit3A_1327, %eq3A_1328 : i32
      %jit3A_1330 = arith.constant 1 : i32
      %select_n3A_1331 = arith.select %eq3A_1329, %jit3A_1330, %jit3A_1327 : i32
      %rem3A_1332 = arith.remsi %scan3A_168, %select_n3A_1331 : i32
      %ne3A_1333 = arith.constant 0 : i32
      %ne3A_1334 = arith.cmpi ne, %rem3A_1332, %ne3A_1333 : i32
      %lt3A_1335 = arith.constant 0 : i32
      %lt3A_1336 = arith.cmpi slt, %rem3A_1332, %lt3A_1335 : i32
      %lt3A_1337 = arith.constant 0 : i32
      %lt3A_1338 = arith.cmpi slt, %select_n3A_1331, %lt3A_1337 : i32
      %ne3A_1339 = arith.xori %lt3A_1336, %lt3A_1338 : i1
      %and3A_1340 = arith.andi %ne3A_1339, %ne3A_1334 : i1
      %add3A_1341 = arith.addi %rem3A_1332, %select_n3A_1331 : i32
      %select_n3A_1342 = arith.select %and3A_1340, %add3A_1341, %rem3A_1332 : i32
      %mul3A_1343 = arith.constant 16 : i32
      %mul3A_1344 = arith.muli %select_n3A_1342, %mul3A_1343 : i32
      %add3A_1345 = arith.constant 12 : i32
      %add3A_1346 = arith.addi %mul3A_1344, %add3A_1345 : i32
      %broadcast_in_dim3A_1347 = vector.broadcast %add3A_1346 : i32 to vector<16xi32>
      %add3A_1348 = arith.constant 0 : i32
      %add3A_1349 = vector.broadcast %add3A_1348 : i32 to vector<16xi32>
      %add3A_1350 = arith.addi %iota3A, %add3A_1349 : vector<16xi32>
      %gather3A_1351 = arith.constant 4 : i32
      %gather3A_1352 = arith.constant 0 : i32
      %gather3A_1353 = arith.constant 0 : i32
      %gather3A_1354 = tpu.memref_slice %arg6[%gather3A_1351, %gather3A_1352, %gather3A_1353] : memref<8x64x128xf32, #tpu.memory_space<vmem>> -> memref<1x64x128xf32, #tpu.memory_space<vmem>>
      %gather3A_1355 = tpu.memref_squeeze %gather3A_1354 : memref<1x64x128xf32, #tpu.memory_space<vmem>> -> memref<64x128xf32, #tpu.memory_space<vmem>>
      %gather3A_1356 = tpu.vector_load_idx %gather3A_1355[%add3A_1350, %broadcast_in_dim3A_1326] : memref<64x128xf32, #tpu.memory_space<vmem>>[vector<16xi32>, vector<16xi32>], vector<16xf32>,
      tpu.vector_store_idx %arg7[%add3A_1350, %broadcast_in_dim3A_1347], %gather3A_1356 : memref<64x128xf32, #tpu.memory_space<vmem>>[vector<16xi32>, vector<16xi32>], vector<16xf32>,
      %add3A_1357 = arith.constant 16 : i32
      %add3A_1358 = vector.broadcast %add3A_1357 : i32 to vector<16xi32>
      %add3A_1359 = arith.addi %iota3A, %add3A_1358 : vector<16xi32>
      %gather3A_1360 = arith.constant 4 : i32
      %gather3A_1361 = arith.constant 0 : i32
      %gather3A_1362 = arith.constant 0 : i32
      %gather3A_1363 = tpu.memref_slice %arg6[%gather3A_1360, %gather3A_1361, %gather3A_1362] : memref<8x64x128xf32, #tpu.memory_space<vmem>> -> memref<1x64x128xf32, #tpu.memory_space<vmem>>
      %gather3A_1364 = tpu.memref_squeeze %gather3A_1363 : memref<1x64x128xf32, #tpu.memory_space<vmem>> -> memref<64x128xf32, #tpu.memory_space<vmem>>
      %gather3A_1365 = tpu.vector_load_idx %gather3A_1364[%add3A_1359, %broadcast_in_dim3A_1326] : memref<64x128xf32, #tpu.memory_space<vmem>>[vector<16xi32>, vector<16xi32>], vector<16xf32>,
      tpu.vector_store_idx %arg7[%add3A_1359, %broadcast_in_dim3A_1347], %gather3A_1365 : memref<64x128xf32, #tpu.memory_space<vmem>>[vector<16xi32>, vector<16xi32>], vector<16xf32>,
      %add3A_1366 = arith.constant 32 : i32
      %add3A_1367 = vector.broadcast %add3A_1366 : i32 to vector<16xi32>
      %add3A_1368 = arith.addi %iota3A, %add3A_1367 : vector<16xi32>
      %gather3A_1369 = arith.constant 4 : i32
      %gather3A_1370 = arith.constant 0 : i32
      %gather3A_1371 = arith.constant 0 : i32
      %gather3A_1372 = tpu.memref_slice %arg6[%gather3A_1369, %gather3A_1370, %gather3A_1371] : memref<8x64x128xf32, #tpu.memory_space<vmem>> -> memref<1x64x128xf32, #tpu.memory_space<vmem>>
      %gather3A_1373 = tpu.memref_squeeze %gather3A_1372 : memref<1x64x128xf32, #tpu.memory_space<vmem>> -> memref<64x128xf32, #tpu.memory_space<vmem>>
      %gather3A_1374 = tpu.vector_load_idx %gather3A_1373[%add3A_1368, %broadcast_in_dim3A_1326] : memref<64x128xf32, #tpu.memory_space<vmem>>[vector<16xi32>, vector<16xi32>], vector<16xf32>,
      tpu.vector_store_idx %arg7[%add3A_1368, %broadcast_in_dim3A_1347], %gather3A_1374 : memref<64x128xf32, #tpu.memory_space<vmem>>[vector<16xi32>, vector<16xi32>], vector<16xf32>,
      %add3A_1375 = arith.constant 48 : i32
      %add3A_1376 = vector.broadcast %add3A_1375 : i32 to vector<16xi32>
      %add3A_1377 = arith.addi %iota3A, %add3A_1376 : vector<16xi32>
      %gather3A_1378 = arith.constant 4 : i32
      %gather3A_1379 = arith.constant 0 : i32
      %gather3A_1380 = arith.constant 0 : i32
      %gather3A_1381 = tpu.memref_slice %arg6[%gather3A_1378, %gather3A_1379, %gather3A_1380] : memref<8x64x128xf32, #tpu.memory_space<vmem>> -> memref<1x64x128xf32, #tpu.memory_space<vmem>>
      %gather3A_1382 = tpu.memref_squeeze %gather3A_1381 : memref<1x64x128xf32, #tpu.memory_space<vmem>> -> memref<64x128xf32, #tpu.memory_space<vmem>>
      %gather3A_1383 = tpu.vector_load_idx %gather3A_1382[%add3A_1377, %broadcast_in_dim3A_1326] : memref<64x128xf32, #tpu.memory_space<vmem>>[vector<16xi32>, vector<16xi32>], vector<16xf32>,
      tpu.vector_store_idx %arg7[%add3A_1377, %broadcast_in_dim3A_1347], %gather3A_1383 : memref<64x128xf32, #tpu.memory_space<vmem>>[vector<16xi32>, vector<16xi32>], vector<16xf32>,
      %lt3A_1384 = arith.constant 31 : i32
      %lt3A_1385 = arith.cmpi slt, %scan3A_168, %lt3A_1384 : i32
      %convert_element_type3A_1386 = arith.extui %lt3A_1385 : i1 to i32
      %cond3A_1387 = arith.constant 0 : i32
      %cond3A_1388 = arith.cmpi ne, %convert_element_type3A_1386, %cond3A_1387 : i32
      scf.if %cond3A_1388 {
        %slice3A_1656 = vector.extract_strided_slice %get3A_207 {offsets = [4], sizes = [1], strides = [1]} : vector<16xi32> to vector<1xi32>
        %squeeze3A_1657 = vector.extract %slice3A_1656[0] : i32 from vector<1xi32>
        %shift_right_arithmetic3A_1658 = arith.constant 7 : i32
        %shift_right_arithmetic3A_1659 = arith.shrsi %squeeze3A_1657, %shift_right_arithmetic3A_1658 : i32
        %mul3A_1660 = arith.constant 128 : i32
        %mul3A_1661 = arith.muli %shift_right_arithmetic3A_1659, %mul3A_1660 : i32
        %multiple_of3A_1662 = tpu.assume_multiple %mul3A_1661, 128 : i32
        %dma_start3A_1663 = arith.constant 4 : i32
        %dma_start3A_1664 = arith.constant 0 : i32
        %dma_start3A_1665 = arith.constant 0 : i32
        %dma_start3A_1666 = tpu.memref_slice %arg6[%dma_start3A_1663, %dma_start3A_1664, %dma_start3A_1665] : memref<8x64x128xf32, #tpu.memory_space<vmem>> -> memref<1x64x128xf32, #tpu.memory_space<vmem>>
        %dma_start3A_1667 = tpu.memref_squeeze %dma_start3A_1666 : memref<1x64x128xf32, #tpu.memory_space<vmem>> -> memref<64x128xf32, #tpu.memory_space<vmem>>
        %dma_start3A_1668 = arith.constant 0 : i32
        %dma_start3A_1669 = tpu.memref_slice %arg3[%dma_start3A_1668, %multiple_of3A_1662] : memref<64x1000000xf32, #tpu.memory_space<hbm>> -> memref<64x128xf32, #tpu.memory_space<hbm>>
        %dma_start3A_1670 = arith.constant 0 : i32
        %dma_start3A_1671 = arith.constant 0 : i32
        %dma_start3A_1672 = tpu.memref_slice %arg6[%dma_start3A_1663, %dma_start3A_1670, %dma_start3A_1671] : memref<8x64x128xf32, #tpu.memory_space<vmem>> -> memref<1x64x128xf32, #tpu.memory_space<vmem>>
        %dma_start3A_1673 = tpu.memref_squeeze %dma_start3A_1672 : memref<1x64x128xf32, #tpu.memory_space<vmem>> -> memref<64x128xf32, #tpu.memory_space<vmem>>
        %dma_start3A_1674 = arith.constant 0 : i32
        %dma_start3A_1675 = tpu.memref_slice %arg3[%dma_start3A_1674, %multiple_of3A_1662] : memref<64x1000000xf32, #tpu.memory_space<hbm>> -> memref<64x128xf32, #tpu.memory_space<hbm>>
        tpu.enqueue_dma source(%dma_start3A_1675 : memref<64x128xf32, #tpu.memory_space<hbm>>) target(%dma_start3A_1673 : memref<64x128xf32, #tpu.memory_space<vmem>>) target_semaphore(%arg12 : memref<!tpu.dma_semaphore, #tpu.memory_space<semaphore_mem>>)
      } else {
      }
      %dma_wait3A_1389 = arith.constant 5 : i32
      %dma_wait3A_1390 = arith.constant 0 : i32
      %dma_wait3A_1391 = arith.constant 0 : i32
      %dma_wait3A_1392 = tpu.memref_slice %arg6[%dma_wait3A_1389, %dma_wait3A_1390, %dma_wait3A_1391] : memref<8x64x128xf32, #tpu.memory_space<vmem>> -> memref<1x64x128xf32, #tpu.memory_space<vmem>>
      %dma_wait3A_1393 = tpu.memref_squeeze %dma_wait3A_1392 : memref<1x64x128xf32, #tpu.memory_space<vmem>> -> memref<64x128xf32, #tpu.memory_space<vmem>>
      %dma_wait3A_1394 = arith.constant 0 : i32
      %dma_wait3A_1395 = arith.constant 0 : i32
      %dma_wait3A_1396 = tpu.memref_slice %arg3[%dma_wait3A_1394, %dma_wait3A_1395] : memref<64x1000000xf32, #tpu.memory_space<hbm>> -> memref<64x128xf32, #tpu.memory_space<hbm>>
      %dma_wait3A_1397 = arith.constant 0 : i32
      %dma_wait3A_1398 = arith.constant 0 : i32
      %dma_wait3A_1399 = tpu.memref_slice %arg6[%dma_wait3A_1389, %dma_wait3A_1397, %dma_wait3A_1398] : memref<8x64x128xf32, #tpu.memory_space<vmem>> -> memref<1x64x128xf32, #tpu.memory_space<vmem>>
      %dma_wait3A_1400 = tpu.memref_squeeze %dma_wait3A_1399 : memref<1x64x128xf32, #tpu.memory_space<vmem>> -> memref<64x128xf32, #tpu.memory_space<vmem>>
      %dma_wait3A_1401 = arith.constant 0 : i32
      %dma_wait3A_1402 = arith.constant 0 : i32
      %dma_wait3A_1403 = tpu.memref_slice %arg3[%dma_wait3A_1401, %dma_wait3A_1402] : memref<64x1000000xf32, #tpu.memory_space<hbm>> -> memref<64x128xf32, #tpu.memory_space<hbm>>
      tpu.wait_dma2 semaphore(%arg13 : memref<!tpu.dma_semaphore, #tpu.memory_space<semaphore_mem>>) src(%dma_wait3A_1403 : memref<64x128xf32, #tpu.memory_space<hbm>>) dst(%dma_wait3A_1400 : memref<64x128xf32, #tpu.memory_space<vmem>>)
      %slice3A_1404 = vector.extract_strided_slice %scan3A_169 {offsets = [13], sizes = [1], strides = [1]} : vector<16xi32> to vector<1xi32>
      %squeeze3A_1405 = vector.extract %slice3A_1404[0] : i32 from vector<1xi32>
      %and3A_1406 = arith.constant 127 : i32
      %and3A_1407 = arith.andi %squeeze3A_1405, %and3A_1406 : i32
      %broadcast_in_dim3A_1408 = vector.broadcast %and3A_1407 : i32 to vector<16xi32>
      %jit3A_1409 = arith.constant 8 : i32
      %eq3A_1410 = arith.constant 0 : i32
      %eq3A_1411 = arith.cmpi eq, %jit3A_1409, %eq3A_1410 : i32
      %jit3A_1412 = arith.constant 1 : i32
      %select_n3A_1413 = arith.select %eq3A_1411, %jit3A_1412, %jit3A_1409 : i32
      %rem3A_1414 = arith.remsi %scan3A_168, %select_n3A_1413 : i32
      %ne3A_1415 = arith.constant 0 : i32
      %ne3A_1416 = arith.cmpi ne, %rem3A_1414, %ne3A_1415 : i32
      %lt3A_1417 = arith.constant 0 : i32
      %lt3A_1418 = arith.cmpi slt, %rem3A_1414, %lt3A_1417 : i32
      %lt3A_1419 = arith.constant 0 : i32
      %lt3A_1420 = arith.cmpi slt, %select_n3A_1413, %lt3A_1419 : i32
      %ne3A_1421 = arith.xori %lt3A_1418, %lt3A_1420 : i1
      %and3A_1422 = arith.andi %ne3A_1421, %ne3A_1416 : i1
      %add3A_1423 = arith.addi %rem3A_1414, %select_n3A_1413 : i32
      %select_n3A_1424 = arith.select %and3A_1422, %add3A_1423, %rem3A_1414 : i32
      %mul3A_1425 = arith.constant 16 : i32
      %mul3A_1426 = arith.muli %select_n3A_1424, %mul3A_1425 : i32
      %add3A_1427 = arith.constant 13 : i32
      %add3A_1428 = arith.addi %mul3A_1426, %add3A_1427 : i32
      %broadcast_in_dim3A_1429 = vector.broadcast %add3A_1428 : i32 to vector<16xi32>
      %add3A_1430 = arith.constant 0 : i32
      %add3A_1431 = vector.broadcast %add3A_1430 : i32 to vector<16xi32>
      %add3A_1432 = arith.addi %iota3A, %add3A_1431 : vector<16xi32>
      %gather3A_1433 = arith.constant 5 : i32
      %gather3A_1434 = arith.constant 0 : i32
      %gather3A_1435 = arith.constant 0 : i32
      %gather3A_1436 = tpu.memref_slice %arg6[%gather3A_1433, %gather3A_1434, %gather3A_1435] : memref<8x64x128xf32, #tpu.memory_space<vmem>> -> memref<1x64x128xf32, #tpu.memory_space<vmem>>
      %gather3A_1437 = tpu.memref_squeeze %gather3A_1436 : memref<1x64x128xf32, #tpu.memory_space<vmem>> -> memref<64x128xf32, #tpu.memory_space<vmem>>
      %gather3A_1438 = tpu.vector_load_idx %gather3A_1437[%add3A_1432, %broadcast_in_dim3A_1408] : memref<64x128xf32, #tpu.memory_space<vmem>>[vector<16xi32>, vector<16xi32>], vector<16xf32>,
      tpu.vector_store_idx %arg7[%add3A_1432, %broadcast_in_dim3A_1429], %gather3A_1438 : memref<64x128xf32, #tpu.memory_space<vmem>>[vector<16xi32>, vector<16xi32>], vector<16xf32>,
      %add3A_1439 = arith.constant 16 : i32
      %add3A_1440 = vector.broadcast %add3A_1439 : i32 to vector<16xi32>
      %add3A_1441 = arith.addi %iota3A, %add3A_1440 : vector<16xi32>
      %gather3A_1442 = arith.constant 5 : i32
      %gather3A_1443 = arith.constant 0 : i32
      %gather3A_1444 = arith.constant 0 : i32
      %gather3A_1445 = tpu.memref_slice %arg6[%gather3A_1442, %gather3A_1443, %gather3A_1444] : memref<8x64x128xf32, #tpu.memory_space<vmem>> -> memref<1x64x128xf32, #tpu.memory_space<vmem>>
      %gather3A_1446 = tpu.memref_squeeze %gather3A_1445 : memref<1x64x128xf32, #tpu.memory_space<vmem>> -> memref<64x128xf32, #tpu.memory_space<vmem>>
      %gather3A_1447 = tpu.vector_load_idx %gather3A_1446[%add3A_1441, %broadcast_in_dim3A_1408] : memref<64x128xf32, #tpu.memory_space<vmem>>[vector<16xi32>, vector<16xi32>], vector<16xf32>,
      tpu.vector_store_idx %arg7[%add3A_1441, %broadcast_in_dim3A_1429], %gather3A_1447 : memref<64x128xf32, #tpu.memory_space<vmem>>[vector<16xi32>, vector<16xi32>], vector<16xf32>,
      %add3A_1448 = arith.constant 32 : i32
      %add3A_1449 = vector.broadcast %add3A_1448 : i32 to vector<16xi32>
      %add3A_1450 = arith.addi %iota3A, %add3A_1449 : vector<16xi32>
      %gather3A_1451 = arith.constant 5 : i32
      %gather3A_1452 = arith.constant 0 : i32
      %gather3A_1453 = arith.constant 0 : i32
      %gather3A_1454 = tpu.memref_slice %arg6[%gather3A_1451, %gather3A_1452, %gather3A_1453] : memref<8x64x128xf32, #tpu.memory_space<vmem>> -> memref<1x64x128xf32, #tpu.memory_space<vmem>>
      %gather3A_1455 = tpu.memref_squeeze %gather3A_1454 : memref<1x64x128xf32, #tpu.memory_space<vmem>> -> memref<64x128xf32, #tpu.memory_space<vmem>>
      %gather3A_1456 = tpu.vector_load_idx %gather3A_1455[%add3A_1450, %broadcast_in_dim3A_1408] : memref<64x128xf32, #tpu.memory_space<vmem>>[vector<16xi32>, vector<16xi32>], vector<16xf32>,
      tpu.vector_store_idx %arg7[%add3A_1450, %broadcast_in_dim3A_1429], %gather3A_1456 : memref<64x128xf32, #tpu.memory_space<vmem>>[vector<16xi32>, vector<16xi32>], vector<16xf32>,
      %add3A_1457 = arith.constant 48 : i32
      %add3A_1458 = vector.broadcast %add3A_1457 : i32 to vector<16xi32>
      %add3A_1459 = arith.addi %iota3A, %add3A_1458 : vector<16xi32>
      %gather3A_1460 = arith.constant 5 : i32
      %gather3A_1461 = arith.constant 0 : i32
      %gather3A_1462 = arith.constant 0 : i32
      %gather3A_1463 = tpu.memref_slice %arg6[%gather3A_1460, %gather3A_1461, %gather3A_1462] : memref<8x64x128xf32, #tpu.memory_space<vmem>> -> memref<1x64x128xf32, #tpu.memory_space<vmem>>
      %gather3A_1464 = tpu.memref_squeeze %gather3A_1463 : memref<1x64x128xf32, #tpu.memory_space<vmem>> -> memref<64x128xf32, #tpu.memory_space<vmem>>
      %gather3A_1465 = tpu.vector_load_idx %gather3A_1464[%add3A_1459, %broadcast_in_dim3A_1408] : memref<64x128xf32, #tpu.memory_space<vmem>>[vector<16xi32>, vector<16xi32>], vector<16xf32>,
      tpu.vector_store_idx %arg7[%add3A_1459, %broadcast_in_dim3A_1429], %gather3A_1465 : memref<64x128xf32, #tpu.memory_space<vmem>>[vector<16xi32>, vector<16xi32>], vector<16xf32>,
      %lt3A_1466 = arith.constant 31 : i32
      %lt3A_1467 = arith.cmpi slt, %scan3A_168, %lt3A_1466 : i32
      %convert_element_type3A_1468 = arith.extui %lt3A_1467 : i1 to i32
      %cond3A_1469 = arith.constant 0 : i32
      %cond3A_1470 = arith.cmpi ne, %convert_element_type3A_1468, %cond3A_1469 : i32
      scf.if %cond3A_1470 {
        %slice3A_1656 = vector.extract_strided_slice %get3A_207 {offsets = [5], sizes = [1], strides = [1]} : vector<16xi32> to vector<1xi32>
        %squeeze3A_1657 = vector.extract %slice3A_1656[0] : i32 from vector<1xi32>
        %shift_right_arithmetic3A_1658 = arith.constant 7 : i32
        %shift_right_arithmetic3A_1659 = arith.shrsi %squeeze3A_1657, %shift_right_arithmetic3A_1658 : i32
        %mul3A_1660 = arith.constant 128 : i32
        %mul3A_1661 = arith.muli %shift_right_arithmetic3A_1659, %mul3A_1660 : i32
        %multiple_of3A_1662 = tpu.assume_multiple %mul3A_1661, 128 : i32
        %dma_start3A_1663 = arith.constant 5 : i32
        %dma_start3A_1664 = arith.constant 0 : i32
        %dma_start3A_1665 = arith.constant 0 : i32
        %dma_start3A_1666 = tpu.memref_slice %arg6[%dma_start3A_1663, %dma_start3A_1664, %dma_start3A_1665] : memref<8x64x128xf32, #tpu.memory_space<vmem>> -> memref<1x64x128xf32, #tpu.memory_space<vmem>>
        %dma_start3A_1667 = tpu.memref_squeeze %dma_start3A_1666 : memref<1x64x128xf32, #tpu.memory_space<vmem>> -> memref<64x128xf32, #tpu.memory_space<vmem>>
        %dma_start3A_1668 = arith.constant 0 : i32
        %dma_start3A_1669 = tpu.memref_slice %arg3[%dma_start3A_1668, %multiple_of3A_1662] : memref<64x1000000xf32, #tpu.memory_space<hbm>> -> memref<64x128xf32, #tpu.memory_space<hbm>>
        %dma_start3A_1670 = arith.constant 0 : i32
        %dma_start3A_1671 = arith.constant 0 : i32
        %dma_start3A_1672 = tpu.memref_slice %arg6[%dma_start3A_1663, %dma_start3A_1670, %dma_start3A_1671] : memref<8x64x128xf32, #tpu.memory_space<vmem>> -> memref<1x64x128xf32, #tpu.memory_space<vmem>>
        %dma_start3A_1673 = tpu.memref_squeeze %dma_start3A_1672 : memref<1x64x128xf32, #tpu.memory_space<vmem>> -> memref<64x128xf32, #tpu.memory_space<vmem>>
        %dma_start3A_1674 = arith.constant 0 : i32
        %dma_start3A_1675 = tpu.memref_slice %arg3[%dma_start3A_1674, %multiple_of3A_1662] : memref<64x1000000xf32, #tpu.memory_space<hbm>> -> memref<64x128xf32, #tpu.memory_space<hbm>>
        tpu.enqueue_dma source(%dma_start3A_1675 : memref<64x128xf32, #tpu.memory_space<hbm>>) target(%dma_start3A_1673 : memref<64x128xf32, #tpu.memory_space<vmem>>) target_semaphore(%arg13 : memref<!tpu.dma_semaphore, #tpu.memory_space<semaphore_mem>>)
      } else {
      }
      %dma_wait3A_1471 = arith.constant 6 : i32
      %dma_wait3A_1472 = arith.constant 0 : i32
      %dma_wait3A_1473 = arith.constant 0 : i32
      %dma_wait3A_1474 = tpu.memref_slice %arg6[%dma_wait3A_1471, %dma_wait3A_1472, %dma_wait3A_1473] : memref<8x64x128xf32, #tpu.memory_space<vmem>> -> memref<1x64x128xf32, #tpu.memory_space<vmem>>
      %dma_wait3A_1475 = tpu.memref_squeeze %dma_wait3A_1474 : memref<1x64x128xf32, #tpu.memory_space<vmem>> -> memref<64x128xf32, #tpu.memory_space<vmem>>
      %dma_wait3A_1476 = arith.constant 0 : i32
      %dma_wait3A_1477 = arith.constant 0 : i32
      %dma_wait3A_1478 = tpu.memref_slice %arg3[%dma_wait3A_1476, %dma_wait3A_1477] : memref<64x1000000xf32, #tpu.memory_space<hbm>> -> memref<64x128xf32, #tpu.memory_space<hbm>>
      %dma_wait3A_1479 = arith.constant 0 : i32
      %dma_wait3A_1480 = arith.constant 0 : i32
      %dma_wait3A_1481 = tpu.memref_slice %arg6[%dma_wait3A_1471, %dma_wait3A_1479, %dma_wait3A_1480] : memref<8x64x128xf32, #tpu.memory_space<vmem>> -> memref<1x64x128xf32, #tpu.memory_space<vmem>>
      %dma_wait3A_1482 = tpu.memref_squeeze %dma_wait3A_1481 : memref<1x64x128xf32, #tpu.memory_space<vmem>> -> memref<64x128xf32, #tpu.memory_space<vmem>>
      %dma_wait3A_1483 = arith.constant 0 : i32
      %dma_wait3A_1484 = arith.constant 0 : i32
      %dma_wait3A_1485 = tpu.memref_slice %arg3[%dma_wait3A_1483, %dma_wait3A_1484] : memref<64x1000000xf32, #tpu.memory_space<hbm>> -> memref<64x128xf32, #tpu.memory_space<hbm>>
      tpu.wait_dma2 semaphore(%arg14 : memref<!tpu.dma_semaphore, #tpu.memory_space<semaphore_mem>>) src(%dma_wait3A_1485 : memref<64x128xf32, #tpu.memory_space<hbm>>) dst(%dma_wait3A_1482 : memref<64x128xf32, #tpu.memory_space<vmem>>)
      %slice3A_1486 = vector.extract_strided_slice %scan3A_169 {offsets = [14], sizes = [1], strides = [1]} : vector<16xi32> to vector<1xi32>
      %squeeze3A_1487 = vector.extract %slice3A_1486[0] : i32 from vector<1xi32>
      %and3A_1488 = arith.constant 127 : i32
      %and3A_1489 = arith.andi %squeeze3A_1487, %and3A_1488 : i32
      %broadcast_in_dim3A_1490 = vector.broadcast %and3A_1489 : i32 to vector<16xi32>
      %jit3A_1491 = arith.constant 8 : i32
      %eq3A_1492 = arith.constant 0 : i32
      %eq3A_1493 = arith.cmpi eq, %jit3A_1491, %eq3A_1492 : i32
      %jit3A_1494 = arith.constant 1 : i32
      %select_n3A_1495 = arith.select %eq3A_1493, %jit3A_1494, %jit3A_1491 : i32
      %rem3A_1496 = arith.remsi %scan3A_168, %select_n3A_1495 : i32
      %ne3A_1497 = arith.constant 0 : i32
      %ne3A_1498 = arith.cmpi ne, %rem3A_1496, %ne3A_1497 : i32
      %lt3A_1499 = arith.constant 0 : i32
      %lt3A_1500 = arith.cmpi slt, %rem3A_1496, %lt3A_1499 : i32
      %lt3A_1501 = arith.constant 0 : i32
      %lt3A_1502 = arith.cmpi slt, %select_n3A_1495, %lt3A_1501 : i32
      %ne3A_1503 = arith.xori %lt3A_1500, %lt3A_1502 : i1
      %and3A_1504 = arith.andi %ne3A_1503, %ne3A_1498 : i1
      %add3A_1505 = arith.addi %rem3A_1496, %select_n3A_1495 : i32
      %select_n3A_1506 = arith.select %and3A_1504, %add3A_1505, %rem3A_1496 : i32
      %mul3A_1507 = arith.constant 16 : i32
      %mul3A_1508 = arith.muli %select_n3A_1506, %mul3A_1507 : i32
      %add3A_1509 = arith.constant 14 : i32
      %add3A_1510 = arith.addi %mul3A_1508, %add3A_1509 : i32
      %broadcast_in_dim3A_1511 = vector.broadcast %add3A_1510 : i32 to vector<16xi32>
      %add3A_1512 = arith.constant 0 : i32
      %add3A_1513 = vector.broadcast %add3A_1512 : i32 to vector<16xi32>
      %add3A_1514 = arith.addi %iota3A, %add3A_1513 : vector<16xi32>
      %gather3A_1515 = arith.constant 6 : i32
      %gather3A_1516 = arith.constant 0 : i32
      %gather3A_1517 = arith.constant 0 : i32
      %gather3A_1518 = tpu.memref_slice %arg6[%gather3A_1515, %gather3A_1516, %gather3A_1517] : memref<8x64x128xf32, #tpu.memory_space<vmem>> -> memref<1x64x128xf32, #tpu.memory_space<vmem>>
      %gather3A_1519 = tpu.memref_squeeze %gather3A_1518 : memref<1x64x128xf32, #tpu.memory_space<vmem>> -> memref<64x128xf32, #tpu.memory_space<vmem>>
      %gather3A_1520 = tpu.vector_load_idx %gather3A_1519[%add3A_1514, %broadcast_in_dim3A_1490] : memref<64x128xf32, #tpu.memory_space<vmem>>[vector<16xi32>, vector<16xi32>], vector<16xf32>,
      tpu.vector_store_idx %arg7[%add3A_1514, %broadcast_in_dim3A_1511], %gather3A_1520 : memref<64x128xf32, #tpu.memory_space<vmem>>[vector<16xi32>, vector<16xi32>], vector<16xf32>,
      %add3A_1521 = arith.constant 16 : i32
      %add3A_1522 = vector.broadcast %add3A_1521 : i32 to vector<16xi32>
      %add3A_1523 = arith.addi %iota3A, %add3A_1522 : vector<16xi32>
      %gather3A_1524 = arith.constant 6 : i32
      %gather3A_1525 = arith.constant 0 : i32
      %gather3A_1526 = arith.constant 0 : i32
      %gather3A_1527 = tpu.memref_slice %arg6[%gather3A_1524, %gather3A_1525, %gather3A_1526] : memref<8x64x128xf32, #tpu.memory_space<vmem>> -> memref<1x64x128xf32, #tpu.memory_space<vmem>>
      %gather3A_1528 = tpu.memref_squeeze %gather3A_1527 : memref<1x64x128xf32, #tpu.memory_space<vmem>> -> memref<64x128xf32, #tpu.memory_space<vmem>>
      %gather3A_1529 = tpu.vector_load_idx %gather3A_1528[%add3A_1523, %broadcast_in_dim3A_1490] : memref<64x128xf32, #tpu.memory_space<vmem>>[vector<16xi32>, vector<16xi32>], vector<16xf32>,
      tpu.vector_store_idx %arg7[%add3A_1523, %broadcast_in_dim3A_1511], %gather3A_1529 : memref<64x128xf32, #tpu.memory_space<vmem>>[vector<16xi32>, vector<16xi32>], vector<16xf32>,
      %add3A_1530 = arith.constant 32 : i32
      %add3A_1531 = vector.broadcast %add3A_1530 : i32 to vector<16xi32>
      %add3A_1532 = arith.addi %iota3A, %add3A_1531 : vector<16xi32>
      %gather3A_1533 = arith.constant 6 : i32
      %gather3A_1534 = arith.constant 0 : i32
      %gather3A_1535 = arith.constant 0 : i32
      %gather3A_1536 = tpu.memref_slice %arg6[%gather3A_1533, %gather3A_1534, %gather3A_1535] : memref<8x64x128xf32, #tpu.memory_space<vmem>> -> memref<1x64x128xf32, #tpu.memory_space<vmem>>
      %gather3A_1537 = tpu.memref_squeeze %gather3A_1536 : memref<1x64x128xf32, #tpu.memory_space<vmem>> -> memref<64x128xf32, #tpu.memory_space<vmem>>
      %gather3A_1538 = tpu.vector_load_idx %gather3A_1537[%add3A_1532, %broadcast_in_dim3A_1490] : memref<64x128xf32, #tpu.memory_space<vmem>>[vector<16xi32>, vector<16xi32>], vector<16xf32>,
      tpu.vector_store_idx %arg7[%add3A_1532, %broadcast_in_dim3A_1511], %gather3A_1538 : memref<64x128xf32, #tpu.memory_space<vmem>>[vector<16xi32>, vector<16xi32>], vector<16xf32>,
      %add3A_1539 = arith.constant 48 : i32
      %add3A_1540 = vector.broadcast %add3A_1539 : i32 to vector<16xi32>
      %add3A_1541 = arith.addi %iota3A, %add3A_1540 : vector<16xi32>
      %gather3A_1542 = arith.constant 6 : i32
      %gather3A_1543 = arith.constant 0 : i32
      %gather3A_1544 = arith.constant 0 : i32
      %gather3A_1545 = tpu.memref_slice %arg6[%gather3A_1542, %gather3A_1543, %gather3A_1544] : memref<8x64x128xf32, #tpu.memory_space<vmem>> -> memref<1x64x128xf32, #tpu.memory_space<vmem>>
      %gather3A_1546 = tpu.memref_squeeze %gather3A_1545 : memref<1x64x128xf32, #tpu.memory_space<vmem>> -> memref<64x128xf32, #tpu.memory_space<vmem>>
      %gather3A_1547 = tpu.vector_load_idx %gather3A_1546[%add3A_1541, %broadcast_in_dim3A_1490] : memref<64x128xf32, #tpu.memory_space<vmem>>[vector<16xi32>, vector<16xi32>], vector<16xf32>,
      tpu.vector_store_idx %arg7[%add3A_1541, %broadcast_in_dim3A_1511], %gather3A_1547 : memref<64x128xf32, #tpu.memory_space<vmem>>[vector<16xi32>, vector<16xi32>], vector<16xf32>,
      %lt3A_1548 = arith.constant 31 : i32
      %lt3A_1549 = arith.cmpi slt, %scan3A_168, %lt3A_1548 : i32
      %convert_element_type3A_1550 = arith.extui %lt3A_1549 : i1 to i32
      %cond3A_1551 = arith.constant 0 : i32
      %cond3A_1552 = arith.cmpi ne, %convert_element_type3A_1550, %cond3A_1551 : i32
      scf.if %cond3A_1552 {
        %slice3A_1656 = vector.extract_strided_slice %get3A_207 {offsets = [6], sizes = [1], strides = [1]} : vector<16xi32> to vector<1xi32>
        %squeeze3A_1657 = vector.extract %slice3A_1656[0] : i32 from vector<1xi32>
        %shift_right_arithmetic3A_1658 = arith.constant 7 : i32
        %shift_right_arithmetic3A_1659 = arith.shrsi %squeeze3A_1657, %shift_right_arithmetic3A_1658 : i32
        %mul3A_1660 = arith.constant 128 : i32
        %mul3A_1661 = arith.muli %shift_right_arithmetic3A_1659, %mul3A_1660 : i32
        %multiple_of3A_1662 = tpu.assume_multiple %mul3A_1661, 128 : i32
        %dma_start3A_1663 = arith.constant 6 : i32
        %dma_start3A_1664 = arith.constant 0 : i32
        %dma_start3A_1665 = arith.constant 0 : i32
        %dma_start3A_1666 = tpu.memref_slice %arg6[%dma_start3A_1663, %dma_start3A_1664, %dma_start3A_1665] : memref<8x64x128xf32, #tpu.memory_space<vmem>> -> memref<1x64x128xf32, #tpu.memory_space<vmem>>
        %dma_start3A_1667 = tpu.memref_squeeze %dma_start3A_1666 : memref<1x64x128xf32, #tpu.memory_space<vmem>> -> memref<64x128xf32, #tpu.memory_space<vmem>>
        %dma_start3A_1668 = arith.constant 0 : i32
        %dma_start3A_1669 = tpu.memref_slice %arg3[%dma_start3A_1668, %multiple_of3A_1662] : memref<64x1000000xf32, #tpu.memory_space<hbm>> -> memref<64x128xf32, #tpu.memory_space<hbm>>
        %dma_start3A_1670 = arith.constant 0 : i32
        %dma_start3A_1671 = arith.constant 0 : i32
        %dma_start3A_1672 = tpu.memref_slice %arg6[%dma_start3A_1663, %dma_start3A_1670, %dma_start3A_1671] : memref<8x64x128xf32, #tpu.memory_space<vmem>> -> memref<1x64x128xf32, #tpu.memory_space<vmem>>
        %dma_start3A_1673 = tpu.memref_squeeze %dma_start3A_1672 : memref<1x64x128xf32, #tpu.memory_space<vmem>> -> memref<64x128xf32, #tpu.memory_space<vmem>>
        %dma_start3A_1674 = arith.constant 0 : i32
        %dma_start3A_1675 = tpu.memref_slice %arg3[%dma_start3A_1674, %multiple_of3A_1662] : memref<64x1000000xf32, #tpu.memory_space<hbm>> -> memref<64x128xf32, #tpu.memory_space<hbm>>
        tpu.enqueue_dma source(%dma_start3A_1675 : memref<64x128xf32, #tpu.memory_space<hbm>>) target(%dma_start3A_1673 : memref<64x128xf32, #tpu.memory_space<vmem>>) target_semaphore(%arg14 : memref<!tpu.dma_semaphore, #tpu.memory_space<semaphore_mem>>)
      } else {
      }
      %dma_wait3A_1553 = arith.constant 7 : i32
      %dma_wait3A_1554 = arith.constant 0 : i32
      %dma_wait3A_1555 = arith.constant 0 : i32
      %dma_wait3A_1556 = tpu.memref_slice %arg6[%dma_wait3A_1553, %dma_wait3A_1554, %dma_wait3A_1555] : memref<8x64x128xf32, #tpu.memory_space<vmem>> -> memref<1x64x128xf32, #tpu.memory_space<vmem>>
      %dma_wait3A_1557 = tpu.memref_squeeze %dma_wait3A_1556 : memref<1x64x128xf32, #tpu.memory_space<vmem>> -> memref<64x128xf32, #tpu.memory_space<vmem>>
      %dma_wait3A_1558 = arith.constant 0 : i32
      %dma_wait3A_1559 = arith.constant 0 : i32
      %dma_wait3A_1560 = tpu.memref_slice %arg3[%dma_wait3A_1558, %dma_wait3A_1559] : memref<64x1000000xf32, #tpu.memory_space<hbm>> -> memref<64x128xf32, #tpu.memory_space<hbm>>
      %dma_wait3A_1561 = arith.constant 0 : i32
      %dma_wait3A_1562 = arith.constant 0 : i32
      %dma_wait3A_1563 = tpu.memref_slice %arg6[%dma_wait3A_1553, %dma_wait3A_1561, %dma_wait3A_1562] : memref<8x64x128xf32, #tpu.memory_space<vmem>> -> memref<1x64x128xf32, #tpu.memory_space<vmem>>
      %dma_wait3A_1564 = tpu.memref_squeeze %dma_wait3A_1563 : memref<1x64x128xf32, #tpu.memory_space<vmem>> -> memref<64x128xf32, #tpu.memory_space<vmem>>
      %dma_wait3A_1565 = arith.constant 0 : i32
      %dma_wait3A_1566 = arith.constant 0 : i32
      %dma_wait3A_1567 = tpu.memref_slice %arg3[%dma_wait3A_1565, %dma_wait3A_1566] : memref<64x1000000xf32, #tpu.memory_space<hbm>> -> memref<64x128xf32, #tpu.memory_space<hbm>>
      tpu.wait_dma2 semaphore(%arg15 : memref<!tpu.dma_semaphore, #tpu.memory_space<semaphore_mem>>) src(%dma_wait3A_1567 : memref<64x128xf32, #tpu.memory_space<hbm>>) dst(%dma_wait3A_1564 : memref<64x128xf32, #tpu.memory_space<vmem>>)
      %slice3A_1568 = vector.extract_strided_slice %scan3A_169 {offsets = [15], sizes = [1], strides = [1]} : vector<16xi32> to vector<1xi32>
      %squeeze3A_1569 = vector.extract %slice3A_1568[0] : i32 from vector<1xi32>
      %and3A_1570 = arith.constant 127 : i32
      %and3A_1571 = arith.andi %squeeze3A_1569, %and3A_1570 : i32
      %broadcast_in_dim3A_1572 = vector.broadcast %and3A_1571 : i32 to vector<16xi32>
      %jit3A_1573 = arith.constant 8 : i32
      %eq3A_1574 = arith.constant 0 : i32
      %eq3A_1575 = arith.cmpi eq, %jit3A_1573, %eq3A_1574 : i32
      %jit3A_1576 = arith.constant 1 : i32
      %select_n3A_1577 = arith.select %eq3A_1575, %jit3A_1576, %jit3A_1573 : i32
      %rem3A_1578 = arith.remsi %scan3A_168, %select_n3A_1577 : i32
      %ne3A_1579 = arith.constant 0 : i32
      %ne3A_1580 = arith.cmpi ne, %rem3A_1578, %ne3A_1579 : i32
      %lt3A_1581 = arith.constant 0 : i32
      %lt3A_1582 = arith.cmpi slt, %rem3A_1578, %lt3A_1581 : i32
      %lt3A_1583 = arith.constant 0 : i32
      %lt3A_1584 = arith.cmpi slt, %select_n3A_1577, %lt3A_1583 : i32
      %ne3A_1585 = arith.xori %lt3A_1582, %lt3A_1584 : i1
      %and3A_1586 = arith.andi %ne3A_1585, %ne3A_1580 : i1
      %add3A_1587 = arith.addi %rem3A_1578, %select_n3A_1577 : i32
      %select_n3A_1588 = arith.select %and3A_1586, %add3A_1587, %rem3A_1578 : i32
      %mul3A_1589 = arith.constant 16 : i32
      %mul3A_1590 = arith.muli %select_n3A_1588, %mul3A_1589 : i32
      %add3A_1591 = arith.constant 15 : i32
      %add3A_1592 = arith.addi %mul3A_1590, %add3A_1591 : i32
      %broadcast_in_dim3A_1593 = vector.broadcast %add3A_1592 : i32 to vector<16xi32>
      %add3A_1594 = arith.constant 0 : i32
      %add3A_1595 = vector.broadcast %add3A_1594 : i32 to vector<16xi32>
      %add3A_1596 = arith.addi %iota3A, %add3A_1595 : vector<16xi32>
      %gather3A_1597 = arith.constant 7 : i32
      %gather3A_1598 = arith.constant 0 : i32
      %gather3A_1599 = arith.constant 0 : i32
      %gather3A_1600 = tpu.memref_slice %arg6[%gather3A_1597, %gather3A_1598, %gather3A_1599] : memref<8x64x128xf32, #tpu.memory_space<vmem>> -> memref<1x64x128xf32, #tpu.memory_space<vmem>>
      %gather3A_1601 = tpu.memref_squeeze %gather3A_1600 : memref<1x64x128xf32, #tpu.memory_space<vmem>> -> memref<64x128xf32, #tpu.memory_space<vmem>>
      %gather3A_1602 = tpu.vector_load_idx %gather3A_1601[%add3A_1596, %broadcast_in_dim3A_1572] : memref<64x128xf32, #tpu.memory_space<vmem>>[vector<16xi32>, vector<16xi32>], vector<16xf32>,
      tpu.vector_store_idx %arg7[%add3A_1596, %broadcast_in_dim3A_1593], %gather3A_1602 : memref<64x128xf32, #tpu.memory_space<vmem>>[vector<16xi32>, vector<16xi32>], vector<16xf32>,
      %add3A_1603 = arith.constant 16 : i32
      %add3A_1604 = vector.broadcast %add3A_1603 : i32 to vector<16xi32>
      %add3A_1605 = arith.addi %iota3A, %add3A_1604 : vector<16xi32>
      %gather3A_1606 = arith.constant 7 : i32
      %gather3A_1607 = arith.constant 0 : i32
      %gather3A_1608 = arith.constant 0 : i32
      %gather3A_1609 = tpu.memref_slice %arg6[%gather3A_1606, %gather3A_1607, %gather3A_1608] : memref<8x64x128xf32, #tpu.memory_space<vmem>> -> memref<1x64x128xf32, #tpu.memory_space<vmem>>
      %gather3A_1610 = tpu.memref_squeeze %gather3A_1609 : memref<1x64x128xf32, #tpu.memory_space<vmem>> -> memref<64x128xf32, #tpu.memory_space<vmem>>
      %gather3A_1611 = tpu.vector_load_idx %gather3A_1610[%add3A_1605, %broadcast_in_dim3A_1572] : memref<64x128xf32, #tpu.memory_space<vmem>>[vector<16xi32>, vector<16xi32>], vector<16xf32>,
      tpu.vector_store_idx %arg7[%add3A_1605, %broadcast_in_dim3A_1593], %gather3A_1611 : memref<64x128xf32, #tpu.memory_space<vmem>>[vector<16xi32>, vector<16xi32>], vector<16xf32>,
      %add3A_1612 = arith.constant 32 : i32
      %add3A_1613 = vector.broadcast %add3A_1612 : i32 to vector<16xi32>
      %add3A_1614 = arith.addi %iota3A, %add3A_1613 : vector<16xi32>
      %gather3A_1615 = arith.constant 7 : i32
      %gather3A_1616 = arith.constant 0 : i32
      %gather3A_1617 = arith.constant 0 : i32
      %gather3A_1618 = tpu.memref_slice %arg6[%gather3A_1615, %gather3A_1616, %gather3A_1617] : memref<8x64x128xf32, #tpu.memory_space<vmem>> -> memref<1x64x128xf32, #tpu.memory_space<vmem>>
      %gather3A_1619 = tpu.memref_squeeze %gather3A_1618 : memref<1x64x128xf32, #tpu.memory_space<vmem>> -> memref<64x128xf32, #tpu.memory_space<vmem>>
      %gather3A_1620 = tpu.vector_load_idx %gather3A_1619[%add3A_1614, %broadcast_in_dim3A_1572] : memref<64x128xf32, #tpu.memory_space<vmem>>[vector<16xi32>, vector<16xi32>], vector<16xf32>,
      tpu.vector_store_idx %arg7[%add3A_1614, %broadcast_in_dim3A_1593], %gather3A_1620 : memref<64x128xf32, #tpu.memory_space<vmem>>[vector<16xi32>, vector<16xi32>], vector<16xf32>,
      %add3A_1621 = arith.constant 48 : i32
      %add3A_1622 = vector.broadcast %add3A_1621 : i32 to vector<16xi32>
      %add3A_1623 = arith.addi %iota3A, %add3A_1622 : vector<16xi32>
      %gather3A_1624 = arith.constant 7 : i32
      %gather3A_1625 = arith.constant 0 : i32
      %gather3A_1626 = arith.constant 0 : i32
      %gather3A_1627 = tpu.memref_slice %arg6[%gather3A_1624, %gather3A_1625, %gather3A_1626] : memref<8x64x128xf32, #tpu.memory_space<vmem>> -> memref<1x64x128xf32, #tpu.memory_space<vmem>>
      %gather3A_1628 = tpu.memref_squeeze %gather3A_1627 : memref<1x64x128xf32, #tpu.memory_space<vmem>> -> memref<64x128xf32, #tpu.memory_space<vmem>>
      %gather3A_1629 = tpu.vector_load_idx %gather3A_1628[%add3A_1623, %broadcast_in_dim3A_1572] : memref<64x128xf32, #tpu.memory_space<vmem>>[vector<16xi32>, vector<16xi32>], vector<16xf32>,
      tpu.vector_store_idx %arg7[%add3A_1623, %broadcast_in_dim3A_1593], %gather3A_1629 : memref<64x128xf32, #tpu.memory_space<vmem>>[vector<16xi32>, vector<16xi32>], vector<16xf32>,
      %lt3A_1630 = arith.constant 31 : i32
      %lt3A_1631 = arith.cmpi slt, %scan3A_168, %lt3A_1630 : i32
      %convert_element_type3A_1632 = arith.extui %lt3A_1631 : i1 to i32
      %cond3A_1633 = arith.constant 0 : i32
      %cond3A_1634 = arith.cmpi ne, %convert_element_type3A_1632, %cond3A_1633 : i32
      scf.if %cond3A_1634 {
        %slice3A_1656 = vector.extract_strided_slice %get3A_207 {offsets = [7], sizes = [1], strides = [1]} : vector<16xi32> to vector<1xi32>
        %squeeze3A_1657 = vector.extract %slice3A_1656[0] : i32 from vector<1xi32>
        %shift_right_arithmetic3A_1658 = arith.constant 7 : i32
        %shift_right_arithmetic3A_1659 = arith.shrsi %squeeze3A_1657, %shift_right_arithmetic3A_1658 : i32
        %mul3A_1660 = arith.constant 128 : i32
        %mul3A_1661 = arith.muli %shift_right_arithmetic3A_1659, %mul3A_1660 : i32
        %multiple_of3A_1662 = tpu.assume_multiple %mul3A_1661, 128 : i32
        %dma_start3A_1663 = arith.constant 7 : i32
        %dma_start3A_1664 = arith.constant 0 : i32
        %dma_start3A_1665 = arith.constant 0 : i32
        %dma_start3A_1666 = tpu.memref_slice %arg6[%dma_start3A_1663, %dma_start3A_1664, %dma_start3A_1665] : memref<8x64x128xf32, #tpu.memory_space<vmem>> -> memref<1x64x128xf32, #tpu.memory_space<vmem>>
        %dma_start3A_1667 = tpu.memref_squeeze %dma_start3A_1666 : memref<1x64x128xf32, #tpu.memory_space<vmem>> -> memref<64x128xf32, #tpu.memory_space<vmem>>
        %dma_start3A_1668 = arith.constant 0 : i32
        %dma_start3A_1669 = tpu.memref_slice %arg3[%dma_start3A_1668, %multiple_of3A_1662] : memref<64x1000000xf32, #tpu.memory_space<hbm>> -> memref<64x128xf32, #tpu.memory_space<hbm>>
        %dma_start3A_1670 = arith.constant 0 : i32
        %dma_start3A_1671 = arith.constant 0 : i32
        %dma_start3A_1672 = tpu.memref_slice %arg6[%dma_start3A_1663, %dma_start3A_1670, %dma_start3A_1671] : memref<8x64x128xf32, #tpu.memory_space<vmem>> -> memref<1x64x128xf32, #tpu.memory_space<vmem>>
        %dma_start3A_1673 = tpu.memref_squeeze %dma_start3A_1672 : memref<1x64x128xf32, #tpu.memory_space<vmem>> -> memref<64x128xf32, #tpu.memory_space<vmem>>
        %dma_start3A_1674 = arith.constant 0 : i32
        %dma_start3A_1675 = tpu.memref_slice %arg3[%dma_start3A_1674, %multiple_of3A_1662] : memref<64x1000000xf32, #tpu.memory_space<hbm>> -> memref<64x128xf32, #tpu.memory_space<hbm>>
        tpu.enqueue_dma source(%dma_start3A_1675 : memref<64x128xf32, #tpu.memory_space<hbm>>) target(%dma_start3A_1673 : memref<64x128xf32, #tpu.memory_space<vmem>>) target_semaphore(%arg15 : memref<!tpu.dma_semaphore, #tpu.memory_space<semaphore_mem>>)
      } else {
      }
      %jit3A_1635 = arith.constant 8 : i32
      %eq3A_1636 = arith.constant 0 : i32
      %eq3A_1637 = arith.cmpi eq, %jit3A_1635, %eq3A_1636 : i32
      %jit3A_1638 = arith.constant 1 : i32
      %select_n3A_1639 = arith.select %eq3A_1637, %jit3A_1638, %jit3A_1635 : i32
      %rem3A_1640 = arith.remsi %scan3A_168, %select_n3A_1639 : i32
      %ne3A_1641 = arith.constant 0 : i32
      %ne3A_1642 = arith.cmpi ne, %rem3A_1640, %ne3A_1641 : i32
      %lt3A_1643 = arith.constant 0 : i32
      %lt3A_1644 = arith.cmpi slt, %rem3A_1640, %lt3A_1643 : i32
      %lt3A_1645 = arith.constant 0 : i32
      %lt3A_1646 = arith.cmpi slt, %select_n3A_1639, %lt3A_1645 : i32
      %ne3A_1647 = arith.xori %lt3A_1644, %lt3A_1646 : i1
      %and3A_1648 = arith.andi %ne3A_1647, %ne3A_1642 : i1
      %add3A_1649 = arith.addi %rem3A_1640, %select_n3A_1639 : i32
      %select_n3A_1650 = arith.select %and3A_1648, %add3A_1649, %rem3A_1640 : i32
      %eq3A_1651 = arith.constant 7 : i32
      %eq3A_1652 = arith.cmpi eq, %select_n3A_1650, %eq3A_1651 : i32
      %convert_element_type3A_1653 = arith.extui %eq3A_1652 : i1 to i32
      %cond3A_1654 = arith.constant 0 : i32
      %cond3A_1655 = arith.cmpi ne, %convert_element_type3A_1653, %cond3A_1654 : i32
      scf.if %cond3A_1655 {
        %jit3A_1656 = arith.constant 8 : i32
        %div3A_1657 = arith.divsi %scan3A_168, %jit3A_1656 : i32
        %sign3A_1658 = arith.constant 0 : i32
        %sign3A_1659 = arith.cmpi sgt, %scan3A_168, %sign3A_1658 : i32
        %sign3A_1660 = arith.extui %sign3A_1659 : i1 to i32
        %sign3A_1661 = arith.constant 0 : i32
        %sign3A_1662 = arith.cmpi slt, %scan3A_168, %sign3A_1661 : i32
        %sign3A_1663 = arith.extui %sign3A_1662 : i1 to i32
        %sign3A_1664 = arith.subi %sign3A_1660, %sign3A_1663 : i32
        %sign3A_1665 = arith.constant 0 : i32
        %sign3A_1666 = arith.cmpi sgt, %jit3A_1656, %sign3A_1665 : i32
        %sign3A_1667 = arith.extui %sign3A_1666 : i1 to i32
        %sign3A_1668 = arith.constant 0 : i32
        %sign3A_1669 = arith.cmpi slt, %jit3A_1656, %sign3A_1668 : i32
        %sign3A_1670 = arith.extui %sign3A_1669 : i1 to i32
        %sign3A_1671 = arith.subi %sign3A_1667, %sign3A_1670 : i32
        %ne3A_1672 = arith.cmpi ne, %sign3A_1664, %sign3A_1671 : i32
        %rem3A_1673 = arith.remsi %scan3A_168, %jit3A_1656 : i32
        %ne3A_1674 = arith.constant 0 : i32
        %ne3A_1675 = arith.cmpi ne, %rem3A_1673, %ne3A_1674 : i32
        %and3A_1676 = arith.andi %ne3A_1672, %ne3A_1675 : i1
        %sub3A_1677 = arith.constant 1 : i32
        %sub3A_1678 = arith.subi %div3A_1657, %sub3A_1677 : i32
        %select_n3A_1679 = arith.select %and3A_1676, %sub3A_1678, %div3A_1657 : i32
        %mul3A_1680 = arith.constant 128 : i32
        %mul3A_1681 = arith.muli %select_n3A_1679, %mul3A_1680 : i32
        %add3A_1682 = arith.addi %mul3A_2, %mul3A_1681 : i32
        %multiple_of3A_1683 = tpu.assume_multiple %add3A_1682, 128 : i32
        "tpu.region"() ({
          %run_scoped3A = tpu.sem_alloc : memref<!tpu.dma_semaphore, #tpu.memory_space<semaphore_mem>>
          %dma_start3A_1684 = arith.constant 0 : i32
          %dma_start3A_1685 = tpu.memref_slice %arg4[%dma_start3A_1684, %multiple_of3A_1683] : memref<64x16384xf32, #tpu.memory_space<hbm>> -> memref<64x128xf32, #tpu.memory_space<hbm>>
          %dma_start3A_1686 = arith.constant 0 : i32
          %dma_start3A_1687 = tpu.memref_slice %arg4[%dma_start3A_1686, %multiple_of3A_1683] : memref<64x16384xf32, #tpu.memory_space<hbm>> -> memref<64x128xf32, #tpu.memory_space<hbm>>
          tpu.enqueue_dma source(%arg7 : memref<64x128xf32, #tpu.memory_space<vmem>>) target(%dma_start3A_1687 : memref<64x128xf32, #tpu.memory_space<hbm>>) target_semaphore(%run_scoped3A : memref<!tpu.dma_semaphore, #tpu.memory_space<semaphore_mem>>)
          %dma_wait3A_1688 = arith.constant 0 : i32
          %dma_wait3A_1689 = tpu.memref_slice %arg4[%dma_wait3A_1688, %multiple_of3A_1683] : memref<64x16384xf32, #tpu.memory_space<hbm>> -> memref<64x128xf32, #tpu.memory_space<hbm>>
          %dma_wait3A_1690 = arith.constant 0 : i32
          %dma_wait3A_1691 = tpu.memref_slice %arg4[%dma_wait3A_1690, %multiple_of3A_1683] : memref<64x16384xf32, #tpu.memory_space<hbm>> -> memref<64x128xf32, #tpu.memory_space<hbm>>
          tpu.wait_dma2 semaphore(%run_scoped3A : memref<!tpu.dma_semaphore, #tpu.memory_space<semaphore_mem>>) src(%arg7 : memref<64x128xf32, #tpu.memory_space<vmem>>) dst(%dma_wait3A_1691 : memref<64x128xf32, #tpu.memory_space<hbm>>)
          tpu.yield
        }) : () -> ()
      } else {
      }
      scf.yield %get3A_207 : vector<16xi32>
    }
    %scan3A_167 = arith.constant 32 : i32
    return
  }
}

</mosaic_0001>

<sc_bundles>
// kernel: kernel.3.cloned.1.call-start
scs
__scs_entry_jumppad:
0x0: {  	(pc) =	sbr.rel $0x88, $3  }
0x1: {  	(tag) =	ssettag $0x0;
	lr =	simm.s32 $0x1  }
0x2: {  	[smem:$0x3F9F] =	sst lr;
	_ =	strace $0xD0000000  }
0x3: {  	_ = 	snop  }
0x4: {  	_ = 	snop  }
0x5: {  	_ = 	snop  }
0x6: {  	_ = 	snop  }
0x7: {  	_ = 	snop  }
__scs_overlays_trampoline_lowered:
0x8: {  	[smem:$0x3FAE] =	sst s0  }
0x9: {  	[smem:$0x3FAF] =	sst s1  }
0xa: {  	[smem:$0x3FB0] =	sst s2  }
0xb: {  	[smem:$0x3FB1] =	sst s3  }
0xc: {  	[smem:$0x3FB2] =	sst s4  }
0xd: {  	[smem:$0x3FB3] =	sst s5  }
0xe: {  	[smem:$0x3FB4] =	sst s6  }
0xf: {  	[smem:$0x3FB5] =	sst s7  }
0x10: {  	[smem:$0x3FB6] =	sst s8  }
0x11: {  	[smem:$0x3FB7] =	sst s9;
	s0 =	simm.s32 @!p0 $0x0  }
0x12: {  	s1 =	sld [smem:$0x3F9D];
	s0 =	simm.s32 @p0 $0x1  }
0x13: {  	[smem:$0x3FB8] =	sst s0;
	s0 =	simm.s32 @!p1 $0x0  }
0x14: {  	s2 =	sld [smem:$0x3F9C];
	s0 =	simm.s32 @p1 $0x1  }
0x15: {  	[smem:$0x3FB9] =	sst s0;
	s0 =	simm.s32 @!p2 $0x0  }
0x16: {  	s3 =	sld [smem:$0x3FDB];
	s0 =	simm.s32 @p2 $0x1  }
0x17: {  	s4 =	simm.s32 $0x1BF5;
	[smem:$0x3FBB] =	sst s0  }
0x18: {  	s0 =	sld [smem:$0x3F9E];
	_ =	swait.ge [sflag:s4], $0x0  }
0x19: {  	s7 =	sld [smem:$0x3F9F]  }
0x1a: {  	s8 =	sadd.s32 $0xFFFFE003, lr  }
0x1b: {  	s9 =	sadd.s32 $0xFFFFFEF7, lr;
	s5 =	simm.s32 $0xFFFFFFFF;
	p2 =	slt.u32 s8, $0xFFFFF086  }
0x1c: {  	p1 =	slt.u32 s9, $0xF7A;
	s5 =	simm.s32 @!p2 $0x0  }
0x1d: {  	s5 =	simm.s32 @p1 $0x1;
	p0 =	seq.s32 s7, s2  }
0x1e: {  	s7 =	smul.u32 @!p0 $0xF7A, s2;
	p2 =	seq.s32 @!p0 s5, $0x0  }
0x1f: {  	s9 =	smul.u32 $0xF7A, s1;
	s8 =	simm.s32 @!p0 $0x1BF5;
	p2 =	por !p2, p0  }
0x20: {  	[sflag:s8] =	ssyncset.s32 @!p0 $0xFFFFF086;
	s6 =	sadd.s32 @!p0 s3, s7;
	s7 =	simm.s32 @!p0 $0x108  }
0x21: {  	s3 =	sadd.s32 s3, s9;
	s6 =	sadd.s32 @!p0 $0x88, s6;
	s7 =	simm.s32 @p2 $0x1082  }
0x22: {  	[simem:s7], [sflag:s8] =	dma.local @!p0 [hbm:s6], $0xF7A  }
0x23: {  	s9 =	sor.u32 $0xD0000000, s2;
	s6 =	simm.s32 $0x108;
	_ =	swait.ge @!p0 [sflag:s8], $0x0  }
0x24: {  	s3 =	sadd.s32 $0x88, s3;
	s6 =	simm.s32 @!p1 $0x1082;
	[sflag:s4] =	ssyncset.s32 $0xFFFFF086  }
0x25: {  	[simem:s6], [sflag:s4] =	dma.local [hbm:s3], $0xF7A  }
0x26: {  	[smem:$0x3F9F] =	sst s1;
	(tag) =	ssettag s2;
	_ =	strace s9  }
0x27: {  	s1 =	sld [smem:$0x3FAF]  }
0x28: {  	s2 =	sld [smem:$0x3FB0]  }
0x29: {  	s4 =	sld [smem:$0x3FB2]  }
0x2a: {  	p0 =	seq.s32 s5, $0x0;
	s5 =	sld [smem:$0x3FB3]  }
0x2b: {  	s6 =	sld [smem:$0x3FB4]  }
0x2c: {  	s7 =	sld [smem:$0x3FB5]  }
0x2d: {  	s3 =	simm.s32 $0x108;
	s8 =	sld [smem:$0x3FB6]  }
0x2e: {  	s3 =	simm.s32 @!p0 $0x1082;
	s9 =	sld [smem:$0x3FB7]  }
0x2f: {  	lr =	sadd.s32 s0, s3;
	s0 =	sld [smem:$0x3FAE]  }
0x30: {  	s3 =	sld [smem:$0x3FB1]  }
0x31: {  	[smem:$0x3FBA] =	sst s10  }
0x32: {  	s10 =	sld [smem:$0x3FB8];
	_ =	sdelay $0x3  }
0x33: {  	p0 =	seq.s32 s10, $0x1;
	s10 =	sld [smem:$0x3FBA];
	_ =	sdelay $0x3  }
0x34: {  	[smem:$0x3FBA] =	sst s10  }
0x35: {  	s10 =	sld [smem:$0x3FB9];
	_ =	sdelay $0x3  }
0x36: {  	p1 =	seq.s32 s10, $0x1;
	s10 =	sld [smem:$0x3FBA];
	_ =	sdelay $0x3  }
0x37: {  	[smem:$0x3FBA] =	sst s10  }
0x38: {  	s10 =	sld [smem:$0x3FBB]  }
0x39: {  	_ = 	snop;
	(pc) =	sbr.ind lr, $3  }
0x3a: {  	_ = 	snop  }
0x3b: {  	_ = 	snop  }
0x3c: {  	p2 =	seq.s32 s10, $0x1;
	s10 =	sld [smem:$0x3FBA]  }
0x3d: {  	_ =	shalt  }
0x3e: {  	_ =	shalt  }
0x3f: {  	_ =	shalt  }
0x40: {  	_ =	shalt  }
0x41: {  	_ =	shalt  }
0x42: {  	_ =	shalt  }
0x43: {  	_ =	shalt  }
0x44: {  	_ =	shalt  }
0x45: {  	_ =	shalt  }
0x46: {  	_ =	shalt  }
0x47: {  	_ =	shalt  }
0x48: {  	_ =	shalt  }
0x49: {  	_ =	shalt  }
0x4a: {  	_ =	shalt  }
0x4b: {  	_ =	shalt  }
0x4c: {  	_ =	shalt  }
0x4d: {  	_ =	shalt  }
0x4e: {  	_ =	shalt  }
0x4f: {  	_ =	shalt  }
0x50: {  	_ =	shalt  }
0x51: {  	_ =	shalt  }
0x52: {  	_ =	shalt  }
0x53: {  	_ =	shalt  }
0x54: {  	_ =	shalt  }
0x55: {  	_ =	shalt  }
0x56: {  	_ =	shalt  }
0x57: {  	_ =	shalt  }
0x58: {  	_ =	shalt  }
0x59: {  	_ =	shalt  }
0x5a: {  	_ =	shalt  }
0x5b: {  	_ =	shalt  }
0x5c: {  	_ =	shalt  }
0x5d: {  	_ =	shalt  }
0x5e: {  	_ =	shalt  }
0x5f: {  	_ =	shalt  }
0x60: {  	_ =	shalt  }
0x61: {  	_ =	shalt  }
0x62: {  	_ =	shalt  }
0x63: {  	_ =	shalt  }
0x64: {  	_ =	shalt  }
0x65: {  	_ =	shalt  }
0x66: {  	_ =	shalt  }
0x67: {  	_ =	shalt  }
0x68: {  	_ =	shalt  }
0x69: {  	_ =	shalt  }
0x6a: {  	_ =	shalt  }
0x6b: {  	_ =	shalt  }
0x6c: {  	_ =	shalt  }
0x6d: {  	_ =	shalt  }
0x6e: {  	_ =	shalt  }
0x6f: {  	_ =	shalt  }
0x70: {  	_ =	shalt  }
0x71: {  	_ =	shalt  }
0x72: {  	_ =	shalt  }
0x73: {  	_ =	shalt  }
0x74: {  	_ =	shalt  }
0x75: {  	_ =	shalt  }
0x76: {  	_ =	shalt  }
0x77: {  	_ =	shalt  }
0x78: {  	_ =	shalt  }
0x79: {  	_ =	shalt  }
0x7a: {  	_ =	shalt  }
0x7b: {  	_ =	shalt  }
0x7c: {  	_ =	shalt  }
0x7d: {  	_ =	shalt  }
0x7e: {  	_ =	shalt  }
0x7f: {  	_ =	shalt  }
0x80: {  	_ =	shalt  }
0x81: {  	_ =	shalt  }
0x82: {  	_ =	shalt  }
0x83: {  	_ =	shalt  }
0x84: {  	_ =	shalt  }
0x85: {  	_ =	shalt  }
0x86: {  	_ =	shalt  }
0x87: {  	_ =	shalt  }
.Lfunc_end0:
.L_simem_size_0:
called_computation_lowered:
.L_overlay_start_0:
0x88: {  	s2 =	sld [smem:$0x3FD9]  }
0x89: {  	s3 =	sld [smem:$0x3FFE];
	_ =	sdelay $0x1  }
0x8a: {  	s1 =	srdreg.scid  }
0x8b: {  	s0 =	sand.u32 $0x1, s1  }
0x8c: {  	s17 =	sshll.u32 s0, $0xA;
	s2 =	sadd.s32 s3, s2  }
0x8d: {  	s2 =	sadd.s32 s2, s17  }
0x8e: {  	[smem:$0x3FC6] =	sst s2  }
0x8f: {  	_ = 	snop  }
0x90: {  	s2 =	sld [smem:$0x3FC8]  }
0x91: {  	s18 =	sld [smem:$0x3FD0];
	(tm) =	ssettm $0x1  }
0x92: {  	s4 =	sld [smem:$0x3FFB];
	_ =	sdelay $0x3  }
0x93: {  	_ =	strace s4  }
0x94: {  	s4 =	sld [smem:$0x3FFC];
	_ =	sdelay $0x3  }
0x95: {  	_ =	strace s4  }
0x96: {  	s4 =	sld [smem:$0x3FFD];
	_ =	sdelay $0x3  }
0x97: {  	_ =	strace s4  }
0x98: {  	_ =	strace $0x8FFFFFFF  }
0x99: {  	s19 =	sld [smem:$0x3FDB];
	_ =	sdelay $0x1  }
0x9a: {  	s5 =	simm.s32 $_scs_section_size  }
0x9b: {  	s6 =	simm.s32 $_size__tile_overlayer_lowered;
	s7 =	simm.s32 $_tile_overlayer_lowered  }
0x9c: {  	s22 =	simm.s32 $0x1BFF;
	s21 =	sshll.u32 s7, $0x1;
	s4 =	sadd.s32 s5, s19  }
0x9d: {  	s8 =	simm.s32 $0x0;
	s20 =	sshll.u32 s6, $0x1;
	s6 =	sadd.s32 s21, s4  }
0x9e: {  	[timem:s8], [sflag:s22] =	dma.local [hbm:s6], s20  }
0x9f: {  	_ =	swait.ge [sflag:s22], s20  }
0xa0: {  	s5 =	ssub.s32 $0x0, s20;
	[sflag:s22] =	ssyncset.done $0x0  }
0xa1: {  	[sflag:s22] =	ssyncadd.s32 s5;
	_ =	sdelay $0x1  }
0xa2: {  	s23 =	simm.s32 $0x1B8B  }
0xa3: {  	_ =	swait.ge [sflag:s23], $0x1  }
0xa4: {  	[sflag:s23] =	ssyncset.done $0x0  }
0xa5: {  	s25 =	simm.s32 $0x1B8E;
	s24 =	sld [smem:$0x3FFE];
	[sflag:s23] =	ssyncadd.s32 $0xFFFFFFFF  }
0xa6: {  	s26 =	simm.s32 $execute0_lowered;
	[smem:$0x3FD2] =	sst s25  }
0xa7: {  	s6 =	sshll.u32 s26, $0x1;
	_ =	strace $0x80000046;
	[dreg:$0x1] =	wrdreg $0xFFFFFFFF  }
0xa8: {  	s28 =	simm.s32 $_size_execute0_lowered;
	s4 =	sadd.s32 s4, s6;
	[dreg:$0x0] =	wrdreg $0x0  }
0xa9: {  	s6 =	sshll.u32 s28, $0x1;
	[dreg:$0x2] =	wrdreg s4  }
0xaa: {  	[dreg:$0x3] =	wrdreg s6  }
0xab: {  	[dreg:$0x4] =	wrdreg $0xC0  }
0xac: {  	_ =	task [dreg:s8], $0x5FFFF  }
0xad: {  	[dreg:$0x1] =	wrdreg $0xFFFFFFFF  }
0xae: {  	[dreg:$0x0] =	wrdreg $0x60  }
0xaf: {  	[dreg:$0x2] =	wrdreg s24  }
0xb0: {  	[dreg:$0x3] =	wrdreg s2  }
0xb1: {  	[dreg:$0x4] =	wrdreg s18  }
0xb2: {  	[dreg:$0x5] =	wrdreg $0x9  }
0xb3: {  	_ =	task.clear_ibuf [dreg:s8], $0x6FFFF;
	_ =	strace $0x90000046  }
0xb4: {  	s29 =	simm.s32 $0x9;
	_ =	strace $0x80000048  }
0xb5: {  	_ =	swait.ge [sflag:s29], $0x1  }
0xb6: {  	[sflag:s29] =	ssyncadd.s32 $0xFFFFFFFF  }
0xb7: {  	_ =	strace $0x90000048  }
0xb8: {  	_ =	sfence  }
0xb9: {  	s30 =	sld [smem:$0x0];
	_ =	sdelay $0x2  }
0xba: {  	s31 =	sshll.u32 s1, $0xD;
	s1 =	sshrl.u32 s1, $0x2  }
0xbb: {  	s3 =	sand.u32 $0x4000, s31;
	s1 =	sadd.s32 s1, s30  }
0xbc: {  	s0 =	sor.u32 s3, s0;
	s1 =	sshll.u32 s1, $0x11  }
0xbd: {  	s0 =	sor.u32 s1, s0  }
0xbe: {  	s0 =	sadd.s32 $0x8F2B, s0  }
0xbf: {  	[sflag:s0] =	ssyncadd.remote.s32 $0x1  }
0xc0: {  	_ =	sfence.sel $0xFFFF  }
0xc1: {  	[dreg:$0x0] =	wrdreg $0xFFFFFFFF;
	(pc) =	sbr.abs _section_cstart, $3  }
0xc2: {  	[dreg:$0x1] =	wrdreg $0xFFFFFFFF  }
0xc3: {  	_ =	task.clear_ibuf [dreg:s8], $0x2FFFF;
	_ =	strace $0x9FFFFFFF  }
0xc4: {  	(tm) =	ssettm $0x7FFFFFFF  }
0xc5: {  	_ =	shalt  }
tec
execute0_lowered:
.L_overlay_start_1:
0x0: {  	(tag) =	ssettag $0x1  }
0x1: {  	s0 =	rddreg [dreg:$0x0]  }
0x2: {  	s1 =	srdreg.scid;
	s29 =	rddreg [dreg:$0x1]  }
0x3: {  	s4 =	stileid.u32;
	s3 =	rddreg [dreg:$0x2]  }
0x4: {  	s7 =	simm.s32 $0x0;
	s10 =	simm.s32 $0x200;
	s11 =	simm.s32 $0x2200  }
0x5: {  	s12 =	simm.s32 $0x4200;
	s13 =	simm.s32 $0x6200;
	s14 =	simm.s32 $0x8200  }
0x6: {  	s15 =	simm.s32 $0xA200;
	s9 =	simm.s32 $0xC200;
	s19 =	simm.s32 $0x10200  }
0x7: {  	s23 =	simm.s32 $0x2;
	s24 =	simm.s32 $0x3;
	s25 =	simm.s32 $0x4  }
0x8: {  	s26 =	simm.s32 $0x5;
	s16 =	simm.s32 $0xA200;
	s1 =	sand.u32 $0x1, s1  }
0x9: {  	s4 =	sshll.u32 s4, $0xA;
	s5 =	sshll.u32 s1, $0x9;
	s1 =	ssub.s32 $0x2, s1  }
0xa: {  	s17 =	simm.s32 $0xC200;
	s6 =	sor.u32 s5, s4;
	s28 =	sshrl.u32 s1, $0x1  }
0xb: {  	[smem:$0x7FF] =	sst s7;
	s6 =	sshrl.u32 s6, $0x3;
	s1 =	ssub.s32 s1, s28  }
0xc: {  	v0 =	vlaneseq.u32;
	_ =	strace $0x80000047;
	s0 =	sadd.s32 s6, s0;
	s31 =	smax.u32 s1, $0x1  }
0xd: {  	v0 =	vmul.u32 $0x80, v0;
	s30 =	sadd.s32 s3, s5;
	s0 =	sadd.s32 $0x400, s0;
	[dreg:$0x6] =	wrdreg s31  }
0xe: {  	s8 =	simm.s32 $0x8;
	[dreg:$0x4] =	wrdreg s0;
	s0 =	sadd.s32 s4, s30  }
0xf: {  	s5 =	simm.s32 $0xE200;
	v1 =	vor.u32 $0x800, v0;
	v2 =	vor.u32 $0x1000, v0;
	v3 =	vor.u32 $0x1800, v0;
	s1 =	simm.s32 $0x0;
	[dreg:$0x5] =	wrdreg s0  }
.LBB2_1:
0x10: {  	[dreg:$0x7] =	wrdreg s1  }
0x11: {  	s0 =	simm.s32 $0x0;
	s2 =	rddreg [dreg:$0x4];
	s3 =	simm.s32 $0x9  }
0x12: {  	[tilespmem:s0], [sflag:$0x9] =	stream.linear.gather [hbm4b:s2+s0], $0x200, $0x38;
	[tilespmem:$0x12200] =	vst v63  }
0x13: {  	_ =	swait.ge [sflag:s3], $0x200  }
0x14: {  	[sflag:s3] =	ssyncset.done $0x0  }
0x15: {  	[sflag:s3] =	ssyncadd.s32 $0xFFFFFE00  }
0x16: {  	v4 =	vld [tilespmem:$0x0];
	_ =	sdelay $0x4  }
0x17: {  	(v2sf) =	vpush v4, $0x0  }
0x18: {  	(v2sf) =	vpush v4, $0x1;
	_ =	sdelay $0x2  }
0x19: {  	(v2sf) =	vpush v4, $0x2;
	_ =	sdelay $0x2  }
0x1a: {  	(v2sf) =	vpush v4, $0x3;
	_ =	sdelay $0x2  }
0x1b: {  	(v2sf) =	vpush v4, $0x4;
	_ =	sdelay $0x4  }
0x1c: {  	s4 =	spop (v2sf);
	(v2sf) =	vpush v4, $0x5  }
0x1d: {  	s0 =	sand.u32 $0xFFFFF80, s4;
	s6 =	spop (v2sf);
	(v2sf) =	vpush v4, $0x6  }
0x1e: {  	s3 =	simm.s32 $0x7A1400;
	s4 =	simm.s32 $0x400;
	s0 =	sadd.s32 s29, s0  }
0x1f: {  	[tilespmem:s10], [sflag:$0x1] =	stream.strided.gather [hbm4b:s0+s4], $0x2000, s3, s4, $0x38;
	[tilespmem:$0x12200] =	vst v63  }
0x20: {  	s7 =	spop (v2sf);
	(v2sf) =	vpush v4, $0x7;
	s0 =	sand.u32 $0xFFFFF80, s6  }
0x21: {  	s0 =	sadd.s32 s29, s0  }
0x22: {  	[tilespmem:s11], [sflag:$0x2] =	stream.strided.gather [hbm4b:s0+s4], $0x2000, s3, s4, $0x38;
	[tilespmem:$0x12200] =	vst v63  }
0x23: {  	s10 =	spop (v2sf);
	s0 =	sand.u32 $0xFFFFF80, s7  }
0x24: {  	s11 =	sand.u32 $0xFFFFF80, s10;
	s0 =	sadd.s32 s29, s0  }
0x25: {  	[tilespmem:s12], [sflag:$0x3] =	stream.strided.gather [hbm4b:s0+s4], $0x2000, s3, s4, $0x38;
	[tilespmem:$0x12200] =	vst v63  }
0x26: {  	s12 =	spop (v2sf);
	s0 =	sadd.s32 s29, s11  }
0x27: {  	[tilespmem:s13], [sflag:$0x4] =	stream.strided.gather [hbm4b:s0+s4], $0x2000, s3, s4, $0x38;
	[tilespmem:$0x12200] =	vst v63  }
0x28: {  	s13 =	sand.u32 $0xFFFFF80, s12  }
0x29: {  	s0 =	sadd.s32 s29, s13  }
0x2a: {  	[tilespmem:s14], [sflag:$0x5] =	stream.strided.gather [hbm4b:s0+s4], $0x2000, s3, s4, $0x38;
	[tilespmem:$0x12200] =	vst v63  }
0x2b: {  	s18 =	spop (v2sf)  }
0x2c: {  	s20 =	sand.u32 $0xFFFFF80, s18;
	s21 =	spop (v2sf)  }
0x2d: {  	s0 =	sadd.s32 s29, s20;
	s22 =	sand.u32 $0xFFFFF80, s21  }
0x2e: {  	[tilespmem:s15], [sflag:$0x6] =	stream.strided.gather [hbm4b:s0+s4], $0x2000, s3, s4, $0x38;
	[tilespmem:$0x12200] =	vst v63  }
0x2f: {  	s28 =	spop (v2sf);
	s0 =	sadd.s32 s29, s22  }
0x30: {  	[tilespmem:s9], [sflag:$0x7] =	stream.strided.gather [hbm4b:s0+s4], $0x2000, s3, s4, $0x38;
	[tilespmem:$0x12200] =	vst v63  }
0x31: {  	s0 =	sand.u32 $0xFFFFF80, s28  }
0x32: {  	s30 =	simm.s32 $0x1;
	s31 =	simm.s32 $0x0;
	s0 =	sadd.s32 s29, s0  }
0x33: {  	[tilespmem:s5], [sflag:$0x8] =	stream.strided.gather [hbm4b:s0+s4], $0x2000, s3, s4, $0x38;
	[tilespmem:$0x12200] =	vst v63  }
.LBB2_2:
0x34: {  	s0 =	smin.u32 s30, $0x1F  }
0x35: {  	s21 =	simm.s32 $0x1;
	s0 =	sshll.u32 s0, $0x4  }
0x36: {  	v5 =	vmov v4;
	v4 =	vld [tilespmem:s0+$0x0];
	_ =	swait.ge [sflag:s21], $0x2000  }
0x37: {  	(v2sf) =	vpush v5, $0x0;
	_ =	sdelay $0xe  }
0x38: {  	s7 =	spop (v2sf)  }
0x39: {  	s3 =	sand.u32 $0x7F, s7  }
0x3a: {  	v6 =	vor.u32 s3, v0;
	_ =	sdelay $0x1  }
0x3b: {  	s9 =	sadd.s32 $0xFFFFFFFF, s30  }
0x3c: {  	s11 =	simm.s32 $0x200;
	s0 =	sand.u32 $0x7, s9;
	[sflag:s21] =	ssyncset.done $0x0  }
0x3d: {  	[dreg:$0x8] =	wrdreg s0;
	s0 =	sshll.u32 s0, $0x4;
	[sflag:s21] =	ssyncadd.s32 $0xFFFFE000  }
0x3e: {  	v7 =	vor.u32 s0, v0;
	v6 =	vld.idx.msk [tilespmem:v6+s11+$0x0], $0xffff  }
0x3f: {  	v8 =	vor.u32 s3, v1;
	_ =	sdelay $0x3  }
0x40: {  	[tilespmem:v7+s19+$0x0] =	vst.idx.msk $0xffff, v6  }
0x41: {  	(v2sf) =	vpush v5, $0x8;
	v7 =	vor.u32 s0, v1;
	v6 =	vld.idx.msk [tilespmem:v8+s11+$0x0], $0xffff  }
0x42: {  	v43 =	vor.u32 s3, v2;
	_ =	sdelay $0x3  }
0x43: {  	[tilespmem:v7+s19+$0x0] =	vst.idx.msk $0xffff, v6  }
0x44: {  	v7 =	vor.u32 s0, v2;
	v6 =	vld.idx.msk [tilespmem:v43+s11+$0x0], $0xffff  }
0x45: {  	v44 =	vor.u32 s3, v3;
	_ =	sdelay $0x3  }
0x46: {  	[tilespmem:v7+s19+$0x0] =	vst.idx.msk $0xffff, v6  }
0x47: {  	v7 =	vor.u32 s0, v3;
	v6 =	vld.idx.msk [tilespmem:v44+s11+$0x0], $0xffff;
	_ =	sdelay $0x2  }
0x48: {  	s6 =	spop (v2sf)  }
0x49: {  	s10 =	sand.u32 $0xFFFFF80, s6  }
0x4a: {  	s22 =	simm.s32 $0x7A1400;
	s3 =	sadd.s32 s29, s10;
	s10 =	simm.s32 $0x400;
	[tilespmem:v7+s19+$0x0] =	vst.idx.msk $0xffff, v6  }
0x4b: {  	[tilespmem:s11], [sflag:$0x1] =	stream.strided.gather [hbm4b:s3+s10], $0x2000, s22, s10, $0x38;
	[tilespmem:$0x12200] =	vst v63  }
0x4c: {  	_ =	swait.ge [sflag:s23], $0x2000  }
0x4d: {  	(v2sf) =	vpush v5, $0x1;
	_ =	sdelay $0xe  }
0x4e: {  	s12 =	spop (v2sf)  }
0x4f: {  	s3 =	sand.u32 $0x7F, s12  }
0x50: {  	v6 =	vor.u32 s3, v0;
	_ =	sdelay $0x2  }
0x51: {  	[sflag:s23] =	ssyncset.done $0x0  }
0x52: {  	s4 =	sor.u32 $0x1, s0;
	[sflag:s23] =	ssyncadd.s32 $0xFFFFE000;
	s12 =	simm.s32 $0x2200  }
0x53: {  	v7 =	vor.u32 s4, v0;
	v6 =	vld.idx.msk [tilespmem:v6+s12+$0x0], $0xffff  }
0x54: {  	v45 =	vor.u32 s3, v1;
	_ =	sdelay $0x3  }
0x55: {  	[tilespmem:v7+s19+$0x0] =	vst.idx.msk $0xffff, v6  }
0x56: {  	(v2sf) =	vpush v5, $0x9;
	v7 =	vor.u32 s4, v1;
	v6 =	vld.idx.msk [tilespmem:v45+s12+$0x0], $0xffff  }
0x57: {  	v46 =	vor.u32 s3, v2;
	_ =	sdelay $0x3  }
0x58: {  	[tilespmem:v7+s19+$0x0] =	vst.idx.msk $0xffff, v6  }
0x59: {  	v7 =	vor.u32 s4, v2;
	v6 =	vld.idx.msk [tilespmem:v46+s12+$0x0], $0xffff  }
0x5a: {  	v47 =	vor.u32 s3, v3;
	_ =	sdelay $0x3  }
0x5b: {  	[tilespmem:v7+s19+$0x0] =	vst.idx.msk $0xffff, v6  }
0x5c: {  	v7 =	vor.u32 s4, v3;
	v6 =	vld.idx.msk [tilespmem:v47+s12+$0x0], $0xffff;
	_ =	sdelay $0x2  }
0x5d: {  	s3 =	spop (v2sf)  }
0x5e: {  	s13 =	sand.u32 $0xFFFFF80, s3  }
0x5f: {  	s4 =	sadd.s32 s29, s13;
	[tilespmem:v7+s19+$0x0] =	vst.idx.msk $0xffff, v6  }
0x60: {  	[tilespmem:s12], [sflag:$0x2] =	stream.strided.gather [hbm4b:s4+s10], $0x2000, s22, s10, $0x38;
	[tilespmem:$0x12200] =	vst v63  }
0x61: {  	_ =	swait.ge [sflag:s24], $0x2000  }
0x62: {  	(v2sf) =	vpush v5, $0x2;
	_ =	sdelay $0xe  }
0x63: {  	s14 =	spop (v2sf)  }
0x64: {  	s4 =	sand.u32 $0x7F, s14  }
0x65: {  	v6 =	vor.u32 s4, v0;
	_ =	sdelay $0x2  }
0x66: {  	[sflag:s24] =	ssyncset.done $0x0  }
0x67: {  	s5 =	sor.u32 $0x2, s0;
	s13 =	simm.s32 $0x4200;
	[sflag:s24] =	ssyncadd.s32 $0xFFFFE000  }
0x68: {  	v7 =	vor.u32 s5, v0;
	v6 =	vld.idx.msk [tilespmem:v6+s13+$0x0], $0xffff  }
0x69: {  	v48 =	vor.u32 s4, v1;
	_ =	sdelay $0x3  }
0x6a: {  	[tilespmem:v7+s19+$0x0] =	vst.idx.msk $0xffff, v6  }
0x6b: {  	(v2sf) =	vpush v5, $0xA;
	v7 =	vor.u32 s5, v1;
	v6 =	vld.idx.msk [tilespmem:v48+s13+$0x0], $0xffff  }
0x6c: {  	v49 =	vor.u32 s4, v2;
	_ =	sdelay $0x3  }
0x6d: {  	[tilespmem:v7+s19+$0x0] =	vst.idx.msk $0xffff, v6  }
0x6e: {  	v7 =	vor.u32 s5, v2;
	v6 =	vld.idx.msk [tilespmem:v49+s13+$0x0], $0xffff  }
0x6f: {  	v50 =	vor.u32 s4, v3;
	_ =	sdelay $0x3  }
0x70: {  	[tilespmem:v7+s19+$0x0] =	vst.idx.msk $0xffff, v6  }
0x71: {  	v7 =	vor.u32 s5, v3;
	v6 =	vld.idx.msk [tilespmem:v50+s13+$0x0], $0xffff;
	_ =	sdelay $0x2  }
0x72: {  	s4 =	spop (v2sf)  }
0x73: {  	s15 =	sand.u32 $0xFFFFF80, s4  }
0x74: {  	s5 =	sadd.s32 s29, s15;
	[tilespmem:v7+s19+$0x0] =	vst.idx.msk $0xffff, v6  }
0x75: {  	[tilespmem:s13], [sflag:$0x3] =	stream.strided.gather [hbm4b:s5+s10], $0x2000, s22, s10, $0x38;
	[tilespmem:$0x12200] =	vst v63  }
0x76: {  	_ =	swait.ge [sflag:s25], $0x2000  }
0x77: {  	(v2sf) =	vpush v5, $0x3;
	_ =	sdelay $0xe  }
0x78: {  	s18 =	spop (v2sf)  }
0x79: {  	s5 =	sand.u32 $0x7F, s18  }
0x7a: {  	v6 =	vor.u32 s5, v0;
	_ =	sdelay $0x2  }
0x7b: {  	[sflag:s25] =	ssyncset.done $0x0  }
0x7c: {  	s7 =	sor.u32 $0x3, s0;
	s14 =	simm.s32 $0x6200;
	[sflag:s25] =	ssyncadd.s32 $0xFFFFE000  }
0x7d: {  	v7 =	vor.u32 s7, v0;
	v6 =	vld.idx.msk [tilespmem:v6+s14+$0x0], $0xffff  }
0x7e: {  	v51 =	vor.u32 s5, v1;
	_ =	sdelay $0x3  }
0x7f: {  	[tilespmem:v7+s19+$0x0] =	vst.idx.msk $0xffff, v6  }
0x80: {  	(v2sf) =	vpush v5, $0xB;
	v7 =	vor.u32 s7, v1;
	v6 =	vld.idx.msk [tilespmem:v51+s14+$0x0], $0xffff  }
0x81: {  	v52 =	vor.u32 s5, v2;
	_ =	sdelay $0x3  }
0x82: {  	[tilespmem:v7+s19+$0x0] =	vst.idx.msk $0xffff, v6  }
0x83: {  	v7 =	vor.u32 s7, v2;
	v6 =	vld.idx.msk [tilespmem:v52+s14+$0x0], $0xffff  }
0x84: {  	v53 =	vor.u32 s5, v3;
	_ =	sdelay $0x3  }
0x85: {  	[tilespmem:v7+s19+$0x0] =	vst.idx.msk $0xffff, v6  }
0x86: {  	v7 =	vor.u32 s7, v3;
	v6 =	vld.idx.msk [tilespmem:v53+s14+$0x0], $0xffff;
	_ =	sdelay $0x2  }
0x87: {  	s1 =	spop (v2sf)  }
0x88: {  	s20 =	sand.u32 $0xFFFFF80, s1  }
0x89: {  	[dreg:$0x9] =	wrdreg s1;
	s5 =	sadd.s32 s29, s20;
	[tilespmem:v7+s19+$0x0] =	vst.idx.msk $0xffff, v6  }
0x8a: {  	[tilespmem:s14], [sflag:$0x4] =	stream.strided.gather [hbm4b:s5+s10], $0x2000, s22, s10, $0x38;
	[tilespmem:$0x12200] =	vst v63  }
0x8b: {  	_ =	swait.ge [sflag:s26], $0x2000  }
0x8c: {  	(v2sf) =	vpush v5, $0x4;
	_ =	sdelay $0xe  }
0x8d: {  	s28 =	spop (v2sf)  }
0x8e: {  	s5 =	sand.u32 $0x7F, s28  }
0x8f: {  	v6 =	vor.u32 s5, v0;
	_ =	sdelay $0x2  }
0x90: {  	[sflag:s26] =	ssyncset.done $0x0  }
0x91: {  	s15 =	simm.s32 $0x8200;
	s1 =	sor.u32 $0x4, s0;
	[sflag:s26] =	ssyncadd.s32 $0xFFFFE000  }
0x92: {  	v7 =	vor.u32 s1, v0;
	v6 =	vld.idx.msk [tilespmem:v6+s15+$0x0], $0xffff  }
0x93: {  	v54 =	vor.u32 s5, v1;
	_ =	sdelay $0x3  }
0x94: {  	[tilespmem:v7+s19+$0x0] =	vst.idx.msk $0xffff, v6  }
0x95: {  	(v2sf) =	vpush v5, $0xC;
	v7 =	vor.u32 s1, v1;
	v6 =	vld.idx.msk [tilespmem:v54+s15+$0x0], $0xffff  }
0x96: {  	v55 =	vor.u32 s5, v2;
	_ =	sdelay $0x3  }
0x97: {  	[tilespmem:v7+s19+$0x0] =	vst.idx.msk $0xffff, v6  }
0x98: {  	v7 =	vor.u32 s1, v2;
	v6 =	vld.idx.msk [tilespmem:v55+s15+$0x0], $0xffff  }
0x99: {  	v56 =	vor.u32 s5, v3;
	_ =	sdelay $0x3  }
0x9a: {  	[tilespmem:v7+s19+$0x0] =	vst.idx.msk $0xffff, v6  }
0x9b: {  	v7 =	vor.u32 s1, v3;
	v6 =	vld.idx.msk [tilespmem:v56+s15+$0x0], $0xffff;
	_ =	sdelay $0x2  }
0x9c: {  	s28 =	spop (v2sf)  }
0x9d: {  	s2 =	sand.u32 $0xFFFFF80, s28  }
0x9e: {  	s5 =	sadd.s32 s29, s2;
	s1 =	simm.s32 $0x6;
	[tilespmem:v7+s19+$0x0] =	vst.idx.msk $0xffff, v6  }
0x9f: {  	[tilespmem:s15], [sflag:$0x5] =	stream.strided.gather [hbm4b:s5+s10], $0x2000, s22, s10, $0x38;
	[tilespmem:$0x12200] =	vst v63  }
0xa0: {  	_ =	swait.ge [sflag:s1], $0x2000  }
0xa1: {  	(v2sf) =	vpush v5, $0x5;
	_ =	sdelay $0xe  }
0xa2: {  	s7 =	spop (v2sf)  }
0xa3: {  	s5 =	sand.u32 $0x7F, s7  }
0xa4: {  	v6 =	vor.u32 s5, v0;
	_ =	sdelay $0x2  }
0xa5: {  	[sflag:s1] =	ssyncset.done $0x0  }
0xa6: {  	s9 =	sor.u32 $0x5, s0;
	[sflag:s1] =	ssyncadd.s32 $0xFFFFE000  }
0xa7: {  	v7 =	vor.u32 s9, v0;
	v6 =	vld.idx.msk [tilespmem:v6+s16+$0x0], $0xffff  }
0xa8: {  	v57 =	vor.u32 s5, v1;
	_ =	sdelay $0x3  }
0xa9: {  	[tilespmem:v7+s19+$0x0] =	vst.idx.msk $0xffff, v6  }
0xaa: {  	(v2sf) =	vpush v5, $0xD;
	v7 =	vor.u32 s9, v1;
	v6 =	vld.idx.msk [tilespmem:v57+s16+$0x0], $0xffff  }
0xab: {  	v58 =	vor.u32 s5, v2;
	_ =	sdelay $0x3  }
0xac: {  	[tilespmem:v7+s19+$0x0] =	vst.idx.msk $0xffff, v6  }
0xad: {  	v7 =	vor.u32 s9, v2;
	v6 =	vld.idx.msk [tilespmem:v58+s16+$0x0], $0xffff  }
0xae: {  	v59 =	vor.u32 s5, v3;
	_ =	sdelay $0x3  }
0xaf: {  	[tilespmem:v7+s19+$0x0] =	vst.idx.msk $0xffff, v6  }
0xb0: {  	v7 =	vor.u32 s9, v3;
	v6 =	vld.idx.msk [tilespmem:v59+s16+$0x0], $0xffff;
	_ =	sdelay $0x2  }
0xb1: {  	s5 =	spop (v2sf)  }
0xb2: {  	s18 =	sand.u32 $0xFFFFF80, s5  }
0xb3: {  	s7 =	sadd.s32 s29, s18;
	s9 =	simm.s32 $0x7;
	[tilespmem:v7+s19+$0x0] =	vst.idx.msk $0xffff, v6  }
0xb4: {  	[tilespmem:s16], [sflag:$0x6] =	stream.strided.gather [hbm4b:s7+s10], $0x2000, s22, s10, $0x38;
	[tilespmem:$0x12200] =	vst v63  }
0xb5: {  	_ =	swait.ge [sflag:s9], $0x2000  }
0xb6: {  	(v2sf) =	vpush v5, $0x6;
	_ =	sdelay $0xe  }
0xb7: {  	s20 =	spop (v2sf)  }
0xb8: {  	s7 =	sand.u32 $0x7F, s20  }
0xb9: {  	v6 =	vor.u32 s7, v0;
	_ =	sdelay $0x2  }
0xba: {  	[sflag:s9] =	ssyncset.done $0x0  }
0xbb: {  	s18 =	sor.u32 $0x6, s0;
	[sflag:s9] =	ssyncadd.s32 $0xFFFFE000  }
0xbc: {  	v7 =	vor.u32 s18, v0;
	v6 =	vld.idx.msk [tilespmem:v6+s17+$0x0], $0xffff  }
0xbd: {  	v60 =	vor.u32 s7, v1;
	_ =	sdelay $0x3  }
0xbe: {  	[tilespmem:v7+s19+$0x0] =	vst.idx.msk $0xffff, v6  }
0xbf: {  	(v2sf) =	vpush v5, $0xE;
	v7 =	vor.u32 s18, v1;
	v6 =	vld.idx.msk [tilespmem:v60+s17+$0x0], $0xffff  }
0xc0: {  	v61 =	vor.u32 s7, v2;
	_ =	sdelay $0x3  }
0xc1: {  	[tilespmem:v7+s19+$0x0] =	vst.idx.msk $0xffff, v6  }
0xc2: {  	v7 =	vor.u32 s18, v2;
	v6 =	vld.idx.msk [tilespmem:v61+s17+$0x0], $0xffff  }
0xc3: {  	v62 =	vor.u32 s7, v3;
	_ =	sdelay $0x3  }
0xc4: {  	[tilespmem:v7+s19+$0x0] =	vst.idx.msk $0xffff, v6  }
0xc5: {  	v7 =	vor.u32 s18, v3;
	v6 =	vld.idx.msk [tilespmem:v62+s17+$0x0], $0xffff;
	_ =	sdelay $0x2  }
0xc6: {  	s7 =	spop (v2sf)  }
0xc7: {  	s2 =	sand.u32 $0xFFFFF80, s7  }
0xc8: {  	s18 =	sadd.s32 s29, s2;
	[tilespmem:v7+s19+$0x0] =	vst.idx.msk $0xffff, v6  }
0xc9: {  	[tilespmem:s17], [sflag:$0x7] =	stream.strided.gather [hbm4b:s18+s10], $0x2000, s22, s10, $0x38;
	[tilespmem:$0x12200] =	vst v63  }
0xca: {  	_ =	swait.ge [sflag:s8], $0x2000  }
0xcb: {  	(v2sf) =	vpush v5, $0x7;
	_ =	sdelay $0xe  }
0xcc: {  	s20 =	spop (v2sf)  }
0xcd: {  	s18 =	sand.u32 $0x7F, s20  }
0xce: {  	v6 =	vor.u32 s18, v0;
	_ =	sdelay $0x2  }
0xcf: {  	[sflag:s8] =	ssyncset.done $0x0  }
0xd0: {  	s2 =	simm.s32 $0xE200;
	[sflag:s8] =	ssyncadd.s32 $0xFFFFE000;
	s20 =	sor.u32 $0x7, s0  }
0xd1: {  	v7 =	vor.u32 s20, v0;
	v6 =	vld.idx.msk [tilespmem:v6+s2+$0x0], $0xffff  }
0xd2: {  	v63 =	vor.u32 s18, v1;
	_ =	sdelay $0x3  }
0xd3: {  	[tilespmem:v7+s19+$0x0] =	vst.idx.msk $0xffff, v6  }
0xd4: {  	(v2sf) =	vpush v5, $0xF;
	v7 =	vor.u32 s20, v1;
	v6 =	vld.idx.msk [tilespmem:v63+s2+$0x0], $0xffff  }
0xd5: {  	v5 =	vor.u32 s18, v2;
	_ =	sdelay $0x3  }
0xd6: {  	[tilespmem:v7+s19+$0x0] =	vst.idx.msk $0xffff, v6  }
0xd7: {  	v6 =	vor.u32 s20, v2;
	v5 =	vld.idx.msk [tilespmem:v5+s2+$0x0], $0xffff  }
0xd8: {  	v7 =	vor.u32 s18, v3;
	_ =	sdelay $0x3  }
0xd9: {  	[tilespmem:v6+s19+$0x0] =	vst.idx.msk $0xffff, v5  }
0xda: {  	v6 =	vor.u32 s20, v3;
	v5 =	vld.idx.msk [tilespmem:v7+s2+$0x0], $0xffff;
	_ =	sdelay $0x2  }
0xdb: {  	s18 =	spop (v2sf)  }
0xdc: {  	s6 =	sand.u32 $0x7F, s6;
	s20 =	sand.u32 $0xFFFFF80, s18  }
0xdd: {  	s20 =	sadd.s32 s29, s20;
	[tilespmem:v6+s19+$0x0] =	vst.idx.msk $0xffff, v5;
	v5 =	vor.u32 s6, v0  }
0xde: {  	[tilespmem:s2], [sflag:$0x8] =	stream.strided.gather [hbm4b:s20+s10], $0x2000, s22, s10, $0x38;
	[tilespmem:$0x12200] =	vst v63  }
0xdf: {  	_ =	swait.ge [sflag:s21], $0x2000  }
0xe0: {  	[sflag:s21] =	ssyncset.done $0x0  }
0xe1: {  	s22 =	sor.u32 $0x8, s0;
	[sflag:s21] =	ssyncadd.s32 $0xFFFFE000  }
0xe2: {  	v6 =	vor.u32 s22, v0;
	v5 =	vld.idx.msk [tilespmem:v5+s11+$0x0], $0xffff  }
0xe3: {  	v7 =	vor.u32 s6, v1;
	_ =	sdelay $0x2  }
0xe4: {  	p0 =	seq.s32 s31, $0x1F0  }
0xe5: {  	(v2sf) =	vpush @!p0 v4, $0x0;
	[tilespmem:v6+s19+$0x0] =	vst.idx.msk $0xffff, v5  }
0xe6: {  	v6 =	vor.u32 s22, v1;
	v5 =	vld.idx.msk [tilespmem:v7+s11+$0x0], $0xffff  }
0xe7: {  	v7 =	vor.u32 s6, v2;
	_ =	sdelay $0x3  }
0xe8: {  	[tilespmem:v6+s19+$0x0] =	vst.idx.msk $0xffff, v5  }
0xe9: {  	v6 =	vor.u32 s22, v2;
	v5 =	vld.idx.msk [tilespmem:v7+s11+$0x0], $0xffff  }
0xea: {  	v7 =	vor.u32 s6, v3;
	_ =	sdelay $0x3  }
0xeb: {  	[tilespmem:v6+s19+$0x0] =	vst.idx.msk $0xffff, v5  }
0xec: {  	v6 =	vor.u32 s22, v3;
	v5 =	vld.idx.msk [tilespmem:v7+s11+$0x0], $0xffff;
	_ =	sdelay $0x1  }
0xed: {  	s6 =	spop @!p0 (v2sf)  }
0xee: {  	s6 =	sand.u32 @!p0 $0xFFFFF80, s6  }
0xef: {  	s20 =	sadd.s32 @!p0 s29, s6;
	s11 =	sand.u32 $0x7F, s3  }
0xf0: {  	s6 =	simm.s32 @!p0 $0x7A1400;
	s22 =	simm.s32 @!p0 $0x200;
	s3 =	simm.s32 @!p0 $0x400;
	[tilespmem:v6+s19+$0x0] =	vst.idx.msk $0xffff, v5;
	v5 =	vor.u32 s11, v0  }
0xf1: {  	[tilespmem:s22], [sflag:$0x1] =	stream.strided.gather @!p0 [hbm4b:s20+s3], $0x2000, s6, s3, $0x38;
	[tilespmem:$0x12200] =	vst v63  }
0xf2: {  	_ =	swait.ge [sflag:s23], $0x2000  }
0xf3: {  	[sflag:s23] =	ssyncset.done $0x0  }
0xf4: {  	s22 =	sor.u32 $0x9, s0;
	[sflag:s23] =	ssyncadd.s32 $0xFFFFE000  }
0xf5: {  	v6 =	vor.u32 s22, v0;
	v5 =	vld.idx.msk [tilespmem:v5+s12+$0x0], $0xffff  }
0xf6: {  	v7 =	vor.u32 s11, v1;
	_ =	sdelay $0x3  }
0xf7: {  	[tilespmem:v6+s19+$0x0] =	vst.idx.msk $0xffff, v5  }
0xf8: {  	(v2sf) =	vpush @!p0 v4, $0x1;
	v6 =	vor.u32 s22, v1;
	v5 =	vld.idx.msk [tilespmem:v7+s12+$0x0], $0xffff  }
0xf9: {  	v7 =	vor.u32 s11, v2;
	_ =	sdelay $0x3  }
0xfa: {  	[tilespmem:v6+s19+$0x0] =	vst.idx.msk $0xffff, v5  }
0xfb: {  	v6 =	vor.u32 s22, v2;
	v5 =	vld.idx.msk [tilespmem:v7+s12+$0x0], $0xffff  }
0xfc: {  	v7 =	vor.u32 s11, v3;
	_ =	sdelay $0x3  }
0xfd: {  	[tilespmem:v6+s19+$0x0] =	vst.idx.msk $0xffff, v5  }
0xfe: {  	v6 =	vor.u32 s22, v3;
	v5 =	vld.idx.msk [tilespmem:v7+s12+$0x0], $0xffff;
	_ =	sdelay $0x2  }
0xff: {  	s20 =	spop @!p0 (v2sf)  }
0x100: {  	s4 =	sand.u32 $0x7F, s4;
	s20 =	sand.u32 @!p0 $0xFFFFF80, s20  }
0x101: {  	s21 =	simm.s32 @!p0 $0x2200;
	s20 =	sadd.s32 @!p0 s29, s20;
	[tilespmem:v6+s19+$0x0] =	vst.idx.msk $0xffff, v5;
	v5 =	vor.u32 s4, v0  }
0x102: {  	[tilespmem:s21], [sflag:$0x2] =	stream.strided.gather @!p0 [hbm4b:s20+s3], $0x2000, s6, s3, $0x38;
	[tilespmem:$0x12200] =	vst v63  }
0x103: {  	_ =	swait.ge [sflag:s24], $0x2000  }
0x104: {  	[sflag:s24] =	ssyncset.done $0x0  }
0x105: {  	s21 =	sor.u32 $0xA, s0;
	[sflag:s24] =	ssyncadd.s32 $0xFFFFE000  }
0x106: {  	v6 =	vor.u32 s21, v0;
	v5 =	vld.idx.msk [tilespmem:v5+s13+$0x0], $0xffff  }
0x107: {  	v7 =	vor.u32 s4, v1;
	_ =	sdelay $0x3  }
0x108: {  	[tilespmem:v6+s19+$0x0] =	vst.idx.msk $0xffff, v5  }
0x109: {  	(v2sf) =	vpush @!p0 v4, $0x2;
	v6 =	vor.u32 s21, v1;
	v5 =	vld.idx.msk [tilespmem:v7+s13+$0x0], $0xffff  }
0x10a: {  	v7 =	vor.u32 s4, v2;
	_ =	sdelay $0x3  }
0x10b: {  	[tilespmem:v6+s19+$0x0] =	vst.idx.msk $0xffff, v5  }
0x10c: {  	v6 =	vor.u32 s21, v2;
	v5 =	vld.idx.msk [tilespmem:v7+s13+$0x0], $0xffff  }
0x10d: {  	v7 =	vor.u32 s4, v3;
	_ =	sdelay $0x3  }
0x10e: {  	[tilespmem:v6+s19+$0x0] =	vst.idx.msk $0xffff, v5  }
0x10f: {  	v6 =	vor.u32 s21, v3;
	v5 =	vld.idx.msk [tilespmem:v7+s13+$0x0], $0xffff;
	_ =	sdelay $0x2  }
0x110: {  	s22 =	rddreg [dreg:$0x9];
	s4 =	spop @!p0 (v2sf)  }
0x111: {  	s4 =	sand.u32 @!p0 $0xFFFFF80, s4;
	s13 =	sand.u32 $0x7F, s22  }
0x112: {  	s4 =	sadd.s32 @!p0 s29, s4;
	s21 =	simm.s32 @!p0 $0x4200;
	[tilespmem:v6+s19+$0x0] =	vst.idx.msk $0xffff, v5;
	v5 =	vor.u32 s13, v0  }
0x113: {  	[tilespmem:s21], [sflag:$0x3] =	stream.strided.gather @!p0 [hbm4b:s4+s3], $0x2000, s6, s3, $0x38;
	[tilespmem:$0x12200] =	vst v63  }
0x114: {  	_ =	swait.ge [sflag:s25], $0x2000  }
0x115: {  	[sflag:s25] =	ssyncset.done $0x0  }
0x116: {  	s21 =	sor.u32 $0xB, s0;
	[sflag:s25] =	ssyncadd.s32 $0xFFFFE000  }
0x117: {  	v6 =	vor.u32 s21, v0;
	v5 =	vld.idx.msk [tilespmem:v5+s14+$0x0], $0xffff  }
0x118: {  	v7 =	vor.u32 s13, v1;
	_ =	sdelay $0x3  }
0x119: {  	[tilespmem:v6+s19+$0x0] =	vst.idx.msk $0xffff, v5  }
0x11a: {  	(v2sf) =	vpush @!p0 v4, $0x3;
	v6 =	vor.u32 s21, v1;
	v5 =	vld.idx.msk [tilespmem:v7+s14+$0x0], $0xffff  }
0x11b: {  	v7 =	vor.u32 s13, v2;
	_ =	sdelay $0x3  }
0x11c: {  	[tilespmem:v6+s19+$0x0] =	vst.idx.msk $0xffff, v5  }
0x11d: {  	v6 =	vor.u32 s21, v2;
	v5 =	vld.idx.msk [tilespmem:v7+s14+$0x0], $0xffff  }
0x11e: {  	v7 =	vor.u32 s13, v3;
	_ =	sdelay $0x3  }
0x11f: {  	[tilespmem:v6+s19+$0x0] =	vst.idx.msk $0xffff, v5  }
0x120: {  	v6 =	vor.u32 s21, v3;
	v5 =	vld.idx.msk [tilespmem:v7+s14+$0x0], $0xffff;
	_ =	sdelay $0x2  }
0x121: {  	s4 =	spop @!p0 (v2sf)  }
0x122: {  	s22 =	sand.u32 $0x7F, s28;
	s4 =	sand.u32 @!p0 $0xFFFFF80, s4  }
0x123: {  	s4 =	sadd.s32 @!p0 s29, s4;
	s21 =	simm.s32 @!p0 $0x6200;
	[tilespmem:v6+s19+$0x0] =	vst.idx.msk $0xffff, v5;
	v5 =	vor.u32 s22, v0  }
0x124: {  	[tilespmem:s21], [sflag:$0x4] =	stream.strided.gather @!p0 [hbm4b:s4+s3], $0x2000, s6, s3, $0x38;
	[tilespmem:$0x12200] =	vst v63  }
0x125: {  	_ =	swait.ge [sflag:s26], $0x2000  }
0x126: {  	[sflag:s26] =	ssyncset.done $0x0  }
0x127: {  	s28 =	sor.u32 $0xC, s0;
	[sflag:s26] =	ssyncadd.s32 $0xFFFFE000  }
0x128: {  	v6 =	vor.u32 s28, v0;
	v5 =	vld.idx.msk [tilespmem:v5+s15+$0x0], $0xffff  }
0x129: {  	v7 =	vor.u32 s22, v1;
	_ =	sdelay $0x3  }
0x12a: {  	[tilespmem:v6+s19+$0x0] =	vst.idx.msk $0xffff, v5  }
0x12b: {  	(v2sf) =	vpush @!p0 v4, $0x4;
	v6 =	vor.u32 s28, v1;
	v5 =	vld.idx.msk [tilespmem:v7+s15+$0x0], $0xffff  }
0x12c: {  	v7 =	vor.u32 s22, v2;
	_ =	sdelay $0x3  }
0x12d: {  	[tilespmem:v6+s19+$0x0] =	vst.idx.msk $0xffff, v5  }
0x12e: {  	v6 =	vor.u32 s28, v2;
	v5 =	vld.idx.msk [tilespmem:v7+s15+$0x0], $0xffff  }
0x12f: {  	v7 =	vor.u32 s22, v3;
	_ =	sdelay $0x3  }
0x130: {  	[tilespmem:v6+s19+$0x0] =	vst.idx.msk $0xffff, v5  }
0x131: {  	v6 =	vor.u32 s28, v3;
	v5 =	vld.idx.msk [tilespmem:v7+s15+$0x0], $0xffff;
	_ =	sdelay $0x2  }
0x132: {  	s4 =	spop @!p0 (v2sf)  }
0x133: {  	s5 =	sand.u32 $0x7F, s5;
	s4 =	sand.u32 @!p0 $0xFFFFF80, s4  }
0x134: {  	s20 =	simm.s32 @!p0 $0x8200;
	s4 =	sadd.s32 @!p0 s29, s4;
	[tilespmem:v6+s19+$0x0] =	vst.idx.msk $0xffff, v5;
	v5 =	vor.u32 s5, v0  }
0x135: {  	[tilespmem:s20], [sflag:$0x5] =	stream.strided.gather @!p0 [hbm4b:s4+s3], $0x2000, s6, s3, $0x38;
	[tilespmem:$0x12200] =	vst v63  }
0x136: {  	_ =	swait.ge [sflag:s1], $0x2000  }
0x137: {  	[sflag:s1] =	ssyncset.done $0x0  }
0x138: {  	s20 =	sor.u32 $0xD, s0;
	[sflag:s1] =	ssyncadd.s32 $0xFFFFE000  }
0x139: {  	v6 =	vor.u32 s20, v0;
	v5 =	vld.idx.msk [tilespmem:v5+s16+$0x0], $0xffff  }
0x13a: {  	v7 =	vor.u32 s5, v1;
	_ =	sdelay $0x3  }
0x13b: {  	[tilespmem:v6+s19+$0x0] =	vst.idx.msk $0xffff, v5  }
0x13c: {  	(v2sf) =	vpush @!p0 v4, $0x5;
	v6 =	vor.u32 s20, v1;
	v5 =	vld.idx.msk [tilespmem:v7+s16+$0x0], $0xffff  }
0x13d: {  	v7 =	vor.u32 s5, v2;
	_ =	sdelay $0x3  }
0x13e: {  	[tilespmem:v6+s19+$0x0] =	vst.idx.msk $0xffff, v5  }
0x13f: {  	v6 =	vor.u32 s20, v2;
	v5 =	vld.idx.msk [tilespmem:v7+s16+$0x0], $0xffff  }
0x140: {  	v7 =	vor.u32 s5, v3;
	_ =	sdelay $0x3  }
0x141: {  	[tilespmem:v6+s19+$0x0] =	vst.idx.msk $0xffff, v5  }
0x142: {  	v6 =	vor.u32 s20, v3;
	v5 =	vld.idx.msk [tilespmem:v7+s16+$0x0], $0xffff;
	_ =	sdelay $0x2  }
0x143: {  	s4 =	spop @!p0 (v2sf)  }
0x144: {  	s21 =	sand.u32 $0x7F, s7;
	s4 =	sand.u32 @!p0 $0xFFFFF80, s4  }
0x145: {  	s7 =	simm.s32 @!p0 $0xA200;
	s4 =	sadd.s32 @!p0 s29, s4;
	[tilespmem:v6+s19+$0x0] =	vst.idx.msk $0xffff, v5;
	v5 =	vor.u32 s21, v0  }
0x146: {  	[tilespmem:s7], [sflag:$0x6] =	stream.strided.gather @!p0 [hbm4b:s4+s3], $0x2000, s6, s3, $0x38;
	[tilespmem:$0x12200] =	vst v63  }
0x147: {  	_ =	swait.ge [sflag:s9], $0x2000  }
0x148: {  	[sflag:s9] =	ssyncset.done $0x0  }
0x149: {  	s22 =	sor.u32 $0xE, s0;
	[sflag:s9] =	ssyncadd.s32 $0xFFFFE000  }
0x14a: {  	v6 =	vor.u32 s22, v0;
	v5 =	vld.idx.msk [tilespmem:v5+s17+$0x0], $0xffff  }
0x14b: {  	v7 =	vor.u32 s21, v1;
	_ =	sdelay $0x3  }
0x14c: {  	[tilespmem:v6+s19+$0x0] =	vst.idx.msk $0xffff, v5  }
0x14d: {  	(v2sf) =	vpush @!p0 v4, $0x6;
	v6 =	vor.u32 s22, v1;
	v5 =	vld.idx.msk [tilespmem:v7+s17+$0x0], $0xffff  }
0x14e: {  	v7 =	vor.u32 s21, v2;
	_ =	sdelay $0x3  }
0x14f: {  	[tilespmem:v6+s19+$0x0] =	vst.idx.msk $0xffff, v5  }
0x150: {  	v6 =	vor.u32 s22, v2;
	v5 =	vld.idx.msk [tilespmem:v7+s17+$0x0], $0xffff  }
0x151: {  	v7 =	vor.u32 s21, v3;
	_ =	sdelay $0x3  }
0x152: {  	[tilespmem:v6+s19+$0x0] =	vst.idx.msk $0xffff, v5  }
0x153: {  	v6 =	vor.u32 s22, v3;
	v5 =	vld.idx.msk [tilespmem:v7+s17+$0x0], $0xffff;
	_ =	sdelay $0x2  }
0x154: {  	s4 =	spop @!p0 (v2sf)  }
0x155: {  	s28 =	sand.u32 $0x7F, s18;
	s4 =	sand.u32 @!p0 $0xFFFFF80, s4  }
0x156: {  	s7 =	simm.s32 @!p0 $0xC200;
	s4 =	sadd.s32 @!p0 s29, s4;
	[tilespmem:v6+s19+$0x0] =	vst.idx.msk $0xffff, v5;
	v5 =	vor.u32 s28, v0  }
0x157: {  	[tilespmem:s7], [sflag:$0x7] =	stream.strided.gather @!p0 [hbm4b:s4+s3], $0x2000, s6, s3, $0x38;
	[tilespmem:$0x12200] =	vst v63  }
0x158: {  	_ =	swait.ge [sflag:s8], $0x2000  }
0x159: {  	[sflag:s8] =	ssyncset.done $0x0  }
0x15a: {  	s0 =	sor.u32 $0xF, s0;
	[sflag:s8] =	ssyncadd.s32 $0xFFFFE000  }
0x15b: {  	v6 =	vor.u32 s0, v0;
	v5 =	vld.idx.msk [tilespmem:v5+s2+$0x0], $0xffff  }
0x15c: {  	v7 =	vor.u32 s28, v1;
	_ =	sdelay $0x3  }
0x15d: {  	[tilespmem:v6+s19+$0x0] =	vst.idx.msk $0xffff, v5  }
0x15e: {  	(v2sf) =	vpush @!p0 v4, $0x7;
	v6 =	vor.u32 s0, v1;
	v5 =	vld.idx.msk [tilespmem:v7+s2+$0x0], $0xffff  }
0x15f: {  	v7 =	vor.u32 s28, v2;
	_ =	sdelay $0x3  }
0x160: {  	[tilespmem:v6+s19+$0x0] =	vst.idx.msk $0xffff, v5  }
0x161: {  	v6 =	vor.u32 s0, v2;
	v5 =	vld.idx.msk [tilespmem:v7+s2+$0x0], $0xffff  }
0x162: {  	v7 =	vor.u32 s28, v3;
	_ =	sdelay $0x3  }
0x163: {  	[tilespmem:v6+s19+$0x0] =	vst.idx.msk $0xffff, v5  }
0x164: {  	v6 =	vor.u32 s0, v3;
	v5 =	vld.idx.msk [tilespmem:v7+s2+$0x0], $0xffff;
	_ =	sdelay $0x2  }
0x165: {  	s0 =	spop @!p0 (v2sf)  }
0x166: {  	s0 =	sand.u32 @!p0 $0xFFFFF80, s0  }
0x167: {  	s4 =	simm.s32 @!p0 $0xE200;
	s0 =	sadd.s32 @!p0 s29, s0;
	[tilespmem:v6+s19+$0x0] =	vst.idx.msk $0xffff, v5  }
0x168: {  	[tilespmem:s4], [sflag:$0x8] =	stream.strided.gather @!p0 [hbm4b:s0+s3], $0x2000, s6, s3, $0x38;
	[tilespmem:$0x12200] =	vst v63  }
0x169: {  	s0 =	rddreg [dreg:$0x8]  }
0x16a: {  	p1 =	sne.s32 @!p0 s0, $0x7  }
0x16b: {  	p0 =	por p0, !p1  }
0x16c: {  	s0 =	sand.u32 @p0 $0x180, s31;
	s1 =	rddreg @p0 [dreg:$0x5]  }
0x16d: {  	s2 =	simm.s32 @p0 $0x20000;
	s0 =	sadd.s32 @p0 s0, s1;
	s1 =	simm.s32 @p0 $0x400  }
0x16e: {  	[hbm4b:s0+s1] =	stream.strided.scatter @p0 [tilespmem:s19], [sflag:$0x9], $0x2000, s2, s1, $0x38;
	[tilespmem:$0x12200] =	vst v63  }
0x16f: {  	s0 =	simm.s32 @p0 $0x9  }
0x170: {  	_ =	swait.ge @p0 [sflag:s0], $0x2000  }
0x171: {  	s31 =	sadd.s32 $0x10, s31;
	[sflag:s0] =	ssyncset.done @p0 $0x0  }
0x172: {  	[sflag:s0] =	ssyncadd.s32 @p0 $0xFFFFE000;
	p0 =	sne.s32 s31, $0x200  }
.Ltmp0:
0x173: {  	_ = 	snop;
	(pc) =	sbr.rel @p0 .LBB2_2-.Ltmp0, $4  }
0x174: {  	_ = 	snop  }
0x175: {  	s30 =	sadd.s32 $0x1, s30;
	s10 =	simm.s32 $0x200;
	s11 =	simm.s32 $0x2200  }
0x176: {  	s12 =	simm.s32 $0x4200;
	s13 =	simm.s32 $0x6200;
	s14 =	simm.s32 $0x8200  }
0x177: {  	s15 =	simm.s32 $0xA200;
	s5 =	simm.s32 $0xE200;
	s9 =	simm.s32 $0xC200  }
0x178: {  	s1 =	rddreg [dreg:$0x7]  }
0x179: {  	s0 =	rddreg [dreg:$0x6];
	s1 =	sadd.s32 $0x1, s1  }
0x17a: {  	p0 =	sne.s32 s1, s0  }
.Ltmp1:
0x17b: {  	_ = 	snop;
	(pc) =	sbr.rel @p0 .LBB2_1-.Ltmp1, $1  }
0x17c: {  	_ =	sdelay $0x3  }
0x17d: {  	_ =	sfence.sel $0x180000  }
0x17e: {  	[bflag:$0x0] =	sbarrier.arrive $0xFFFF  }
0x17f: {  	_ =	strace $0x90000047  }
0x180: {  	s0 =	stileid.u32;
	[bflag:$0x2] =	sbarrier.arrive $0xFFFF  }
0x181: {  	p0 =	sne.s32 s0, $0x0;
	s0 =	rddreg [dreg:$0x3]  }
0x182: {  	s0 =	sadd.s32 @!p0 $0x100000, s0  }
0x183: {  	[sflag:s0] =	ssyncadd.tile.s32 @!p0 $0x1;
	_ =	shalt  }
.Lfunc_end2:
_tile_overlayer_lowered:
.L_overlay_start_2:
0x184: {  	(tag) =	ssettag $0x2  }
0x185: {  	s0 =	rddreg [dreg:$0x0];
	s2 =	stileid.u32  }
0x186: {  	s1 =	rddreg [dreg:$0x1];
	p0 =	sne.s32 s2, $0x0  }
0x187: {  	s3 =	rddreg [dreg:$0x2];
	[bflag:$0x3] =	sbarrier.arrive $0xFFFF;
	s2 =	simm.s32 @!p0 $0x1C09  }
0x188: {  	[timem:s3], [sflag:s2] =	dma.local @!p0 [hbm:s0], s1  }
0x189: {  	s0 =	simm.s32 @!p0 $0x9  }
0x18a: {  	_ =	swait.ge @!p0 [sflag:s0], s1  }
0x18b: {  	s1 =	ssub.s32 @!p0 $0x0, s1;
	[sflag:s0] =	ssyncset.done @!p0 $0x0  }
0x18c: {  	[sflag:s0] =	ssyncadd.s32 @!p0 s1  }
0x18d: {  	[bflag:$0x3] =	sbarrier.arrive $0xFFFF  }
0x18e: {  	_ =	shalt  }

</sc_bundles>
